<compile_context>
chip_gen: v7x
topology: tpu7x:2x2x1
jax: 0.10.2.dev20260603
libtpu: 0.0.44.dev20260713+nightly
codegen_flags: <defaults>
</compile_context>

<pallas_src>
import functools

import jax
import jax.numpy as jnp
from jax import lax
from jax.experimental import pallas as pl
from jax.experimental.pallas import tpu as pltpu
from jax.experimental.pallas import tpu_sc as plsc

N = 10000
E = 320000
D = 128
H = 128
C = 64

NC = 2
NS = 16
NW = NC * NS
EW = E // NW
CHUNK = 128
NCHUNK = 80
EWP = NCHUNK * CHUNK
WIN = 8
NWIN = NCHUNK // WIN
NP = 10240
RPT = NP // NS

_MESH = plsc.VectorSubcoreMesh(
    core_axis_name="c", subcore_axis_name="s", num_cores=NC, num_subcores=NS)



@functools.partial(
    pl.kernel,
    out_type=jax.ShapeDtypeStruct((NC * NP,), jnp.float32),
    mesh=_MESH,
    scratch_types=[
        pltpu.VMEM((NCHUNK, CHUNK), jnp.int32),
        pltpu.VMEM((CHUNK,), jnp.float32),
        pltpu.VMEM_SHARED((NP,), jnp.float32),
    ],
)
def _deg_sc(dst_hbm, ones_hbm, zeros_hbm, out_hbm, idx_d, ones_v, acc):
    c = lax.axis_index("c")
    s = lax.axis_index("s")
    w = c * NS + s
    pltpu.sync_copy(ones_hbm, ones_v)
    pltpu.sync_copy(dst_hbm.at[pl.ds(w * NCHUNK, NCHUNK)], idx_d)
    pltpu.sync_copy(zeros_hbm.at[pl.ds(s * RPT, RPT)], acc.at[pl.ds(s * RPT, RPT)])
    plsc.subcore_barrier()

    def body(i, carry):
        pltpu.sync_copy(ones_v, acc.at[idx_d.at[i]], add=True)
        return carry

    lax.fori_loop(0, NCHUNK, body, 0)
    plsc.subcore_barrier()
    pltpu.sync_copy(acc.at[pl.ds(s * RPT, RPT)],
                    out_hbm.at[pl.ds(c * NP + s * RPT, RPT)])


@functools.partial(
    pl.kernel,
    out_type=jax.ShapeDtypeStruct((NC * NP, H), jnp.float32),
    mesh=_MESH,
    scratch_types=[
        pltpu.VMEM((2, WIN, CHUNK), jnp.int32),
        pltpu.VMEM((2, WIN, CHUNK), jnp.int32),
        pltpu.VMEM((2, CHUNK, H), jnp.float32),
        pltpu.VMEM_SHARED((NP, H), jnp.float32),
        pltpu.SemaphoreType.DMA,
        pltpu.SemaphoreType.DMA,
        pltpu.SemaphoreType.DMA,
        pltpu.SemaphoreType.DMA,
        pltpu.SemaphoreType.DMA,
        pltpu.SemaphoreType.DMA,
    ],
)
def _segsum_sc(g_hbm, src_hbm, dst_hbm, zeros_hbm, out_hbm,
               idx_s, idx_d, rows, acc, g0, g1, t0, t1, is_sem, id_sem):
    c = lax.axis_index("c")
    s = lax.axis_index("s")
    w = c * NS + s
    base = w * NCHUNK
    gsem = [g0, g1]
    ssem = [t0, t1]

    pltpu.sync_copy(src_hbm.at[pl.ds(base, WIN)], idx_s.at[0])
    pltpu.sync_copy(dst_hbm.at[pl.ds(base, WIN)], idx_d.at[0])
    pltpu.sync_copy(zeros_hbm.at[pl.ds(s * RPT, RPT)], acc.at[pl.ds(s * RPT, RPT)])
    plsc.subcore_barrier()

    pltpu.async_copy(g_hbm.at[idx_s.at[0, 0]], rows.at[0], g0)

    def win_body(wi, carry):
        par = lax.rem(wi, 2)
        nxt = 1 - par

        @pl.when(wi >= 1)
        def _():
            pltpu.make_async_copy(
                rows.at[1], acc.at[idx_d.at[nxt, WIN - 1]], ssem[1]).wait()

        @pl.when(wi + 1 < NWIN)
        def _():
            pltpu.async_copy(src_hbm.at[pl.ds(base + (wi + 1) * WIN, WIN)],
                             idx_s.at[nxt], is_sem)
            pltpu.async_copy(dst_hbm.at[pl.ds(base + (wi + 1) * WIN, WIN)],
                             idx_d.at[nxt], id_sem)

        pltpu.async_copy(g_hbm.at[idx_s.at[par, 1]], rows.at[1], gsem[1])
        pltpu.make_async_copy(
            g_hbm.at[idx_s.at[par, 0]], rows.at[0], gsem[0]).wait()
        pltpu.async_copy(rows.at[0], acc.at[idx_d.at[par, 0]], ssem[0],
                         add=True)

        for j in range(1, WIN):
            b = j % 2
            o = 1 - b
            pltpu.make_async_copy(
                rows.at[o], acc.at[idx_d.at[par, j - 1]], ssem[o]).wait()
            if j < WIN - 1:
                pltpu.async_copy(g_hbm.at[idx_s.at[par, j + 1]],
                                 rows.at[o], gsem[o])
            else:
                @pl.when(wi + 1 < NWIN)
                def _():
                    pltpu.async_copy(g_hbm.at[idx_s.at[nxt, 0]],
                                     rows.at[o], gsem[o])
            pltpu.make_async_copy(
                g_hbm.at[idx_s.at[par, j]], rows.at[b], gsem[b]).wait()
            pltpu.async_copy(rows.at[b], acc.at[idx_d.at[par, j]], ssem[b],
                             add=True)
            if j == WIN - 2:
                @pl.when(wi + 1 < NWIN)
                def _():
                    pltpu.make_async_copy(
                        src_hbm.at[pl.ds(base + (wi + 1) * WIN, WIN)],
                        idx_s.at[nxt], is_sem).wait()
                    pltpu.make_async_copy(
                        dst_hbm.at[pl.ds(base + (wi + 1) * WIN, WIN)],
                        idx_d.at[nxt], id_sem).wait()
        return carry

    lax.fori_loop(0, NWIN, win_body, 0)
    pltpu.make_async_copy(
        rows.at[1], acc.at[idx_d.at[lax.rem(NWIN - 1, 2), WIN - 1]],
        ssem[1]).wait()
    plsc.subcore_barrier()
    pltpu.sync_copy(acc.at[pl.ds(s * RPT, RPT)],
                    out_hbm.at[pl.ds(c * NP + s * RPT, RPT)])



RB = 1024
_P = lax.Precision.HIGHEST


def _dinv_of(degp_blk):
    deg = degp_blk[0] + degp_blk[1]
    return jnp.where(deg > 0.0, lax.rsqrt(deg), 0.0)[:, None]


def _fuse1_body(x_blk, degp_blk, wego, bego, w1, hego_out, g1_out):
    dinv = _dinv_of(degp_blk)
    xb = x_blk[...]
    hego_out[...] = jnp.maximum(
        jnp.dot(xb, wego[...], precision=_P) + bego[...], 0.0)
    g1_out[...] = dinv * jnp.dot(xb, w1[...], precision=_P)


def _fuse2_body(s1p_blk, degp_blk, b1, w2, h1_out, g2_out):
    dinv = _dinv_of(degp_blk)
    s1 = s1p_blk[0] + s1p_blk[1]
    h1 = jnp.maximum(dinv * s1 + b1[...], 0.0)
    h1_out[...] = h1
    g2_out[...] = dinv * jnp.dot(h1, w2[...], precision=_P)


def _fuse3_body(s2p_blk, degp_blk, b2, hego_blk, h1_blk, wc, bc, out_blk):
    dinv = _dinv_of(degp_blk)
    h2 = jnp.maximum(dinv * (s2p_blk[0] + s2p_blk[1]) + b2[...], 0.0)
    wcr = wc[...]
    out_blk[...] = (
        jnp.dot(hego_blk[...], wcr[0:H], precision=_P)
        + jnp.dot(h1_blk[...], wcr[H:2 * H], precision=_P)
        + jnp.dot(h2, wcr[2 * H:3 * H], precision=_P)
        + bc[...])


def _row_spec(width):
    return pl.BlockSpec((RB, width), lambda i: (i, 0))


def _part_spec(width):
    return pl.BlockSpec((2, RB, width), lambda i: (0, i, 0))


_DEG_SPEC = pl.BlockSpec((2, RB), lambda i: (0, i))


def _full_spec(shape):
    return pl.BlockSpec(shape, lambda i: tuple(0 for _ in shape))


_GRID = ((N + RB - 1) // RB,)

_fuse1 = pl.pallas_call(
    _fuse1_body,
    grid=_GRID,
    in_specs=[_row_spec(D), _DEG_SPEC, _full_spec((D, H)),
              _full_spec((1, H)), _full_spec((D, H))],
    out_specs=[_row_spec(H), _row_spec(H)],
    out_shape=[jax.ShapeDtypeStruct((N, H), jnp.float32),
               jax.ShapeDtypeStruct((N, H), jnp.float32)],
)

_fuse2 = pl.pallas_call(
    _fuse2_body,
    grid=_GRID,
    in_specs=[_part_spec(H), _DEG_SPEC, _full_spec((1, H)),
              _full_spec((H, H))],
    out_specs=[_row_spec(H), _row_spec(H)],
    out_shape=[jax.ShapeDtypeStruct((N, H), jnp.float32),
               jax.ShapeDtypeStruct((N, H), jnp.float32)],
)

_fuse3 = pl.pallas_call(
    _fuse3_body,
    grid=_GRID,
    in_specs=[_part_spec(H), _DEG_SPEC, _full_spec((1, H)),
              _row_spec(H), _row_spec(H), _full_spec((3 * H, C)),
              _full_spec((1, C))],
    out_specs=_row_spec(C),
    out_shape=jax.ShapeDtypeStruct((N, C), jnp.float32),
)


def kernel(x, edge_index, W_ego, b_ego, W1, b1, W2, b2, Wc, bc):
    npad = EWP - EW
    lane = jnp.arange(npad, dtype=jnp.int32)[None, :]
    tile = jnp.arange(NW, dtype=jnp.int32)[:, None]
    pad_src = (tile * npad + lane) % N
    pad_dst = N + (tile * 7 + lane) % (NP - N)
    src = jnp.concatenate([edge_index[0].reshape(NW, EW), pad_src],
                          axis=1).reshape(NW * NCHUNK, CHUNK)
    dst = jnp.concatenate([edge_index[1].reshape(NW, EW), pad_dst],
                          axis=1).reshape(NW * NCHUNK, CHUNK)
    zeros_nh = jnp.zeros((NP, H), jnp.float32)
    zeros_nd = jnp.zeros((NP,), jnp.float32)
    ones_cd = jnp.ones((CHUNK,), jnp.float32)

    degp = _deg_sc(dst, ones_cd, zeros_nd).reshape(NC, NP)
    hego, g1 = _fuse1(x, degp, W_ego, b_ego.reshape(1, H), W1)
    s1p = _segsum_sc(g1, src, dst, zeros_nh).reshape(NC, NP, H)
    h1, g2 = _fuse2(s1p, degp, b1.reshape(1, H), W2)
    s2p = _segsum_sc(g2, src, dst, zeros_nh).reshape(NC, NP, H)
    return _fuse3(s2p, degp, b2.reshape(1, H), hego, h1, Wc,
                  bc.reshape(1, C))

# --- scband reference (transcript-rebuilt; emitter-appended) ---
"""Pipeline reference for scband-h2-gcn-24481313587843 (READ-ONLY COPY).

The authoritative reference and input builder live on the scoring server;
editing this copy changes nothing except your own understanding.
"""

import jax, jax.numpy as jnp
import numpy as np

N, E, D, H, C = 10000, 320000, 128, 128, 64

def setup_inputs(seed: int = 0) -> dict:
    key = jax.random.key(seed)
    ks = jax.random.split(key, 12)
    x = jax.random.normal(ks[0], (N, D), dtype=jnp.float32)
    edge_index = jax.random.randint(ks[1], (2, E), 0, N, dtype=jnp.int32)
    s = 1.0 / np.sqrt(D)
    W_ego = jax.random.uniform(ks[2], (D, H), jnp.float32, -s, s)
    b_ego = jax.random.uniform(ks[3], (H,), jnp.float32, -s, s)
    W1 = jax.random.uniform(ks[4], (D, H), jnp.float32, -s, s)
    b1 = jax.random.uniform(ks[5], (H,), jnp.float32, -s, s)
    sh = 1.0 / np.sqrt(H)
    W2 = jax.random.uniform(ks[6], (H, H), jnp.float32, -sh, sh)
    b2 = jax.random.uniform(ks[7], (H,), jnp.float32, -sh, sh)
    sf = 1.0 / np.sqrt(H * 3)
    Wc = jax.random.uniform(ks[8], (H * 3, C), jnp.float32, -sf, sf)
    bc = jax.random.uniform(ks[9], (C,), jnp.float32, -sf, sf)
    return {"x": x, "edge_index": edge_index, "W_ego": W_ego, "b_ego": b_ego,
            "W1": W1, "b1": b1, "W2": W2, "b2": b2, "Wc": Wc, "bc": bc}

def _gcn_conv(h, W, b, edge_index, n_nodes):
    # PyG GCNConv with add_self_loops=False, symmetric normalization
    src = edge_index[0]
    dst = edge_index[1]
    hw = h @ W
    deg = jax.ops.segment_sum(jnp.ones(edge_index.shape[1], dtype=h.dtype), dst, num_segments=n_nodes)
    dinv = jnp.where(deg > 0, 1.0 / jnp.sqrt(deg), 0.0)
    norm = dinv[src] * dinv[dst]
    msg = norm[:, None] * jnp.take(hw, src, axis=0)
    out = jax.ops.segment_sum(msg, dst, num_segments=n_nodes)
    return out + b

def reference(x, edge_index, W_ego, b_ego, W1, b1, W2, b2, Wc, bc):
    n_nodes = x.shape[0]
    # eval mode: dropout is identity
    h_ego = jax.nn.relu(x @ W_ego + b_ego)
    h1 = jax.nn.relu(_gcn_conv(x, W1, b1, edge_index, n_nodes))
    h2 = jax.nn.relu(_gcn_conv(h1, W2, b2, edge_index, n_nodes))
    h_combined = jnp.concatenate([h_ego, h1, h2], axis=1)
    return h_combined @ Wc + bc

if __name__ == "__main__":
    import jax
    _d = setup_inputs()
    print(jax.jit(kernel)(*tuple(_d.values())))

</pallas_src>

<mosaic_0001>
#map = affine_map<(d0, d1) -> (0, 0)>
module attributes {stable_mosaic.version = 14 : i64} {
  func.func @_segsum_sc(%arg0: i32, %arg1: i32, %arg2: memref<10000x128xf32, #tpu.memory_space<hbm>>, %arg3: memref<2560x128xi32, #tpu.memory_space<hbm>>, %arg4: memref<2560x128xi32, #tpu.memory_space<hbm>>, %arg5: memref<10240x128xf32, #tpu.memory_space<hbm>>, %arg6: memref<20480x128xf32, #tpu.memory_space<hbm>>, %arg7: memref<2x8x128xi32, #tpu.memory_space<vmem>>, %arg8: memref<2x8x128xi32, #tpu.memory_space<vmem>>, %arg9: memref<2x128x128xf32, #tpu.memory_space<vmem>>, %arg10: memref<10240x128xf32, #tpu.memory_space<vmem_shared>>, %arg11: memref<!tpu.dma_semaphore, #tpu.memory_space<semaphore_mem>>, %arg12: memref<!tpu.dma_semaphore, #tpu.memory_space<semaphore_mem>>, %arg13: memref<!tpu.dma_semaphore, #tpu.memory_space<semaphore_mem>>, %arg14: memref<!tpu.dma_semaphore, #tpu.memory_space<semaphore_mem>>, %arg15: memref<!tpu.dma_semaphore, #tpu.memory_space<semaphore_mem>>, %arg16: memref<!tpu.dma_semaphore, #tpu.memory_space<semaphore_mem>>) attributes {dimension_semantics = [#tpu.dimension_semantics<core_parallel>, #tpu.dimension_semantics<subcore_parallel>], iteration_bounds = array<i64: 2, 16>, scalar_prefetch = 0 : i64, scratch_operands = 10 : i64, tpu.core_type = #tpu.core_type<sc_vector_subcore>, window_params = [{transform_indices = #map}, {transform_indices = #map}, {transform_indices = #map}, {transform_indices = #map}, {transform_indices = #map}]} {
    %mul3A = arith.constant 16 : i32
    %mul3A_0 = arith.muli %arg0, %mul3A : i32
    %add3A = arith.addi %mul3A_0, %arg1 : i32
    %mul3A_1 = arith.constant 80 : i32
    %mul3A_2 = arith.muli %add3A, %mul3A_1 : i32
    %run_scoped3A = arith.constant 0 : i32
    "tpu.region"() ({
      %run_scoped3A_46 = tpu.sem_alloc : memref<!tpu.dma_semaphore, #tpu.memory_space<semaphore_mem>>
      %dma_start3A_47 = arith.constant 0 : i32
      %dma_start3A_48 = arith.constant 0 : i32
      %dma_start3A_49 = tpu.memref_slice %arg7[%run_scoped3A, %dma_start3A_47, %dma_start3A_48] : memref<2x8x128xi32, #tpu.memory_space<vmem>> -> memref<1x8x128xi32, #tpu.memory_space<vmem>>
      %dma_start3A_50 = tpu.memref_squeeze %dma_start3A_49 : memref<1x8x128xi32, #tpu.memory_space<vmem>> -> memref<8x128xi32, #tpu.memory_space<vmem>>
      %dma_start3A_51 = arith.constant 0 : i32
      %dma_start3A_52 = tpu.memref_slice %arg3[%mul3A_2, %dma_start3A_51] : memref<2560x128xi32, #tpu.memory_space<hbm>> -> memref<8x128xi32, #tpu.memory_space<hbm>>
      %dma_start3A_53 = arith.constant 0 : i32
      %dma_start3A_54 = arith.constant 0 : i32
      %dma_start3A_55 = tpu.memref_slice %arg7[%run_scoped3A, %dma_start3A_53, %dma_start3A_54] : memref<2x8x128xi32, #tpu.memory_space<vmem>> -> memref<1x8x128xi32, #tpu.memory_space<vmem>>
      %dma_start3A_56 = tpu.memref_squeeze %dma_start3A_55 : memref<1x8x128xi32, #tpu.memory_space<vmem>> -> memref<8x128xi32, #tpu.memory_space<vmem>>
      %dma_start3A_57 = arith.constant 0 : i32
      %dma_start3A_58 = tpu.memref_slice %arg3[%mul3A_2, %dma_start3A_57] : memref<2560x128xi32, #tpu.memory_space<hbm>> -> memref<8x128xi32, #tpu.memory_space<hbm>>
      tpu.enqueue_dma source(%dma_start3A_58 : memref<8x128xi32, #tpu.memory_space<hbm>>) target(%dma_start3A_56 : memref<8x128xi32, #tpu.memory_space<vmem>>) target_semaphore(%run_scoped3A_46 : memref<!tpu.dma_semaphore, #tpu.memory_space<semaphore_mem>>)
      %dma_wait3A_59 = arith.constant 0 : i32
      %dma_wait3A_60 = arith.constant 0 : i32
      %dma_wait3A_61 = tpu.memref_slice %arg7[%run_scoped3A, %dma_wait3A_59, %dma_wait3A_60] : memref<2x8x128xi32, #tpu.memory_space<vmem>> -> memref<1x8x128xi32, #tpu.memory_space<vmem>>
      %dma_wait3A_62 = tpu.memref_squeeze %dma_wait3A_61 : memref<1x8x128xi32, #tpu.memory_space<vmem>> -> memref<8x128xi32, #tpu.memory_space<vmem>>
      %dma_wait3A_63 = arith.constant 0 : i32
      %dma_wait3A_64 = tpu.memref_slice %arg3[%mul3A_2, %dma_wait3A_63] : memref<2560x128xi32, #tpu.memory_space<hbm>> -> memref<8x128xi32, #tpu.memory_space<hbm>>
      %dma_wait3A_65 = arith.constant 0 : i32
      %dma_wait3A_66 = arith.constant 0 : i32
      %dma_wait3A_67 = tpu.memref_slice %arg7[%run_scoped3A, %dma_wait3A_65, %dma_wait3A_66] : memref<2x8x128xi32, #tpu.memory_space<vmem>> -> memref<1x8x128xi32, #tpu.memory_space<vmem>>
      %dma_wait3A_68 = tpu.memref_squeeze %dma_wait3A_67 : memref<1x8x128xi32, #tpu.memory_space<vmem>> -> memref<8x128xi32, #tpu.memory_space<vmem>>
      %dma_wait3A_69 = arith.constant 0 : i32
      %dma_wait3A_70 = tpu.memref_slice %arg3[%mul3A_2, %dma_wait3A_69] : memref<2560x128xi32, #tpu.memory_space<hbm>> -> memref<8x128xi32, #tpu.memory_space<hbm>>
      tpu.wait_dma2 semaphore(%run_scoped3A_46 : memref<!tpu.dma_semaphore, #tpu.memory_space<semaphore_mem>>) src(%dma_wait3A_70 : memref<8x128xi32, #tpu.memory_space<hbm>>) dst(%dma_wait3A_68 : memref<8x128xi32, #tpu.memory_space<vmem>>)
      tpu.yield
    }) : () -> ()
    %run_scoped3A_3 = arith.constant 0 : i32
    "tpu.region"() ({
      %run_scoped3A_46 = tpu.sem_alloc : memref<!tpu.dma_semaphore, #tpu.memory_space<semaphore_mem>>
      %dma_start3A_47 = arith.constant 0 : i32
      %dma_start3A_48 = arith.constant 0 : i32
      %dma_start3A_49 = tpu.memref_slice %arg8[%run_scoped3A_3, %dma_start3A_47, %dma_start3A_48] : memref<2x8x128xi32, #tpu.memory_space<vmem>> -> memref<1x8x128xi32, #tpu.memory_space<vmem>>
      %dma_start3A_50 = tpu.memref_squeeze %dma_start3A_49 : memref<1x8x128xi32, #tpu.memory_space<vmem>> -> memref<8x128xi32, #tpu.memory_space<vmem>>
      %dma_start3A_51 = arith.constant 0 : i32
      %dma_start3A_52 = tpu.memref_slice %arg4[%mul3A_2, %dma_start3A_51] : memref<2560x128xi32, #tpu.memory_space<hbm>> -> memref<8x128xi32, #tpu.memory_space<hbm>>
      %dma_start3A_53 = arith.constant 0 : i32
      %dma_start3A_54 = arith.constant 0 : i32
      %dma_start3A_55 = tpu.memref_slice %arg8[%run_scoped3A_3, %dma_start3A_53, %dma_start3A_54] : memref<2x8x128xi32, #tpu.memory_space<vmem>> -> memref<1x8x128xi32, #tpu.memory_space<vmem>>
      %dma_start3A_56 = tpu.memref_squeeze %dma_start3A_55 : memref<1x8x128xi32, #tpu.memory_space<vmem>> -> memref<8x128xi32, #tpu.memory_space<vmem>>
      %dma_start3A_57 = arith.constant 0 : i32
      %dma_start3A_58 = tpu.memref_slice %arg4[%mul3A_2, %dma_start3A_57] : memref<2560x128xi32, #tpu.memory_space<hbm>> -> memref<8x128xi32, #tpu.memory_space<hbm>>
      tpu.enqueue_dma source(%dma_start3A_58 : memref<8x128xi32, #tpu.memory_space<hbm>>) target(%dma_start3A_56 : memref<8x128xi32, #tpu.memory_space<vmem>>) target_semaphore(%run_scoped3A_46 : memref<!tpu.dma_semaphore, #tpu.memory_space<semaphore_mem>>)
      %dma_wait3A_59 = arith.constant 0 : i32
      %dma_wait3A_60 = arith.constant 0 : i32
      %dma_wait3A_61 = tpu.memref_slice %arg8[%run_scoped3A_3, %dma_wait3A_59, %dma_wait3A_60] : memref<2x8x128xi32, #tpu.memory_space<vmem>> -> memref<1x8x128xi32, #tpu.memory_space<vmem>>
      %dma_wait3A_62 = tpu.memref_squeeze %dma_wait3A_61 : memref<1x8x128xi32, #tpu.memory_space<vmem>> -> memref<8x128xi32, #tpu.memory_space<vmem>>
      %dma_wait3A_63 = arith.constant 0 : i32
      %dma_wait3A_64 = tpu.memref_slice %arg4[%mul3A_2, %dma_wait3A_63] : memref<2560x128xi32, #tpu.memory_space<hbm>> -> memref<8x128xi32, #tpu.memory_space<hbm>>
      %dma_wait3A_65 = arith.constant 0 : i32
      %dma_wait3A_66 = arith.constant 0 : i32
      %dma_wait3A_67 = tpu.memref_slice %arg8[%run_scoped3A_3, %dma_wait3A_65, %dma_wait3A_66] : memref<2x8x128xi32, #tpu.memory_space<vmem>> -> memref<1x8x128xi32, #tpu.memory_space<vmem>>
      %dma_wait3A_68 = tpu.memref_squeeze %dma_wait3A_67 : memref<1x8x128xi32, #tpu.memory_space<vmem>> -> memref<8x128xi32, #tpu.memory_space<vmem>>
      %dma_wait3A_69 = arith.constant 0 : i32
      %dma_wait3A_70 = tpu.memref_slice %arg4[%mul3A_2, %dma_wait3A_69] : memref<2560x128xi32, #tpu.memory_space<hbm>> -> memref<8x128xi32, #tpu.memory_space<hbm>>
      tpu.wait_dma2 semaphore(%run_scoped3A_46 : memref<!tpu.dma_semaphore, #tpu.memory_space<semaphore_mem>>) src(%dma_wait3A_70 : memref<8x128xi32, #tpu.memory_space<hbm>>) dst(%dma_wait3A_68 : memref<8x128xi32, #tpu.memory_space<vmem>>)
      tpu.yield
    }) : () -> ()
    %mul3A_4 = arith.constant 640 : i32
    %mul3A_5 = arith.muli %arg1, %mul3A_4 : i32
    %mul3A_6 = arith.constant 640 : i32
    %mul3A_7 = arith.muli %arg1, %mul3A_6 : i32
    "tpu.region"() ({
      %run_scoped3A_46 = tpu.sem_alloc : memref<!tpu.dma_semaphore, #tpu.memory_space<semaphore_mem>>
      %dma_start3A_47 = arith.constant 0 : i32
      %dma_start3A_48 = tpu.memref_slice %arg10[%mul3A_7, %dma_start3A_47] : memref<10240x128xf32, #tpu.memory_space<vmem_shared>> -> memref<640x128xf32, #tpu.memory_space<vmem_shared>>
      %dma_start3A_49 = arith.constant 0 : i32
      %dma_start3A_50 = tpu.memref_slice %arg5[%mul3A_5, %dma_start3A_49] : memref<10240x128xf32, #tpu.memory_space<hbm>> -> memref<640x128xf32, #tpu.memory_space<hbm>>
      tpu.enqueue_dma source(%dma_start3A_50 : memref<640x128xf32, #tpu.memory_space<hbm>>) target(%dma_start3A_48 : memref<640x128xf32, #tpu.memory_space<vmem_shared>>) target_semaphore(%run_scoped3A_46 : memref<!tpu.dma_semaphore, #tpu.memory_space<semaphore_mem>>)
      %dma_wait3A_51 = arith.constant 0 : i32
      %dma_wait3A_52 = tpu.memref_slice %arg10[%mul3A_7, %dma_wait3A_51] : memref<10240x128xf32, #tpu.memory_space<vmem_shared>> -> memref<640x128xf32, #tpu.memory_space<vmem_shared>>
      %dma_wait3A_53 = arith.constant 0 : i32
      %dma_wait3A_54 = tpu.memref_slice %arg5[%mul3A_5, %dma_wait3A_53] : memref<10240x128xf32, #tpu.memory_space<hbm>> -> memref<640x128xf32, #tpu.memory_space<hbm>>
      tpu.wait_dma2 semaphore(%run_scoped3A_46 : memref<!tpu.dma_semaphore, #tpu.memory_space<semaphore_mem>>) src(%dma_wait3A_54 : memref<640x128xf32, #tpu.memory_space<hbm>>) dst(%dma_wait3A_52 : memref<640x128xf32, #tpu.memory_space<vmem_shared>>)
      tpu.yield
    }) : () -> ()
    %barrier3A = arith.constant 0 : index
    tpu.barrier barrier_id(%barrier3A)
    %dma_start3A = arith.constant 0 : i32
    %dma_start3A_8 = arith.constant 0 : i32
    %dma_start3A_9 = arith.constant 0 : i32
    %dma_start3A_10 = arith.constant 0 : i32
    %dma_start3A_11 = arith.constant 0 : i32
    %dma_start3A_12 = tpu.memref_slice %arg9[%dma_start3A_9, %dma_start3A_10, %dma_start3A_11] : memref<2x128x128xf32, #tpu.memory_space<vmem>> -> memref<1x128x128xf32, #tpu.memory_space<vmem>>
    %dma_start3A_13 = tpu.memref_squeeze %dma_start3A_12 : memref<1x128x128xf32, #tpu.memory_space<vmem>> -> memref<128x128xf32, #tpu.memory_space<vmem>>
    %dma_start3A_14 = arith.constant 0 : i32
    %dma_start3A_15 = tpu.memref_slice %arg7[%dma_start3A, %dma_start3A_8, %dma_start3A_14] : memref<2x8x128xi32, #tpu.memory_space<vmem>> -> memref<1x1x128xi32, #tpu.memory_space<vmem>>
    %dma_start3A_16 = tpu.memref_squeeze %dma_start3A_15 : memref<1x1x128xi32, #tpu.memory_space<vmem>> -> memref<128xi32, #tpu.memory_space<vmem>>
    %dma_start3A_17 = arith.constant 0 : i32
    %dma_start3A_18 = arith.constant 0 : i32
    %dma_start3A_19 = tpu.memref_slice %arg2[%dma_start3A_17, %dma_start3A_18] : memref<10000x128xf32, #tpu.memory_space<hbm>> -> memref<10000x128xf32, #tpu.memory_space<hbm>>
    tpu.enqueue_indirect_dma source(%dma_start3A_19 : memref<10000x128xf32, #tpu.memory_space<hbm>>) target(%dma_start3A_13 : memref<128x128xf32, #tpu.memory_space<vmem>>) offsets(%dma_start3A_16 : memref<128xi32, #tpu.memory_space<vmem>>) semaphore(%arg11 : memref<!tpu.dma_semaphore, #tpu.memory_space<semaphore_mem>>)
    %scan3A = arith.constant 0 : i32
    %scan3A_20 = arith.constant 0 : i32
    %scan3A_21 = arith.constant 10 : i32
    %scan3A_22 = arith.addi %scan3A_20, %scan3A_21 : i32
    %scan3A_23 = arith.constant 1 : i32
    scf.for %scan3A_46 = %scan3A_20 to %scan3A_22 step %scan3A_23  : i32 {
      %rem3A_47 = arith.constant 2 : i32
      %rem3A_48 = arith.remsi %scan3A_46, %rem3A_47 : i32
      %sub3A = arith.constant 1 : i32
      %sub3A_49 = arith.subi %sub3A, %rem3A_48 : i32
      %ge3A = arith.constant 1 : i32
      %ge3A_50 = arith.cmpi sge, %scan3A_46, %ge3A : i32
      %convert_element_type3A = arith.extui %ge3A_50 : i1 to i32
      %cond3A = arith.constant 0 : i32
      %cond3A_51 = arith.cmpi ne, %convert_element_type3A, %cond3A : i32
      scf.if %cond3A_51 {
        %dma_wait3A_432 = arith.constant 1 : i32
        %dma_wait3A_433 = arith.constant 7 : i32
        %dma_wait3A_434 = arith.constant 0 : i32
        %dma_wait3A_435 = arith.constant 0 : i32
        %dma_wait3A_436 = tpu.memref_slice %arg9[%dma_wait3A_432, %dma_wait3A_434, %dma_wait3A_435] : memref<2x128x128xf32, #tpu.memory_space<vmem>> -> memref<1x128x128xf32, #tpu.memory_space<vmem>>
        %dma_wait3A_437 = tpu.memref_squeeze %dma_wait3A_436 : memref<1x128x128xf32, #tpu.memory_space<vmem>> -> memref<128x128xf32, #tpu.memory_space<vmem>>
        %dma_wait3A_438 = arith.constant 0 : i32
        %dma_wait3A_439 = tpu.memref_slice %arg8[%sub3A_49, %dma_wait3A_433, %dma_wait3A_438] : memref<2x8x128xi32, #tpu.memory_space<vmem>> -> memref<1x1x128xi32, #tpu.memory_space<vmem>>
        %dma_wait3A_440 = tpu.memref_squeeze %dma_wait3A_439 : memref<1x1x128xi32, #tpu.memory_space<vmem>> -> memref<128xi32, #tpu.memory_space<vmem>>
        %dma_wait3A_441 = arith.constant 0 : i32
        %dma_wait3A_442 = arith.constant 0 : i32
        %dma_wait3A_443 = tpu.memref_slice %arg10[%dma_wait3A_441, %dma_wait3A_442] : memref<10240x128xf32, #tpu.memory_space<vmem_shared>> -> memref<10240x128xf32, #tpu.memory_space<vmem_shared>>
        tpu.wait_indirect_dma semaphore(%arg14 : memref<!tpu.dma_semaphore, #tpu.memory_space<semaphore_mem>>) src(%dma_wait3A_437 : memref<128x128xf32, #tpu.memory_space<vmem>>) dst(%dma_wait3A_443 : memref<10240x128xf32, #tpu.memory_space<vmem_shared>>)
      } else {
      }
      %add3A_52 = arith.constant 1 : i32
      %add3A_53 = arith.addi %scan3A_46, %add3A_52 : i32
      %lt3A = arith.constant 10 : i32
      %lt3A_54 = arith.cmpi slt, %add3A_53, %lt3A : i32
      %convert_element_type3A_55 = arith.extui %lt3A_54 : i1 to i32
      %cond3A_56 = arith.constant 0 : i32
      %cond3A_57 = arith.cmpi ne, %convert_element_type3A_55, %cond3A_56 : i32
      scf.if %cond3A_57 {
        %add3A_432 = arith.constant 1 : i32
        %add3A_433 = arith.addi %scan3A_46, %add3A_432 : i32
        %mul3A_434 = arith.constant 8 : i32
        %mul3A_435 = arith.muli %add3A_433, %mul3A_434 : i32
        %add3A_436 = arith.addi %mul3A_2, %mul3A_435 : i32
        %dma_start3A_437 = arith.constant 0 : i32
        %dma_start3A_438 = arith.constant 0 : i32
        %dma_start3A_439 = tpu.memref_slice %arg7[%sub3A_49, %dma_start3A_437, %dma_start3A_438] : memref<2x8x128xi32, #tpu.memory_space<vmem>> -> memref<1x8x128xi32, #tpu.memory_space<vmem>>
        %dma_start3A_440 = tpu.memref_squeeze %dma_start3A_439 : memref<1x8x128xi32, #tpu.memory_space<vmem>> -> memref<8x128xi32, #tpu.memory_space<vmem>>
        %dma_start3A_441 = arith.constant 0 : i32
        %dma_start3A_442 = tpu.memref_slice %arg3[%add3A_436, %dma_start3A_441] : memref<2560x128xi32, #tpu.memory_space<hbm>> -> memref<8x128xi32, #tpu.memory_space<hbm>>
        %dma_start3A_443 = arith.constant 0 : i32
        %dma_start3A_444 = arith.constant 0 : i32
        %dma_start3A_445 = tpu.memref_slice %arg7[%sub3A_49, %dma_start3A_443, %dma_start3A_444] : memref<2x8x128xi32, #tpu.memory_space<vmem>> -> memref<1x8x128xi32, #tpu.memory_space<vmem>>
        %dma_start3A_446 = tpu.memref_squeeze %dma_start3A_445 : memref<1x8x128xi32, #tpu.memory_space<vmem>> -> memref<8x128xi32, #tpu.memory_space<vmem>>
        %dma_start3A_447 = arith.constant 0 : i32
        %dma_start3A_448 = tpu.memref_slice %arg3[%add3A_436, %dma_start3A_447] : memref<2560x128xi32, #tpu.memory_space<hbm>> -> memref<8x128xi32, #tpu.memory_space<hbm>>
        tpu.enqueue_dma source(%dma_start3A_448 : memref<8x128xi32, #tpu.memory_space<hbm>>) target(%dma_start3A_446 : memref<8x128xi32, #tpu.memory_space<vmem>>) target_semaphore(%arg15 : memref<!tpu.dma_semaphore, #tpu.memory_space<semaphore_mem>>)
        %add3A_449 = arith.constant 1 : i32
        %add3A_450 = arith.addi %scan3A_46, %add3A_449 : i32
        %mul3A_451 = arith.constant 8 : i32
        %mul3A_452 = arith.muli %add3A_450, %mul3A_451 : i32
        %add3A_453 = arith.addi %mul3A_2, %mul3A_452 : i32
        %dma_start3A_454 = arith.constant 0 : i32
        %dma_start3A_455 = arith.constant 0 : i32
        %dma_start3A_456 = tpu.memref_slice %arg8[%sub3A_49, %dma_start3A_454, %dma_start3A_455] : memref<2x8x128xi32, #tpu.memory_space<vmem>> -> memref<1x8x128xi32, #tpu.memory_space<vmem>>
        %dma_start3A_457 = tpu.memref_squeeze %dma_start3A_456 : memref<1x8x128xi32, #tpu.memory_space<vmem>> -> memref<8x128xi32, #tpu.memory_space<vmem>>
        %dma_start3A_458 = arith.constant 0 : i32
        %dma_start3A_459 = tpu.memref_slice %arg4[%add3A_453, %dma_start3A_458] : memref<2560x128xi32, #tpu.memory_space<hbm>> -> memref<8x128xi32, #tpu.memory_space<hbm>>
        %dma_start3A_460 = arith.constant 0 : i32
        %dma_start3A_461 = arith.constant 0 : i32
        %dma_start3A_462 = tpu.memref_slice %arg8[%sub3A_49, %dma_start3A_460, %dma_start3A_461] : memref<2x8x128xi32, #tpu.memory_space<vmem>> -> memref<1x8x128xi32, #tpu.memory_space<vmem>>
        %dma_start3A_463 = tpu.memref_squeeze %dma_start3A_462 : memref<1x8x128xi32, #tpu.memory_space<vmem>> -> memref<8x128xi32, #tpu.memory_space<vmem>>
        %dma_start3A_464 = arith.constant 0 : i32
        %dma_start3A_465 = tpu.memref_slice %arg4[%add3A_453, %dma_start3A_464] : memref<2560x128xi32, #tpu.memory_space<hbm>> -> memref<8x128xi32, #tpu.memory_space<hbm>>
        tpu.enqueue_dma source(%dma_start3A_465 : memref<8x128xi32, #tpu.memory_space<hbm>>) target(%dma_start3A_463 : memref<8x128xi32, #tpu.memory_space<vmem>>) target_semaphore(%arg16 : memref<!tpu.dma_semaphore, #tpu.memory_space<semaphore_mem>>)
      } else {
      }
      %dma_start3A_58 = arith.constant 1 : i32
      %dma_start3A_59 = arith.constant 1 : i32
      %dma_start3A_60 = arith.constant 0 : i32
      %dma_start3A_61 = arith.constant 0 : i32
      %dma_start3A_62 = tpu.memref_slice %arg9[%dma_start3A_59, %dma_start3A_60, %dma_start3A_61] : memref<2x128x128xf32, #tpu.memory_space<vmem>> -> memref<1x128x128xf32, #tpu.memory_space<vmem>>
      %dma_start3A_63 = tpu.memref_squeeze %dma_start3A_62 : memref<1x128x128xf32, #tpu.memory_space<vmem>> -> memref<128x128xf32, #tpu.memory_space<vmem>>
      %dma_start3A_64 = arith.constant 0 : i32
      %dma_start3A_65 = tpu.memref_slice %arg7[%rem3A_48, %dma_start3A_58, %dma_start3A_64] : memref<2x8x128xi32, #tpu.memory_space<vmem>> -> memref<1x1x128xi32, #tpu.memory_space<vmem>>
      %dma_start3A_66 = tpu.memref_squeeze %dma_start3A_65 : memref<1x1x128xi32, #tpu.memory_space<vmem>> -> memref<128xi32, #tpu.memory_space<vmem>>
      %dma_start3A_67 = arith.constant 0 : i32
      %dma_start3A_68 = arith.constant 0 : i32
      %dma_start3A_69 = tpu.memref_slice %arg2[%dma_start3A_67, %dma_start3A_68] : memref<10000x128xf32, #tpu.memory_space<hbm>> -> memref<10000x128xf32, #tpu.memory_space<hbm>>
      tpu.enqueue_indirect_dma source(%dma_start3A_69 : memref<10000x128xf32, #tpu.memory_space<hbm>>) target(%dma_start3A_63 : memref<128x128xf32, #tpu.memory_space<vmem>>) offsets(%dma_start3A_66 : memref<128xi32, #tpu.memory_space<vmem>>) semaphore(%arg12 : memref<!tpu.dma_semaphore, #tpu.memory_space<semaphore_mem>>)
      %dma_wait3A_70 = arith.constant 0 : i32
      %dma_wait3A_71 = arith.constant 0 : i32
      %dma_wait3A_72 = arith.constant 0 : i32
      %dma_wait3A_73 = arith.constant 0 : i32
      %dma_wait3A_74 = tpu.memref_slice %arg9[%dma_wait3A_71, %dma_wait3A_72, %dma_wait3A_73] : memref<2x128x128xf32, #tpu.memory_space<vmem>> -> memref<1x128x128xf32, #tpu.memory_space<vmem>>
      %dma_wait3A_75 = tpu.memref_squeeze %dma_wait3A_74 : memref<1x128x128xf32, #tpu.memory_space<vmem>> -> memref<128x128xf32, #tpu.memory_space<vmem>>
      %dma_wait3A_76 = arith.constant 0 : i32
      %dma_wait3A_77 = tpu.memref_slice %arg7[%rem3A_48, %dma_wait3A_70, %dma_wait3A_76] : memref<2x8x128xi32, #tpu.memory_space<vmem>> -> memref<1x1x128xi32, #tpu.memory_space<vmem>>
      %dma_wait3A_78 = tpu.memref_squeeze %dma_wait3A_77 : memref<1x1x128xi32, #tpu.memory_space<vmem>> -> memref<128xi32, #tpu.memory_space<vmem>>
      %dma_wait3A_79 = arith.constant 0 : i32
      %dma_wait3A_80 = arith.constant 0 : i32
      %dma_wait3A_81 = tpu.memref_slice %arg2[%dma_wait3A_79, %dma_wait3A_80] : memref<10000x128xf32, #tpu.memory_space<hbm>> -> memref<10000x128xf32, #tpu.memory_space<hbm>>
      tpu.wait_indirect_dma semaphore(%arg11 : memref<!tpu.dma_semaphore, #tpu.memory_space<semaphore_mem>>) src(%dma_wait3A_81 : memref<10000x128xf32, #tpu.memory_space<hbm>>) dst(%dma_wait3A_75 : memref<128x128xf32, #tpu.memory_space<vmem>>)
      %dma_start3A_82 = arith.constant 0 : i32
      %dma_start3A_83 = arith.constant 0 : i32
      %dma_start3A_84 = arith.constant 0 : i32
      %dma_start3A_85 = arith.constant 0 : i32
      %dma_start3A_86 = tpu.memref_slice %arg9[%dma_start3A_82, %dma_start3A_84, %dma_start3A_85] : memref<2x128x128xf32, #tpu.memory_space<vmem>> -> memref<1x128x128xf32, #tpu.memory_space<vmem>>
      %dma_start3A_87 = tpu.memref_squeeze %dma_start3A_86 : memref<1x128x128xf32, #tpu.memory_space<vmem>> -> memref<128x128xf32, #tpu.memory_space<vmem>>
      %dma_start3A_88 = arith.constant 0 : i32
      %dma_start3A_89 = tpu.memref_slice %arg8[%rem3A_48, %dma_start3A_83, %dma_start3A_88] : memref<2x8x128xi32, #tpu.memory_space<vmem>> -> memref<1x1x128xi32, #tpu.memory_space<vmem>>
      %dma_start3A_90 = tpu.memref_squeeze %dma_start3A_89 : memref<1x1x128xi32, #tpu.memory_space<vmem>> -> memref<128xi32, #tpu.memory_space<vmem>>
      %dma_start3A_91 = arith.constant 0 : i32
      %dma_start3A_92 = arith.constant 0 : i32
      %dma_start3A_93 = tpu.memref_slice %arg10[%dma_start3A_91, %dma_start3A_92] : memref<10240x128xf32, #tpu.memory_space<vmem_shared>> -> memref<10240x128xf32, #tpu.memory_space<vmem_shared>>
      tpu.enqueue_indirect_dma source(%dma_start3A_87 : memref<128x128xf32, #tpu.memory_space<vmem>>) target(%dma_start3A_93 : memref<10240x128xf32, #tpu.memory_space<vmem_shared>>) offsets(%dma_start3A_90 : memref<128xi32, #tpu.memory_space<vmem>>) semaphore(%arg13 : memref<!tpu.dma_semaphore, #tpu.memory_space<semaphore_mem>>) {add = true}
      %dma_wait3A_94 = arith.constant 0 : i32
      %dma_wait3A_95 = arith.constant 0 : i32
      %dma_wait3A_96 = arith.constant 0 : i32
      %dma_wait3A_97 = arith.constant 0 : i32
      %dma_wait3A_98 = tpu.memref_slice %arg9[%dma_wait3A_94, %dma_wait3A_96, %dma_wait3A_97] : memref<2x128x128xf32, #tpu.memory_space<vmem>> -> memref<1x128x128xf32, #tpu.memory_space<vmem>>
      %dma_wait3A_99 = tpu.memref_squeeze %dma_wait3A_98 : memref<1x128x128xf32, #tpu.memory_space<vmem>> -> memref<128x128xf32, #tpu.memory_space<vmem>>
      %dma_wait3A_100 = arith.constant 0 : i32
      %dma_wait3A_101 = tpu.memref_slice %arg8[%rem3A_48, %dma_wait3A_95, %dma_wait3A_100] : memref<2x8x128xi32, #tpu.memory_space<vmem>> -> memref<1x1x128xi32, #tpu.memory_space<vmem>>
      %dma_wait3A_102 = tpu.memref_squeeze %dma_wait3A_101 : memref<1x1x128xi32, #tpu.memory_space<vmem>> -> memref<128xi32, #tpu.memory_space<vmem>>
      %dma_wait3A_103 = arith.constant 0 : i32
      %dma_wait3A_104 = arith.constant 0 : i32
      %dma_wait3A_105 = tpu.memref_slice %arg10[%dma_wait3A_103, %dma_wait3A_104] : memref<10240x128xf32, #tpu.memory_space<vmem_shared>> -> memref<10240x128xf32, #tpu.memory_space<vmem_shared>>
      tpu.wait_indirect_dma semaphore(%arg13 : memref<!tpu.dma_semaphore, #tpu.memory_space<semaphore_mem>>) src(%dma_wait3A_99 : memref<128x128xf32, #tpu.memory_space<vmem>>) dst(%dma_wait3A_105 : memref<10240x128xf32, #tpu.memory_space<vmem_shared>>)
      %dma_start3A_106 = arith.constant 2 : i32
      %dma_start3A_107 = arith.constant 0 : i32
      %dma_start3A_108 = arith.constant 0 : i32
      %dma_start3A_109 = arith.constant 0 : i32
      %dma_start3A_110 = tpu.memref_slice %arg9[%dma_start3A_107, %dma_start3A_108, %dma_start3A_109] : memref<2x128x128xf32, #tpu.memory_space<vmem>> -> memref<1x128x128xf32, #tpu.memory_space<vmem>>
      %dma_start3A_111 = tpu.memref_squeeze %dma_start3A_110 : memref<1x128x128xf32, #tpu.memory_space<vmem>> -> memref<128x128xf32, #tpu.memory_space<vmem>>
      %dma_start3A_112 = arith.constant 0 : i32
      %dma_start3A_113 = tpu.memref_slice %arg7[%rem3A_48, %dma_start3A_106, %dma_start3A_112] : memref<2x8x128xi32, #tpu.memory_space<vmem>> -> memref<1x1x128xi32, #tpu.memory_space<vmem>>
      %dma_start3A_114 = tpu.memref_squeeze %dma_start3A_113 : memref<1x1x128xi32, #tpu.memory_space<vmem>> -> memref<128xi32, #tpu.memory_space<vmem>>
      %dma_start3A_115 = arith.constant 0 : i32
      %dma_start3A_116 = arith.constant 0 : i32
      %dma_start3A_117 = tpu.memref_slice %arg2[%dma_start3A_115, %dma_start3A_116] : memref<10000x128xf32, #tpu.memory_space<hbm>> -> memref<10000x128xf32, #tpu.memory_space<hbm>>
      tpu.enqueue_indirect_dma source(%dma_start3A_117 : memref<10000x128xf32, #tpu.memory_space<hbm>>) target(%dma_start3A_111 : memref<128x128xf32, #tpu.memory_space<vmem>>) offsets(%dma_start3A_114 : memref<128xi32, #tpu.memory_space<vmem>>) semaphore(%arg11 : memref<!tpu.dma_semaphore, #tpu.memory_space<semaphore_mem>>)
      %dma_wait3A_118 = arith.constant 1 : i32
      %dma_wait3A_119 = arith.constant 1 : i32
      %dma_wait3A_120 = arith.constant 0 : i32
      %dma_wait3A_121 = arith.constant 0 : i32
      %dma_wait3A_122 = tpu.memref_slice %arg9[%dma_wait3A_119, %dma_wait3A_120, %dma_wait3A_121] : memref<2x128x128xf32, #tpu.memory_space<vmem>> -> memref<1x128x128xf32, #tpu.memory_space<vmem>>
      %dma_wait3A_123 = tpu.memref_squeeze %dma_wait3A_122 : memref<1x128x128xf32, #tpu.memory_space<vmem>> -> memref<128x128xf32, #tpu.memory_space<vmem>>
      %dma_wait3A_124 = arith.constant 0 : i32
      %dma_wait3A_125 = tpu.memref_slice %arg7[%rem3A_48, %dma_wait3A_118, %dma_wait3A_124] : memref<2x8x128xi32, #tpu.memory_space<vmem>> -> memref<1x1x128xi32, #tpu.memory_space<vmem>>
      %dma_wait3A_126 = tpu.memref_squeeze %dma_wait3A_125 : memref<1x1x128xi32, #tpu.memory_space<vmem>> -> memref<128xi32, #tpu.memory_space<vmem>>
      %dma_wait3A_127 = arith.constant 0 : i32
      %dma_wait3A_128 = arith.constant 0 : i32
      %dma_wait3A_129 = tpu.memref_slice %arg2[%dma_wait3A_127, %dma_wait3A_128] : memref<10000x128xf32, #tpu.memory_space<hbm>> -> memref<10000x128xf32, #tpu.memory_space<hbm>>
      tpu.wait_indirect_dma semaphore(%arg12 : memref<!tpu.dma_semaphore, #tpu.memory_space<semaphore_mem>>) src(%dma_wait3A_129 : memref<10000x128xf32, #tpu.memory_space<hbm>>) dst(%dma_wait3A_123 : memref<128x128xf32, #tpu.memory_space<vmem>>)
      %dma_start3A_130 = arith.constant 1 : i32
      %dma_start3A_131 = arith.constant 1 : i32
      %dma_start3A_132 = arith.constant 0 : i32
      %dma_start3A_133 = arith.constant 0 : i32
      %dma_start3A_134 = tpu.memref_slice %arg9[%dma_start3A_130, %dma_start3A_132, %dma_start3A_133] : memref<2x128x128xf32, #tpu.memory_space<vmem>> -> memref<1x128x128xf32, #tpu.memory_space<vmem>>
      %dma_start3A_135 = tpu.memref_squeeze %dma_start3A_134 : memref<1x128x128xf32, #tpu.memory_space<vmem>> -> memref<128x128xf32, #tpu.memory_space<vmem>>
      %dma_start3A_136 = arith.constant 0 : i32
      %dma_start3A_137 = tpu.memref_slice %arg8[%rem3A_48, %dma_start3A_131, %dma_start3A_136] : memref<2x8x128xi32, #tpu.memory_space<vmem>> -> memref<1x1x128xi32, #tpu.memory_space<vmem>>
      %dma_start3A_138 = tpu.memref_squeeze %dma_start3A_137 : memref<1x1x128xi32, #tpu.memory_space<vmem>> -> memref<128xi32, #tpu.memory_space<vmem>>
      %dma_start3A_139 = arith.constant 0 : i32
      %dma_start3A_140 = arith.constant 0 : i32
      %dma_start3A_141 = tpu.memref_slice %arg10[%dma_start3A_139, %dma_start3A_140] : memref<10240x128xf32, #tpu.memory_space<vmem_shared>> -> memref<10240x128xf32, #tpu.memory_space<vmem_shared>>
      tpu.enqueue_indirect_dma source(%dma_start3A_135 : memref<128x128xf32, #tpu.memory_space<vmem>>) target(%dma_start3A_141 : memref<10240x128xf32, #tpu.memory_space<vmem_shared>>) offsets(%dma_start3A_138 : memref<128xi32, #tpu.memory_space<vmem>>) semaphore(%arg14 : memref<!tpu.dma_semaphore, #tpu.memory_space<semaphore_mem>>) {add = true}
      %dma_wait3A_142 = arith.constant 1 : i32
      %dma_wait3A_143 = arith.constant 1 : i32
      %dma_wait3A_144 = arith.constant 0 : i32
      %dma_wait3A_145 = arith.constant 0 : i32
      %dma_wait3A_146 = tpu.memref_slice %arg9[%dma_wait3A_142, %dma_wait3A_144, %dma_wait3A_145] : memref<2x128x128xf32, #tpu.memory_space<vmem>> -> memref<1x128x128xf32, #tpu.memory_space<vmem>>
      %dma_wait3A_147 = tpu.memref_squeeze %dma_wait3A_146 : memref<1x128x128xf32, #tpu.memory_space<vmem>> -> memref<128x128xf32, #tpu.memory_space<vmem>>
      %dma_wait3A_148 = arith.constant 0 : i32
      %dma_wait3A_149 = tpu.memref_slice %arg8[%rem3A_48, %dma_wait3A_143, %dma_wait3A_148] : memref<2x8x128xi32, #tpu.memory_space<vmem>> -> memref<1x1x128xi32, #tpu.memory_space<vmem>>
      %dma_wait3A_150 = tpu.memref_squeeze %dma_wait3A_149 : memref<1x1x128xi32, #tpu.memory_space<vmem>> -> memref<128xi32, #tpu.memory_space<vmem>>
      %dma_wait3A_151 = arith.constant 0 : i32
      %dma_wait3A_152 = arith.constant 0 : i32
      %dma_wait3A_153 = tpu.memref_slice %arg10[%dma_wait3A_151, %dma_wait3A_152] : memref<10240x128xf32, #tpu.memory_space<vmem_shared>> -> memref<10240x128xf32, #tpu.memory_space<vmem_shared>>
      tpu.wait_indirect_dma semaphore(%arg14 : memref<!tpu.dma_semaphore, #tpu.memory_space<semaphore_mem>>) src(%dma_wait3A_147 : memref<128x128xf32, #tpu.memory_space<vmem>>) dst(%dma_wait3A_153 : memref<10240x128xf32, #tpu.memory_space<vmem_shared>>)
      %dma_start3A_154 = arith.constant 3 : i32
      %dma_start3A_155 = arith.constant 1 : i32
      %dma_start3A_156 = arith.constant 0 : i32
      %dma_start3A_157 = arith.constant 0 : i32
      %dma_start3A_158 = tpu.memref_slice %arg9[%dma_start3A_155, %dma_start3A_156, %dma_start3A_157] : memref<2x128x128xf32, #tpu.memory_space<vmem>> -> memref<1x128x128xf32, #tpu.memory_space<vmem>>
      %dma_start3A_159 = tpu.memref_squeeze %dma_start3A_158 : memref<1x128x128xf32, #tpu.memory_space<vmem>> -> memref<128x128xf32, #tpu.memory_space<vmem>>
      %dma_start3A_160 = arith.constant 0 : i32
      %dma_start3A_161 = tpu.memref_slice %arg7[%rem3A_48, %dma_start3A_154, %dma_start3A_160] : memref<2x8x128xi32, #tpu.memory_space<vmem>> -> memref<1x1x128xi32, #tpu.memory_space<vmem>>
      %dma_start3A_162 = tpu.memref_squeeze %dma_start3A_161 : memref<1x1x128xi32, #tpu.memory_space<vmem>> -> memref<128xi32, #tpu.memory_space<vmem>>
      %dma_start3A_163 = arith.constant 0 : i32
      %dma_start3A_164 = arith.constant 0 : i32
      %dma_start3A_165 = tpu.memref_slice %arg2[%dma_start3A_163, %dma_start3A_164] : memref<10000x128xf32, #tpu.memory_space<hbm>> -> memref<10000x128xf32, #tpu.memory_space<hbm>>
      tpu.enqueue_indirect_dma source(%dma_start3A_165 : memref<10000x128xf32, #tpu.memory_space<hbm>>) target(%dma_start3A_159 : memref<128x128xf32, #tpu.memory_space<vmem>>) offsets(%dma_start3A_162 : memref<128xi32, #tpu.memory_space<vmem>>) semaphore(%arg12 : memref<!tpu.dma_semaphore, #tpu.memory_space<semaphore_mem>>)
      %dma_wait3A_166 = arith.constant 2 : i32
      %dma_wait3A_167 = arith.constant 0 : i32
      %dma_wait3A_168 = arith.constant 0 : i32
      %dma_wait3A_169 = arith.constant 0 : i32
      %dma_wait3A_170 = tpu.memref_slice %arg9[%dma_wait3A_167, %dma_wait3A_168, %dma_wait3A_169] : memref<2x128x128xf32, #tpu.memory_space<vmem>> -> memref<1x128x128xf32, #tpu.memory_space<vmem>>
      %dma_wait3A_171 = tpu.memref_squeeze %dma_wait3A_170 : memref<1x128x128xf32, #tpu.memory_space<vmem>> -> memref<128x128xf32, #tpu.memory_space<vmem>>
      %dma_wait3A_172 = arith.constant 0 : i32
      %dma_wait3A_173 = tpu.memref_slice %arg7[%rem3A_48, %dma_wait3A_166, %dma_wait3A_172] : memref<2x8x128xi32, #tpu.memory_space<vmem>> -> memref<1x1x128xi32, #tpu.memory_space<vmem>>
      %dma_wait3A_174 = tpu.memref_squeeze %dma_wait3A_173 : memref<1x1x128xi32, #tpu.memory_space<vmem>> -> memref<128xi32, #tpu.memory_space<vmem>>
      %dma_wait3A_175 = arith.constant 0 : i32
      %dma_wait3A_176 = arith.constant 0 : i32
      %dma_wait3A_177 = tpu.memref_slice %arg2[%dma_wait3A_175, %dma_wait3A_176] : memref<10000x128xf32, #tpu.memory_space<hbm>> -> memref<10000x128xf32, #tpu.memory_space<hbm>>
      tpu.wait_indirect_dma semaphore(%arg11 : memref<!tpu.dma_semaphore, #tpu.memory_space<semaphore_mem>>) src(%dma_wait3A_177 : memref<10000x128xf32, #tpu.memory_space<hbm>>) dst(%dma_wait3A_171 : memref<128x128xf32, #tpu.memory_space<vmem>>)
      %dma_start3A_178 = arith.constant 0 : i32
      %dma_start3A_179 = arith.constant 2 : i32
      %dma_start3A_180 = arith.constant 0 : i32
      %dma_start3A_181 = arith.constant 0 : i32
      %dma_start3A_182 = tpu.memref_slice %arg9[%dma_start3A_178, %dma_start3A_180, %dma_start3A_181] : memref<2x128x128xf32, #tpu.memory_space<vmem>> -> memref<1x128x128xf32, #tpu.memory_space<vmem>>
      %dma_start3A_183 = tpu.memref_squeeze %dma_start3A_182 : memref<1x128x128xf32, #tpu.memory_space<vmem>> -> memref<128x128xf32, #tpu.memory_space<vmem>>
      %dma_start3A_184 = arith.constant 0 : i32
      %dma_start3A_185 = tpu.memref_slice %arg8[%rem3A_48, %dma_start3A_179, %dma_start3A_184] : memref<2x8x128xi32, #tpu.memory_space<vmem>> -> memref<1x1x128xi32, #tpu.memory_space<vmem>>
      %dma_start3A_186 = tpu.memref_squeeze %dma_start3A_185 : memref<1x1x128xi32, #tpu.memory_space<vmem>> -> memref<128xi32, #tpu.memory_space<vmem>>
      %dma_start3A_187 = arith.constant 0 : i32
      %dma_start3A_188 = arith.constant 0 : i32
      %dma_start3A_189 = tpu.memref_slice %arg10[%dma_start3A_187, %dma_start3A_188] : memref<10240x128xf32, #tpu.memory_space<vmem_shared>> -> memref<10240x128xf32, #tpu.memory_space<vmem_shared>>
      tpu.enqueue_indirect_dma source(%dma_start3A_183 : memref<128x128xf32, #tpu.memory_space<vmem>>) target(%dma_start3A_189 : memref<10240x128xf32, #tpu.memory_space<vmem_shared>>) offsets(%dma_start3A_186 : memref<128xi32, #tpu.memory_space<vmem>>) semaphore(%arg13 : memref<!tpu.dma_semaphore, #tpu.memory_space<semaphore_mem>>) {add = true}
      %dma_wait3A_190 = arith.constant 0 : i32
      %dma_wait3A_191 = arith.constant 2 : i32
      %dma_wait3A_192 = arith.constant 0 : i32
      %dma_wait3A_193 = arith.constant 0 : i32
      %dma_wait3A_194 = tpu.memref_slice %arg9[%dma_wait3A_190, %dma_wait3A_192, %dma_wait3A_193] : memref<2x128x128xf32, #tpu.memory_space<vmem>> -> memref<1x128x128xf32, #tpu.memory_space<vmem>>
      %dma_wait3A_195 = tpu.memref_squeeze %dma_wait3A_194 : memref<1x128x128xf32, #tpu.memory_space<vmem>> -> memref<128x128xf32, #tpu.memory_space<vmem>>
      %dma_wait3A_196 = arith.constant 0 : i32
      %dma_wait3A_197 = tpu.memref_slice %arg8[%rem3A_48, %dma_wait3A_191, %dma_wait3A_196] : memref<2x8x128xi32, #tpu.memory_space<vmem>> -> memref<1x1x128xi32, #tpu.memory_space<vmem>>
      %dma_wait3A_198 = tpu.memref_squeeze %dma_wait3A_197 : memref<1x1x128xi32, #tpu.memory_space<vmem>> -> memref<128xi32, #tpu.memory_space<vmem>>
      %dma_wait3A_199 = arith.constant 0 : i32
      %dma_wait3A_200 = arith.constant 0 : i32
      %dma_wait3A_201 = tpu.memref_slice %arg10[%dma_wait3A_199, %dma_wait3A_200] : memref<10240x128xf32, #tpu.memory_space<vmem_shared>> -> memref<10240x128xf32, #tpu.memory_space<vmem_shared>>
      tpu.wait_indirect_dma semaphore(%arg13 : memref<!tpu.dma_semaphore, #tpu.memory_space<semaphore_mem>>) src(%dma_wait3A_195 : memref<128x128xf32, #tpu.memory_space<vmem>>) dst(%dma_wait3A_201 : memref<10240x128xf32, #tpu.memory_space<vmem_shared>>)
      %dma_start3A_202 = arith.constant 4 : i32
      %dma_start3A_203 = arith.constant 0 : i32
      %dma_start3A_204 = arith.constant 0 : i32
      %dma_start3A_205 = arith.constant 0 : i32
      %dma_start3A_206 = tpu.memref_slice %arg9[%dma_start3A_203, %dma_start3A_204, %dma_start3A_205] : memref<2x128x128xf32, #tpu.memory_space<vmem>> -> memref<1x128x128xf32, #tpu.memory_space<vmem>>
      %dma_start3A_207 = tpu.memref_squeeze %dma_start3A_206 : memref<1x128x128xf32, #tpu.memory_space<vmem>> -> memref<128x128xf32, #tpu.memory_space<vmem>>
      %dma_start3A_208 = arith.constant 0 : i32
      %dma_start3A_209 = tpu.memref_slice %arg7[%rem3A_48, %dma_start3A_202, %dma_start3A_208] : memref<2x8x128xi32, #tpu.memory_space<vmem>> -> memref<1x1x128xi32, #tpu.memory_space<vmem>>
      %dma_start3A_210 = tpu.memref_squeeze %dma_start3A_209 : memref<1x1x128xi32, #tpu.memory_space<vmem>> -> memref<128xi32, #tpu.memory_space<vmem>>
      %dma_start3A_211 = arith.constant 0 : i32
      %dma_start3A_212 = arith.constant 0 : i32
      %dma_start3A_213 = tpu.memref_slice %arg2[%dma_start3A_211, %dma_start3A_212] : memref<10000x128xf32, #tpu.memory_space<hbm>> -> memref<10000x128xf32, #tpu.memory_space<hbm>>
      tpu.enqueue_indirect_dma source(%dma_start3A_213 : memref<10000x128xf32, #tpu.memory_space<hbm>>) target(%dma_start3A_207 : memref<128x128xf32, #tpu.memory_space<vmem>>) offsets(%dma_start3A_210 : memref<128xi32, #tpu.memory_space<vmem>>) semaphore(%arg11 : memref<!tpu.dma_semaphore, #tpu.memory_space<semaphore_mem>>)
      %dma_wait3A_214 = arith.constant 3 : i32
      %dma_wait3A_215 = arith.constant 1 : i32
      %dma_wait3A_216 = arith.constant 0 : i32
      %dma_wait3A_217 = arith.constant 0 : i32
      %dma_wait3A_218 = tpu.memref_slice %arg9[%dma_wait3A_215, %dma_wait3A_216, %dma_wait3A_217] : memref<2x128x128xf32, #tpu.memory_space<vmem>> -> memref<1x128x128xf32, #tpu.memory_space<vmem>>
      %dma_wait3A_219 = tpu.memref_squeeze %dma_wait3A_218 : memref<1x128x128xf32, #tpu.memory_space<vmem>> -> memref<128x128xf32, #tpu.memory_space<vmem>>
      %dma_wait3A_220 = arith.constant 0 : i32
      %dma_wait3A_221 = tpu.memref_slice %arg7[%rem3A_48, %dma_wait3A_214, %dma_wait3A_220] : memref<2x8x128xi32, #tpu.memory_space<vmem>> -> memref<1x1x128xi32, #tpu.memory_space<vmem>>
      %dma_wait3A_222 = tpu.memref_squeeze %dma_wait3A_221 : memref<1x1x128xi32, #tpu.memory_space<vmem>> -> memref<128xi32, #tpu.memory_space<vmem>>
      %dma_wait3A_223 = arith.constant 0 : i32
      %dma_wait3A_224 = arith.constant 0 : i32
      %dma_wait3A_225 = tpu.memref_slice %arg2[%dma_wait3A_223, %dma_wait3A_224] : memref<10000x128xf32, #tpu.memory_space<hbm>> -> memref<10000x128xf32, #tpu.memory_space<hbm>>
      tpu.wait_indirect_dma semaphore(%arg12 : memref<!tpu.dma_semaphore, #tpu.memory_space<semaphore_mem>>) src(%dma_wait3A_225 : memref<10000x128xf32, #tpu.memory_space<hbm>>) dst(%dma_wait3A_219 : memref<128x128xf32, #tpu.memory_space<vmem>>)
      %dma_start3A_226 = arith.constant 1 : i32
      %dma_start3A_227 = arith.constant 3 : i32
      %dma_start3A_228 = arith.constant 0 : i32
      %dma_start3A_229 = arith.constant 0 : i32
      %dma_start3A_230 = tpu.memref_slice %arg9[%dma_start3A_226, %dma_start3A_228, %dma_start3A_229] : memref<2x128x128xf32, #tpu.memory_space<vmem>> -> memref<1x128x128xf32, #tpu.memory_space<vmem>>
      %dma_start3A_231 = tpu.memref_squeeze %dma_start3A_230 : memref<1x128x128xf32, #tpu.memory_space<vmem>> -> memref<128x128xf32, #tpu.memory_space<vmem>>
      %dma_start3A_232 = arith.constant 0 : i32
      %dma_start3A_233 = tpu.memref_slice %arg8[%rem3A_48, %dma_start3A_227, %dma_start3A_232] : memref<2x8x128xi32, #tpu.memory_space<vmem>> -> memref<1x1x128xi32, #tpu.memory_space<vmem>>
      %dma_start3A_234 = tpu.memref_squeeze %dma_start3A_233 : memref<1x1x128xi32, #tpu.memory_space<vmem>> -> memref<128xi32, #tpu.memory_space<vmem>>
      %dma_start3A_235 = arith.constant 0 : i32
      %dma_start3A_236 = arith.constant 0 : i32
      %dma_start3A_237 = tpu.memref_slice %arg10[%dma_start3A_235, %dma_start3A_236] : memref<10240x128xf32, #tpu.memory_space<vmem_shared>> -> memref<10240x128xf32, #tpu.memory_space<vmem_shared>>
      tpu.enqueue_indirect_dma source(%dma_start3A_231 : memref<128x128xf32, #tpu.memory_space<vmem>>) target(%dma_start3A_237 : memref<10240x128xf32, #tpu.memory_space<vmem_shared>>) offsets(%dma_start3A_234 : memref<128xi32, #tpu.memory_space<vmem>>) semaphore(%arg14 : memref<!tpu.dma_semaphore, #tpu.memory_space<semaphore_mem>>) {add = true}
      %dma_wait3A_238 = arith.constant 1 : i32
      %dma_wait3A_239 = arith.constant 3 : i32
      %dma_wait3A_240 = arith.constant 0 : i32
      %dma_wait3A_241 = arith.constant 0 : i32
      %dma_wait3A_242 = tpu.memref_slice %arg9[%dma_wait3A_238, %dma_wait3A_240, %dma_wait3A_241] : memref<2x128x128xf32, #tpu.memory_space<vmem>> -> memref<1x128x128xf32, #tpu.memory_space<vmem>>
      %dma_wait3A_243 = tpu.memref_squeeze %dma_wait3A_242 : memref<1x128x128xf32, #tpu.memory_space<vmem>> -> memref<128x128xf32, #tpu.memory_space<vmem>>
      %dma_wait3A_244 = arith.constant 0 : i32
      %dma_wait3A_245 = tpu.memref_slice %arg8[%rem3A_48, %dma_wait3A_239, %dma_wait3A_244] : memref<2x8x128xi32, #tpu.memory_space<vmem>> -> memref<1x1x128xi32, #tpu.memory_space<vmem>>
      %dma_wait3A_246 = tpu.memref_squeeze %dma_wait3A_245 : memref<1x1x128xi32, #tpu.memory_space<vmem>> -> memref<128xi32, #tpu.memory_space<vmem>>
      %dma_wait3A_247 = arith.constant 0 : i32
      %dma_wait3A_248 = arith.constant 0 : i32
      %dma_wait3A_249 = tpu.memref_slice %arg10[%dma_wait3A_247, %dma_wait3A_248] : memref<10240x128xf32, #tpu.memory_space<vmem_shared>> -> memref<10240x128xf32, #tpu.memory_space<vmem_shared>>
      tpu.wait_indirect_dma semaphore(%arg14 : memref<!tpu.dma_semaphore, #tpu.memory_space<semaphore_mem>>) src(%dma_wait3A_243 : memref<128x128xf32, #tpu.memory_space<vmem>>) dst(%dma_wait3A_249 : memref<10240x128xf32, #tpu.memory_space<vmem_shared>>)
      %dma_start3A_250 = arith.constant 5 : i32
      %dma_start3A_251 = arith.constant 1 : i32
      %dma_start3A_252 = arith.constant 0 : i32
      %dma_start3A_253 = arith.constant 0 : i32
      %dma_start3A_254 = tpu.memref_slice %arg9[%dma_start3A_251, %dma_start3A_252, %dma_start3A_253] : memref<2x128x128xf32, #tpu.memory_space<vmem>> -> memref<1x128x128xf32, #tpu.memory_space<vmem>>
      %dma_start3A_255 = tpu.memref_squeeze %dma_start3A_254 : memref<1x128x128xf32, #tpu.memory_space<vmem>> -> memref<128x128xf32, #tpu.memory_space<vmem>>
      %dma_start3A_256 = arith.constant 0 : i32
      %dma_start3A_257 = tpu.memref_slice %arg7[%rem3A_48, %dma_start3A_250, %dma_start3A_256] : memref<2x8x128xi32, #tpu.memory_space<vmem>> -> memref<1x1x128xi32, #tpu.memory_space<vmem>>
      %dma_start3A_258 = tpu.memref_squeeze %dma_start3A_257 : memref<1x1x128xi32, #tpu.memory_space<vmem>> -> memref<128xi32, #tpu.memory_space<vmem>>
      %dma_start3A_259 = arith.constant 0 : i32
      %dma_start3A_260 = arith.constant 0 : i32
      %dma_start3A_261 = tpu.memref_slice %arg2[%dma_start3A_259, %dma_start3A_260] : memref<10000x128xf32, #tpu.memory_space<hbm>> -> memref<10000x128xf32, #tpu.memory_space<hbm>>
      tpu.enqueue_indirect_dma source(%dma_start3A_261 : memref<10000x128xf32, #tpu.memory_space<hbm>>) target(%dma_start3A_255 : memref<128x128xf32, #tpu.memory_space<vmem>>) offsets(%dma_start3A_258 : memref<128xi32, #tpu.memory_space<vmem>>) semaphore(%arg12 : memref<!tpu.dma_semaphore, #tpu.memory_space<semaphore_mem>>)
      %dma_wait3A_262 = arith.constant 4 : i32
      %dma_wait3A_263 = arith.constant 0 : i32
      %dma_wait3A_264 = arith.constant 0 : i32
      %dma_wait3A_265 = arith.constant 0 : i32
      %dma_wait3A_266 = tpu.memref_slice %arg9[%dma_wait3A_263, %dma_wait3A_264, %dma_wait3A_265] : memref<2x128x128xf32, #tpu.memory_space<vmem>> -> memref<1x128x128xf32, #tpu.memory_space<vmem>>
      %dma_wait3A_267 = tpu.memref_squeeze %dma_wait3A_266 : memref<1x128x128xf32, #tpu.memory_space<vmem>> -> memref<128x128xf32, #tpu.memory_space<vmem>>
      %dma_wait3A_268 = arith.constant 0 : i32
      %dma_wait3A_269 = tpu.memref_slice %arg7[%rem3A_48, %dma_wait3A_262, %dma_wait3A_268] : memref<2x8x128xi32, #tpu.memory_space<vmem>> -> memref<1x1x128xi32, #tpu.memory_space<vmem>>
      %dma_wait3A_270 = tpu.memref_squeeze %dma_wait3A_269 : memref<1x1x128xi32, #tpu.memory_space<vmem>> -> memref<128xi32, #tpu.memory_space<vmem>>
      %dma_wait3A_271 = arith.constant 0 : i32
      %dma_wait3A_272 = arith.constant 0 : i32
      %dma_wait3A_273 = tpu.memref_slice %arg2[%dma_wait3A_271, %dma_wait3A_272] : memref<10000x128xf32, #tpu.memory_space<hbm>> -> memref<10000x128xf32, #tpu.memory_space<hbm>>
      tpu.wait_indirect_dma semaphore(%arg11 : memref<!tpu.dma_semaphore, #tpu.memory_space<semaphore_mem>>) src(%dma_wait3A_273 : memref<10000x128xf32, #tpu.memory_space<hbm>>) dst(%dma_wait3A_267 : memref<128x128xf32, #tpu.memory_space<vmem>>)
      %dma_start3A_274 = arith.constant 0 : i32
      %dma_start3A_275 = arith.constant 4 : i32
      %dma_start3A_276 = arith.constant 0 : i32
      %dma_start3A_277 = arith.constant 0 : i32
      %dma_start3A_278 = tpu.memref_slice %arg9[%dma_start3A_274, %dma_start3A_276, %dma_start3A_277] : memref<2x128x128xf32, #tpu.memory_space<vmem>> -> memref<1x128x128xf32, #tpu.memory_space<vmem>>
      %dma_start3A_279 = tpu.memref_squeeze %dma_start3A_278 : memref<1x128x128xf32, #tpu.memory_space<vmem>> -> memref<128x128xf32, #tpu.memory_space<vmem>>
      %dma_start3A_280 = arith.constant 0 : i32
      %dma_start3A_281 = tpu.memref_slice %arg8[%rem3A_48, %dma_start3A_275, %dma_start3A_280] : memref<2x8x128xi32, #tpu.memory_space<vmem>> -> memref<1x1x128xi32, #tpu.memory_space<vmem>>
      %dma_start3A_282 = tpu.memref_squeeze %dma_start3A_281 : memref<1x1x128xi32, #tpu.memory_space<vmem>> -> memref<128xi32, #tpu.memory_space<vmem>>
      %dma_start3A_283 = arith.constant 0 : i32
      %dma_start3A_284 = arith.constant 0 : i32
      %dma_start3A_285 = tpu.memref_slice %arg10[%dma_start3A_283, %dma_start3A_284] : memref<10240x128xf32, #tpu.memory_space<vmem_shared>> -> memref<10240x128xf32, #tpu.memory_space<vmem_shared>>
      tpu.enqueue_indirect_dma source(%dma_start3A_279 : memref<128x128xf32, #tpu.memory_space<vmem>>) target(%dma_start3A_285 : memref<10240x128xf32, #tpu.memory_space<vmem_shared>>) offsets(%dma_start3A_282 : memref<128xi32, #tpu.memory_space<vmem>>) semaphore(%arg13 : memref<!tpu.dma_semaphore, #tpu.memory_space<semaphore_mem>>) {add = true}
      %dma_wait3A_286 = arith.constant 0 : i32
      %dma_wait3A_287 = arith.constant 4 : i32
      %dma_wait3A_288 = arith.constant 0 : i32
      %dma_wait3A_289 = arith.constant 0 : i32
      %dma_wait3A_290 = tpu.memref_slice %arg9[%dma_wait3A_286, %dma_wait3A_288, %dma_wait3A_289] : memref<2x128x128xf32, #tpu.memory_space<vmem>> -> memref<1x128x128xf32, #tpu.memory_space<vmem>>
      %dma_wait3A_291 = tpu.memref_squeeze %dma_wait3A_290 : memref<1x128x128xf32, #tpu.memory_space<vmem>> -> memref<128x128xf32, #tpu.memory_space<vmem>>
      %dma_wait3A_292 = arith.constant 0 : i32
      %dma_wait3A_293 = tpu.memref_slice %arg8[%rem3A_48, %dma_wait3A_287, %dma_wait3A_292] : memref<2x8x128xi32, #tpu.memory_space<vmem>> -> memref<1x1x128xi32, #tpu.memory_space<vmem>>
      %dma_wait3A_294 = tpu.memref_squeeze %dma_wait3A_293 : memref<1x1x128xi32, #tpu.memory_space<vmem>> -> memref<128xi32, #tpu.memory_space<vmem>>
      %dma_wait3A_295 = arith.constant 0 : i32
      %dma_wait3A_296 = arith.constant 0 : i32
      %dma_wait3A_297 = tpu.memref_slice %arg10[%dma_wait3A_295, %dma_wait3A_296] : memref<10240x128xf32, #tpu.memory_space<vmem_shared>> -> memref<10240x128xf32, #tpu.memory_space<vmem_shared>>
      tpu.wait_indirect_dma semaphore(%arg13 : memref<!tpu.dma_semaphore, #tpu.memory_space<semaphore_mem>>) src(%dma_wait3A_291 : memref<128x128xf32, #tpu.memory_space<vmem>>) dst(%dma_wait3A_297 : memref<10240x128xf32, #tpu.memory_space<vmem_shared>>)
      %dma_start3A_298 = arith.constant 6 : i32
      %dma_start3A_299 = arith.constant 0 : i32
      %dma_start3A_300 = arith.constant 0 : i32
      %dma_start3A_301 = arith.constant 0 : i32
      %dma_start3A_302 = tpu.memref_slice %arg9[%dma_start3A_299, %dma_start3A_300, %dma_start3A_301] : memref<2x128x128xf32, #tpu.memory_space<vmem>> -> memref<1x128x128xf32, #tpu.memory_space<vmem>>
      %dma_start3A_303 = tpu.memref_squeeze %dma_start3A_302 : memref<1x128x128xf32, #tpu.memory_space<vmem>> -> memref<128x128xf32, #tpu.memory_space<vmem>>
      %dma_start3A_304 = arith.constant 0 : i32
      %dma_start3A_305 = tpu.memref_slice %arg7[%rem3A_48, %dma_start3A_298, %dma_start3A_304] : memref<2x8x128xi32, #tpu.memory_space<vmem>> -> memref<1x1x128xi32, #tpu.memory_space<vmem>>
      %dma_start3A_306 = tpu.memref_squeeze %dma_start3A_305 : memref<1x1x128xi32, #tpu.memory_space<vmem>> -> memref<128xi32, #tpu.memory_space<vmem>>
      %dma_start3A_307 = arith.constant 0 : i32
      %dma_start3A_308 = arith.constant 0 : i32
      %dma_start3A_309 = tpu.memref_slice %arg2[%dma_start3A_307, %dma_start3A_308] : memref<10000x128xf32, #tpu.memory_space<hbm>> -> memref<10000x128xf32, #tpu.memory_space<hbm>>
      tpu.enqueue_indirect_dma source(%dma_start3A_309 : memref<10000x128xf32, #tpu.memory_space<hbm>>) target(%dma_start3A_303 : memref<128x128xf32, #tpu.memory_space<vmem>>) offsets(%dma_start3A_306 : memref<128xi32, #tpu.memory_space<vmem>>) semaphore(%arg11 : memref<!tpu.dma_semaphore, #tpu.memory_space<semaphore_mem>>)
      %dma_wait3A_310 = arith.constant 5 : i32
      %dma_wait3A_311 = arith.constant 1 : i32
      %dma_wait3A_312 = arith.constant 0 : i32
      %dma_wait3A_313 = arith.constant 0 : i32
      %dma_wait3A_314 = tpu.memref_slice %arg9[%dma_wait3A_311, %dma_wait3A_312, %dma_wait3A_313] : memref<2x128x128xf32, #tpu.memory_space<vmem>> -> memref<1x128x128xf32, #tpu.memory_space<vmem>>
      %dma_wait3A_315 = tpu.memref_squeeze %dma_wait3A_314 : memref<1x128x128xf32, #tpu.memory_space<vmem>> -> memref<128x128xf32, #tpu.memory_space<vmem>>
      %dma_wait3A_316 = arith.constant 0 : i32
      %dma_wait3A_317 = tpu.memref_slice %arg7[%rem3A_48, %dma_wait3A_310, %dma_wait3A_316] : memref<2x8x128xi32, #tpu.memory_space<vmem>> -> memref<1x1x128xi32, #tpu.memory_space<vmem>>
      %dma_wait3A_318 = tpu.memref_squeeze %dma_wait3A_317 : memref<1x1x128xi32, #tpu.memory_space<vmem>> -> memref<128xi32, #tpu.memory_space<vmem>>
      %dma_wait3A_319 = arith.constant 0 : i32
      %dma_wait3A_320 = arith.constant 0 : i32
      %dma_wait3A_321 = tpu.memref_slice %arg2[%dma_wait3A_319, %dma_wait3A_320] : memref<10000x128xf32, #tpu.memory_space<hbm>> -> memref<10000x128xf32, #tpu.memory_space<hbm>>
      tpu.wait_indirect_dma semaphore(%arg12 : memref<!tpu.dma_semaphore, #tpu.memory_space<semaphore_mem>>) src(%dma_wait3A_321 : memref<10000x128xf32, #tpu.memory_space<hbm>>) dst(%dma_wait3A_315 : memref<128x128xf32, #tpu.memory_space<vmem>>)
      %dma_start3A_322 = arith.constant 1 : i32
      %dma_start3A_323 = arith.constant 5 : i32
      %dma_start3A_324 = arith.constant 0 : i32
      %dma_start3A_325 = arith.constant 0 : i32
      %dma_start3A_326 = tpu.memref_slice %arg9[%dma_start3A_322, %dma_start3A_324, %dma_start3A_325] : memref<2x128x128xf32, #tpu.memory_space<vmem>> -> memref<1x128x128xf32, #tpu.memory_space<vmem>>
      %dma_start3A_327 = tpu.memref_squeeze %dma_start3A_326 : memref<1x128x128xf32, #tpu.memory_space<vmem>> -> memref<128x128xf32, #tpu.memory_space<vmem>>
      %dma_start3A_328 = arith.constant 0 : i32
      %dma_start3A_329 = tpu.memref_slice %arg8[%rem3A_48, %dma_start3A_323, %dma_start3A_328] : memref<2x8x128xi32, #tpu.memory_space<vmem>> -> memref<1x1x128xi32, #tpu.memory_space<vmem>>
      %dma_start3A_330 = tpu.memref_squeeze %dma_start3A_329 : memref<1x1x128xi32, #tpu.memory_space<vmem>> -> memref<128xi32, #tpu.memory_space<vmem>>
      %dma_start3A_331 = arith.constant 0 : i32
      %dma_start3A_332 = arith.constant 0 : i32
      %dma_start3A_333 = tpu.memref_slice %arg10[%dma_start3A_331, %dma_start3A_332] : memref<10240x128xf32, #tpu.memory_space<vmem_shared>> -> memref<10240x128xf32, #tpu.memory_space<vmem_shared>>
      tpu.enqueue_indirect_dma source(%dma_start3A_327 : memref<128x128xf32, #tpu.memory_space<vmem>>) target(%dma_start3A_333 : memref<10240x128xf32, #tpu.memory_space<vmem_shared>>) offsets(%dma_start3A_330 : memref<128xi32, #tpu.memory_space<vmem>>) semaphore(%arg14 : memref<!tpu.dma_semaphore, #tpu.memory_space<semaphore_mem>>) {add = true}
      %dma_wait3A_334 = arith.constant 1 : i32
      %dma_wait3A_335 = arith.constant 5 : i32
      %dma_wait3A_336 = arith.constant 0 : i32
      %dma_wait3A_337 = arith.constant 0 : i32
      %dma_wait3A_338 = tpu.memref_slice %arg9[%dma_wait3A_334, %dma_wait3A_336, %dma_wait3A_337] : memref<2x128x128xf32, #tpu.memory_space<vmem>> -> memref<1x128x128xf32, #tpu.memory_space<vmem>>
      %dma_wait3A_339 = tpu.memref_squeeze %dma_wait3A_338 : memref<1x128x128xf32, #tpu.memory_space<vmem>> -> memref<128x128xf32, #tpu.memory_space<vmem>>
      %dma_wait3A_340 = arith.constant 0 : i32
      %dma_wait3A_341 = tpu.memref_slice %arg8[%rem3A_48, %dma_wait3A_335, %dma_wait3A_340] : memref<2x8x128xi32, #tpu.memory_space<vmem>> -> memref<1x1x128xi32, #tpu.memory_space<vmem>>
      %dma_wait3A_342 = tpu.memref_squeeze %dma_wait3A_341 : memref<1x1x128xi32, #tpu.memory_space<vmem>> -> memref<128xi32, #tpu.memory_space<vmem>>
      %dma_wait3A_343 = arith.constant 0 : i32
      %dma_wait3A_344 = arith.constant 0 : i32
      %dma_wait3A_345 = tpu.memref_slice %arg10[%dma_wait3A_343, %dma_wait3A_344] : memref<10240x128xf32, #tpu.memory_space<vmem_shared>> -> memref<10240x128xf32, #tpu.memory_space<vmem_shared>>
      tpu.wait_indirect_dma semaphore(%arg14 : memref<!tpu.dma_semaphore, #tpu.memory_space<semaphore_mem>>) src(%dma_wait3A_339 : memref<128x128xf32, #tpu.memory_space<vmem>>) dst(%dma_wait3A_345 : memref<10240x128xf32, #tpu.memory_space<vmem_shared>>)
      %dma_start3A_346 = arith.constant 7 : i32
      %dma_start3A_347 = arith.constant 1 : i32
      %dma_start3A_348 = arith.constant 0 : i32
      %dma_start3A_349 = arith.constant 0 : i32
      %dma_start3A_350 = tpu.memref_slice %arg9[%dma_start3A_347, %dma_start3A_348, %dma_start3A_349] : memref<2x128x128xf32, #tpu.memory_space<vmem>> -> memref<1x128x128xf32, #tpu.memory_space<vmem>>
      %dma_start3A_351 = tpu.memref_squeeze %dma_start3A_350 : memref<1x128x128xf32, #tpu.memory_space<vmem>> -> memref<128x128xf32, #tpu.memory_space<vmem>>
      %dma_start3A_352 = arith.constant 0 : i32
      %dma_start3A_353 = tpu.memref_slice %arg7[%rem3A_48, %dma_start3A_346, %dma_start3A_352] : memref<2x8x128xi32, #tpu.memory_space<vmem>> -> memref<1x1x128xi32, #tpu.memory_space<vmem>>
      %dma_start3A_354 = tpu.memref_squeeze %dma_start3A_353 : memref<1x1x128xi32, #tpu.memory_space<vmem>> -> memref<128xi32, #tpu.memory_space<vmem>>
      %dma_start3A_355 = arith.constant 0 : i32
      %dma_start3A_356 = arith.constant 0 : i32
      %dma_start3A_357 = tpu.memref_slice %arg2[%dma_start3A_355, %dma_start3A_356] : memref<10000x128xf32, #tpu.memory_space<hbm>> -> memref<10000x128xf32, #tpu.memory_space<hbm>>
      tpu.enqueue_indirect_dma source(%dma_start3A_357 : memref<10000x128xf32, #tpu.memory_space<hbm>>) target(%dma_start3A_351 : memref<128x128xf32, #tpu.memory_space<vmem>>) offsets(%dma_start3A_354 : memref<128xi32, #tpu.memory_space<vmem>>) semaphore(%arg12 : memref<!tpu.dma_semaphore, #tpu.memory_space<semaphore_mem>>)
      %dma_wait3A_358 = arith.constant 6 : i32
      %dma_wait3A_359 = arith.constant 0 : i32
      %dma_wait3A_360 = arith.constant 0 : i32
      %dma_wait3A_361 = arith.constant 0 : i32
      %dma_wait3A_362 = tpu.memref_slice %arg9[%dma_wait3A_359, %dma_wait3A_360, %dma_wait3A_361] : memref<2x128x128xf32, #tpu.memory_space<vmem>> -> memref<1x128x128xf32, #tpu.memory_space<vmem>>
      %dma_wait3A_363 = tpu.memref_squeeze %dma_wait3A_362 : memref<1x128x128xf32, #tpu.memory_space<vmem>> -> memref<128x128xf32, #tpu.memory_space<vmem>>
      %dma_wait3A_364 = arith.constant 0 : i32
      %dma_wait3A_365 = tpu.memref_slice %arg7[%rem3A_48, %dma_wait3A_358, %dma_wait3A_364] : memref<2x8x128xi32, #tpu.memory_space<vmem>> -> memref<1x1x128xi32, #tpu.memory_space<vmem>>
      %dma_wait3A_366 = tpu.memref_squeeze %dma_wait3A_365 : memref<1x1x128xi32, #tpu.memory_space<vmem>> -> memref<128xi32, #tpu.memory_space<vmem>>
      %dma_wait3A_367 = arith.constant 0 : i32
      %dma_wait3A_368 = arith.constant 0 : i32
      %dma_wait3A_369 = tpu.memref_slice %arg2[%dma_wait3A_367, %dma_wait3A_368] : memref<10000x128xf32, #tpu.memory_space<hbm>> -> memref<10000x128xf32, #tpu.memory_space<hbm>>
      tpu.wait_indirect_dma semaphore(%arg11 : memref<!tpu.dma_semaphore, #tpu.memory_space<semaphore_mem>>) src(%dma_wait3A_369 : memref<10000x128xf32, #tpu.memory_space<hbm>>) dst(%dma_wait3A_363 : memref<128x128xf32, #tpu.memory_space<vmem>>)
      %dma_start3A_370 = arith.constant 0 : i32
      %dma_start3A_371 = arith.constant 6 : i32
      %dma_start3A_372 = arith.constant 0 : i32
      %dma_start3A_373 = arith.constant 0 : i32
      %dma_start3A_374 = tpu.memref_slice %arg9[%dma_start3A_370, %dma_start3A_372, %dma_start3A_373] : memref<2x128x128xf32, #tpu.memory_space<vmem>> -> memref<1x128x128xf32, #tpu.memory_space<vmem>>
      %dma_start3A_375 = tpu.memref_squeeze %dma_start3A_374 : memref<1x128x128xf32, #tpu.memory_space<vmem>> -> memref<128x128xf32, #tpu.memory_space<vmem>>
      %dma_start3A_376 = arith.constant 0 : i32
      %dma_start3A_377 = tpu.memref_slice %arg8[%rem3A_48, %dma_start3A_371, %dma_start3A_376] : memref<2x8x128xi32, #tpu.memory_space<vmem>> -> memref<1x1x128xi32, #tpu.memory_space<vmem>>
      %dma_start3A_378 = tpu.memref_squeeze %dma_start3A_377 : memref<1x1x128xi32, #tpu.memory_space<vmem>> -> memref<128xi32, #tpu.memory_space<vmem>>
      %dma_start3A_379 = arith.constant 0 : i32
      %dma_start3A_380 = arith.constant 0 : i32
      %dma_start3A_381 = tpu.memref_slice %arg10[%dma_start3A_379, %dma_start3A_380] : memref<10240x128xf32, #tpu.memory_space<vmem_shared>> -> memref<10240x128xf32, #tpu.memory_space<vmem_shared>>
      tpu.enqueue_indirect_dma source(%dma_start3A_375 : memref<128x128xf32, #tpu.memory_space<vmem>>) target(%dma_start3A_381 : memref<10240x128xf32, #tpu.memory_space<vmem_shared>>) offsets(%dma_start3A_378 : memref<128xi32, #tpu.memory_space<vmem>>) semaphore(%arg13 : memref<!tpu.dma_semaphore, #tpu.memory_space<semaphore_mem>>) {add = true}
      %add3A_382 = arith.constant 1 : i32
      %add3A_383 = arith.addi %scan3A_46, %add3A_382 : i32
      %lt3A_384 = arith.constant 10 : i32
      %lt3A_385 = arith.cmpi slt, %add3A_383, %lt3A_384 : i32
      %convert_element_type3A_386 = arith.extui %lt3A_385 : i1 to i32
      %cond3A_387 = arith.constant 0 : i32
      %cond3A_388 = arith.cmpi ne, %convert_element_type3A_386, %cond3A_387 : i32
      scf.if %cond3A_388 {
        %add3A_432 = arith.constant 1 : i32
        %add3A_433 = arith.addi %scan3A_46, %add3A_432 : i32
        %mul3A_434 = arith.constant 8 : i32
        %mul3A_435 = arith.muli %add3A_433, %mul3A_434 : i32
        %add3A_436 = arith.addi %mul3A_2, %mul3A_435 : i32
        %dma_wait3A_437 = arith.constant 0 : i32
        %dma_wait3A_438 = arith.constant 0 : i32
        %dma_wait3A_439 = tpu.memref_slice %arg7[%sub3A_49, %dma_wait3A_437, %dma_wait3A_438] : memref<2x8x128xi32, #tpu.memory_space<vmem>> -> memref<1x8x128xi32, #tpu.memory_space<vmem>>
        %dma_wait3A_440 = tpu.memref_squeeze %dma_wait3A_439 : memref<1x8x128xi32, #tpu.memory_space<vmem>> -> memref<8x128xi32, #tpu.memory_space<vmem>>
        %dma_wait3A_441 = arith.constant 0 : i32
        %dma_wait3A_442 = tpu.memref_slice %arg3[%add3A_436, %dma_wait3A_441] : memref<2560x128xi32, #tpu.memory_space<hbm>> -> memref<8x128xi32, #tpu.memory_space<hbm>>
        %dma_wait3A_443 = arith.constant 0 : i32
        %dma_wait3A_444 = arith.constant 0 : i32
        %dma_wait3A_445 = tpu.memref_slice %arg7[%sub3A_49, %dma_wait3A_443, %dma_wait3A_444] : memref<2x8x128xi32, #tpu.memory_space<vmem>> -> memref<1x8x128xi32, #tpu.memory_space<vmem>>
        %dma_wait3A_446 = tpu.memref_squeeze %dma_wait3A_445 : memref<1x8x128xi32, #tpu.memory_space<vmem>> -> memref<8x128xi32, #tpu.memory_space<vmem>>
        %dma_wait3A_447 = arith.constant 0 : i32
        %dma_wait3A_448 = tpu.memref_slice %arg3[%add3A_436, %dma_wait3A_447] : memref<2560x128xi32, #tpu.memory_space<hbm>> -> memref<8x128xi32, #tpu.memory_space<hbm>>
        tpu.wait_dma2 semaphore(%arg15 : memref<!tpu.dma_semaphore, #tpu.memory_space<semaphore_mem>>) src(%dma_wait3A_448 : memref<8x128xi32, #tpu.memory_space<hbm>>) dst(%dma_wait3A_446 : memref<8x128xi32, #tpu.memory_space<vmem>>)
        %add3A_449 = arith.constant 1 : i32
        %add3A_450 = arith.addi %scan3A_46, %add3A_449 : i32
        %mul3A_451 = arith.constant 8 : i32
        %mul3A_452 = arith.muli %add3A_450, %mul3A_451 : i32
        %add3A_453 = arith.addi %mul3A_2, %mul3A_452 : i32
        %dma_wait3A_454 = arith.constant 0 : i32
        %dma_wait3A_455 = arith.constant 0 : i32
        %dma_wait3A_456 = tpu.memref_slice %arg8[%sub3A_49, %dma_wait3A_454, %dma_wait3A_455] : memref<2x8x128xi32, #tpu.memory_space<vmem>> -> memref<1x8x128xi32, #tpu.memory_space<vmem>>
        %dma_wait3A_457 = tpu.memref_squeeze %dma_wait3A_456 : memref<1x8x128xi32, #tpu.memory_space<vmem>> -> memref<8x128xi32, #tpu.memory_space<vmem>>
        %dma_wait3A_458 = arith.constant 0 : i32
        %dma_wait3A_459 = tpu.memref_slice %arg4[%add3A_453, %dma_wait3A_458] : memref<2560x128xi32, #tpu.memory_space<hbm>> -> memref<8x128xi32, #tpu.memory_space<hbm>>
        %dma_wait3A_460 = arith.constant 0 : i32
        %dma_wait3A_461 = arith.constant 0 : i32
        %dma_wait3A_462 = tpu.memref_slice %arg8[%sub3A_49, %dma_wait3A_460, %dma_wait3A_461] : memref<2x8x128xi32, #tpu.memory_space<vmem>> -> memref<1x8x128xi32, #tpu.memory_space<vmem>>
        %dma_wait3A_463 = tpu.memref_squeeze %dma_wait3A_462 : memref<1x8x128xi32, #tpu.memory_space<vmem>> -> memref<8x128xi32, #tpu.memory_space<vmem>>
        %dma_wait3A_464 = arith.constant 0 : i32
        %dma_wait3A_465 = tpu.memref_slice %arg4[%add3A_453, %dma_wait3A_464] : memref<2560x128xi32, #tpu.memory_space<hbm>> -> memref<8x128xi32, #tpu.memory_space<hbm>>
        tpu.wait_dma2 semaphore(%arg16 : memref<!tpu.dma_semaphore, #tpu.memory_space<semaphore_mem>>) src(%dma_wait3A_465 : memref<8x128xi32, #tpu.memory_space<hbm>>) dst(%dma_wait3A_463 : memref<8x128xi32, #tpu.memory_space<vmem>>)
      } else {
      }
      %dma_wait3A_389 = arith.constant 0 : i32
      %dma_wait3A_390 = arith.constant 6 : i32
      %dma_wait3A_391 = arith.constant 0 : i32
      %dma_wait3A_392 = arith.constant 0 : i32
      %dma_wait3A_393 = tpu.memref_slice %arg9[%dma_wait3A_389, %dma_wait3A_391, %dma_wait3A_392] : memref<2x128x128xf32, #tpu.memory_space<vmem>> -> memref<1x128x128xf32, #tpu.memory_space<vmem>>
      %dma_wait3A_394 = tpu.memref_squeeze %dma_wait3A_393 : memref<1x128x128xf32, #tpu.memory_space<vmem>> -> memref<128x128xf32, #tpu.memory_space<vmem>>
      %dma_wait3A_395 = arith.constant 0 : i32
      %dma_wait3A_396 = tpu.memref_slice %arg8[%rem3A_48, %dma_wait3A_390, %dma_wait3A_395] : memref<2x8x128xi32, #tpu.memory_space<vmem>> -> memref<1x1x128xi32, #tpu.memory_space<vmem>>
      %dma_wait3A_397 = tpu.memref_squeeze %dma_wait3A_396 : memref<1x1x128xi32, #tpu.memory_space<vmem>> -> memref<128xi32, #tpu.memory_space<vmem>>
      %dma_wait3A_398 = arith.constant 0 : i32
      %dma_wait3A_399 = arith.constant 0 : i32
      %dma_wait3A_400 = tpu.memref_slice %arg10[%dma_wait3A_398, %dma_wait3A_399] : memref<10240x128xf32, #tpu.memory_space<vmem_shared>> -> memref<10240x128xf32, #tpu.memory_space<vmem_shared>>
      tpu.wait_indirect_dma semaphore(%arg13 : memref<!tpu.dma_semaphore, #tpu.memory_space<semaphore_mem>>) src(%dma_wait3A_394 : memref<128x128xf32, #tpu.memory_space<vmem>>) dst(%dma_wait3A_400 : memref<10240x128xf32, #tpu.memory_space<vmem_shared>>)
      %add3A_401 = arith.constant 1 : i32
      %add3A_402 = arith.addi %scan3A_46, %add3A_401 : i32
      %lt3A_403 = arith.constant 10 : i32
      %lt3A_404 = arith.cmpi slt, %add3A_402, %lt3A_403 : i32
      %convert_element_type3A_405 = arith.extui %lt3A_404 : i1 to i32
      %cond3A_406 = arith.constant 0 : i32
      %cond3A_407 = arith.cmpi ne, %convert_element_type3A_405, %cond3A_406 : i32
      scf.if %cond3A_407 {
        %dma_start3A_432 = arith.constant 0 : i32
        %dma_start3A_433 = arith.constant 0 : i32
        %dma_start3A_434 = arith.constant 0 : i32
        %dma_start3A_435 = arith.constant 0 : i32
        %dma_start3A_436 = tpu.memref_slice %arg9[%dma_start3A_433, %dma_start3A_434, %dma_start3A_435] : memref<2x128x128xf32, #tpu.memory_space<vmem>> -> memref<1x128x128xf32, #tpu.memory_space<vmem>>
        %dma_start3A_437 = tpu.memref_squeeze %dma_start3A_436 : memref<1x128x128xf32, #tpu.memory_space<vmem>> -> memref<128x128xf32, #tpu.memory_space<vmem>>
        %dma_start3A_438 = arith.constant 0 : i32
        %dma_start3A_439 = tpu.memref_slice %arg7[%sub3A_49, %dma_start3A_432, %dma_start3A_438] : memref<2x8x128xi32, #tpu.memory_space<vmem>> -> memref<1x1x128xi32, #tpu.memory_space<vmem>>
        %dma_start3A_440 = tpu.memref_squeeze %dma_start3A_439 : memref<1x1x128xi32, #tpu.memory_space<vmem>> -> memref<128xi32, #tpu.memory_space<vmem>>
        %dma_start3A_441 = arith.constant 0 : i32
        %dma_start3A_442 = arith.constant 0 : i32
        %dma_start3A_443 = tpu.memref_slice %arg2[%dma_start3A_441, %dma_start3A_442] : memref<10000x128xf32, #tpu.memory_space<hbm>> -> memref<10000x128xf32, #tpu.memory_space<hbm>>
        tpu.enqueue_indirect_dma source(%dma_start3A_443 : memref<10000x128xf32, #tpu.memory_space<hbm>>) target(%dma_start3A_437 : memref<128x128xf32, #tpu.memory_space<vmem>>) offsets(%dma_start3A_440 : memref<128xi32, #tpu.memory_space<vmem>>) semaphore(%arg11 : memref<!tpu.dma_semaphore, #tpu.memory_space<semaphore_mem>>)
      } else {
      }
      %dma_wait3A_408 = arith.constant 7 : i32
      %dma_wait3A_409 = arith.constant 1 : i32
      %dma_wait3A_410 = arith.constant 0 : i32
      %dma_wait3A_411 = arith.constant 0 : i32
      %dma_wait3A_412 = tpu.memref_slice %arg9[%dma_wait3A_409, %dma_wait3A_410, %dma_wait3A_411] : memref<2x128x128xf32, #tpu.memory_space<vmem>> -> memref<1x128x128xf32, #tpu.memory_space<vmem>>
      %dma_wait3A_413 = tpu.memref_squeeze %dma_wait3A_412 : memref<1x128x128xf32, #tpu.memory_space<vmem>> -> memref<128x128xf32, #tpu.memory_space<vmem>>
      %dma_wait3A_414 = arith.constant 0 : i32
      %dma_wait3A_415 = tpu.memref_slice %arg7[%rem3A_48, %dma_wait3A_408, %dma_wait3A_414] : memref<2x8x128xi32, #tpu.memory_space<vmem>> -> memref<1x1x128xi32, #tpu.memory_space<vmem>>
      %dma_wait3A_416 = tpu.memref_squeeze %dma_wait3A_415 : memref<1x1x128xi32, #tpu.memory_space<vmem>> -> memref<128xi32, #tpu.memory_space<vmem>>
      %dma_wait3A_417 = arith.constant 0 : i32
      %dma_wait3A_418 = arith.constant 0 : i32
      %dma_wait3A_419 = tpu.memref_slice %arg2[%dma_wait3A_417, %dma_wait3A_418] : memref<10000x128xf32, #tpu.memory_space<hbm>> -> memref<10000x128xf32, #tpu.memory_space<hbm>>
      tpu.wait_indirect_dma semaphore(%arg12 : memref<!tpu.dma_semaphore, #tpu.memory_space<semaphore_mem>>) src(%dma_wait3A_419 : memref<10000x128xf32, #tpu.memory_space<hbm>>) dst(%dma_wait3A_413 : memref<128x128xf32, #tpu.memory_space<vmem>>)
      %dma_start3A_420 = arith.constant 1 : i32
      %dma_start3A_421 = arith.constant 7 : i32
      %dma_start3A_422 = arith.constant 0 : i32
      %dma_start3A_423 = arith.constant 0 : i32
      %dma_start3A_424 = tpu.memref_slice %arg9[%dma_start3A_420, %dma_start3A_422, %dma_start3A_423] : memref<2x128x128xf32, #tpu.memory_space<vmem>> -> memref<1x128x128xf32, #tpu.memory_space<vmem>>
      %dma_start3A_425 = tpu.memref_squeeze %dma_start3A_424 : memref<1x128x128xf32, #tpu.memory_space<vmem>> -> memref<128x128xf32, #tpu.memory_space<vmem>>
      %dma_start3A_426 = arith.constant 0 : i32
      %dma_start3A_427 = tpu.memref_slice %arg8[%rem3A_48, %dma_start3A_421, %dma_start3A_426] : memref<2x8x128xi32, #tpu.memory_space<vmem>> -> memref<1x1x128xi32, #tpu.memory_space<vmem>>
      %dma_start3A_428 = tpu.memref_squeeze %dma_start3A_427 : memref<1x1x128xi32, #tpu.memory_space<vmem>> -> memref<128xi32, #tpu.memory_space<vmem>>
      %dma_start3A_429 = arith.constant 0 : i32
      %dma_start3A_430 = arith.constant 0 : i32
      %dma_start3A_431 = tpu.memref_slice %arg10[%dma_start3A_429, %dma_start3A_430] : memref<10240x128xf32, #tpu.memory_space<vmem_shared>> -> memref<10240x128xf32, #tpu.memory_space<vmem_shared>>
      tpu.enqueue_indirect_dma source(%dma_start3A_425 : memref<128x128xf32, #tpu.memory_space<vmem>>) target(%dma_start3A_431 : memref<10240x128xf32, #tpu.memory_space<vmem_shared>>) offsets(%dma_start3A_428 : memref<128xi32, #tpu.memory_space<vmem>>) semaphore(%arg14 : memref<!tpu.dma_semaphore, #tpu.memory_space<semaphore_mem>>) {add = true}
    }
    %scan3A_24 = arith.constant 10 : i32
    %rem3A = arith.constant 9 : i32
    %rem3A_25 = arith.constant 2 : i32
    %rem3A_26 = arith.remsi %rem3A, %rem3A_25 : i32
    %dma_wait3A = arith.constant 1 : i32
    %dma_wait3A_27 = arith.constant 7 : i32
    %dma_wait3A_28 = arith.constant 0 : i32
    %dma_wait3A_29 = arith.constant 0 : i32
    %dma_wait3A_30 = tpu.memref_slice %arg9[%dma_wait3A, %dma_wait3A_28, %dma_wait3A_29] : memref<2x128x128xf32, #tpu.memory_space<vmem>> -> memref<1x128x128xf32, #tpu.memory_space<vmem>>
    %dma_wait3A_31 = tpu.memref_squeeze %dma_wait3A_30 : memref<1x128x128xf32, #tpu.memory_space<vmem>> -> memref<128x128xf32, #tpu.memory_space<vmem>>
    %dma_wait3A_32 = arith.constant 0 : i32
    %dma_wait3A_33 = tpu.memref_slice %arg8[%rem3A_26, %dma_wait3A_27, %dma_wait3A_32] : memref<2x8x128xi32, #tpu.memory_space<vmem>> -> memref<1x1x128xi32, #tpu.memory_space<vmem>>
    %dma_wait3A_34 = tpu.memref_squeeze %dma_wait3A_33 : memref<1x1x128xi32, #tpu.memory_space<vmem>> -> memref<128xi32, #tpu.memory_space<vmem>>
    %dma_wait3A_35 = arith.constant 0 : i32
    %dma_wait3A_36 = arith.constant 0 : i32
    %dma_wait3A_37 = tpu.memref_slice %arg10[%dma_wait3A_35, %dma_wait3A_36] : memref<10240x128xf32, #tpu.memory_space<vmem_shared>> -> memref<10240x128xf32, #tpu.memory_space<vmem_shared>>
    tpu.wait_indirect_dma semaphore(%arg14 : memref<!tpu.dma_semaphore, #tpu.memory_space<semaphore_mem>>) src(%dma_wait3A_31 : memref<128x128xf32, #tpu.memory_space<vmem>>) dst(%dma_wait3A_37 : memref<10240x128xf32, #tpu.memory_space<vmem_shared>>)
    %barrier3A_38 = arith.constant 0 : index
    tpu.barrier barrier_id(%barrier3A_38)
    %mul3A_39 = arith.constant 640 : i32
    %mul3A_40 = arith.muli %arg1, %mul3A_39 : i32
    %mul3A_41 = arith.constant 10240 : i32
    %mul3A_42 = arith.muli %arg0, %mul3A_41 : i32
    %mul3A_43 = arith.constant 640 : i32
    %mul3A_44 = arith.muli %arg1, %mul3A_43 : i32
    %add3A_45 = arith.addi %mul3A_42, %mul3A_44 : i32
    "tpu.region"() ({
      %run_scoped3A_46 = tpu.sem_alloc : memref<!tpu.dma_semaphore, #tpu.memory_space<semaphore_mem>>
      %dma_start3A_47 = arith.constant 0 : i32
      %dma_start3A_48 = tpu.memref_slice %arg6[%add3A_45, %dma_start3A_47] : memref<20480x128xf32, #tpu.memory_space<hbm>> -> memref<640x128xf32, #tpu.memory_space<hbm>>
      %dma_start3A_49 = arith.constant 0 : i32
      %dma_start3A_50 = tpu.memref_slice %arg10[%mul3A_40, %dma_start3A_49] : memref<10240x128xf32, #tpu.memory_space<vmem_shared>> -> memref<640x128xf32, #tpu.memory_space<vmem_shared>>
      tpu.enqueue_dma source(%dma_start3A_50 : memref<640x128xf32, #tpu.memory_space<vmem_shared>>) target(%dma_start3A_48 : memref<640x128xf32, #tpu.memory_space<hbm>>) target_semaphore(%run_scoped3A_46 : memref<!tpu.dma_semaphore, #tpu.memory_space<semaphore_mem>>)
      %dma_wait3A_51 = arith.constant 0 : i32
      %dma_wait3A_52 = tpu.memref_slice %arg6[%add3A_45, %dma_wait3A_51] : memref<20480x128xf32, #tpu.memory_space<hbm>> -> memref<640x128xf32, #tpu.memory_space<hbm>>
      %dma_wait3A_53 = arith.constant 0 : i32
      %dma_wait3A_54 = tpu.memref_slice %arg10[%mul3A_40, %dma_wait3A_53] : memref<10240x128xf32, #tpu.memory_space<vmem_shared>> -> memref<640x128xf32, #tpu.memory_space<vmem_shared>>
      tpu.wait_dma2 semaphore(%run_scoped3A_46 : memref<!tpu.dma_semaphore, #tpu.memory_space<semaphore_mem>>) src(%dma_wait3A_54 : memref<640x128xf32, #tpu.memory_space<vmem_shared>>) dst(%dma_wait3A_52 : memref<640x128xf32, #tpu.memory_space<hbm>>)
      tpu.yield
    }) : () -> ()
    return
  }
}

#map = affine_map<(d0, d1) -> (0, 0)>
#map1 = affine_map<(d0, d1) -> (0)>
module attributes {stable_mosaic.version = 14 : i64} {
  func.func @_deg_sc(%arg0: i32, %arg1: i32, %arg2: memref<2560x128xi32, #tpu.memory_space<hbm>>, %arg3: memref<128xf32, #tpu.memory_space<hbm>>, %arg4: memref<10240xf32, #tpu.memory_space<hbm>>, %arg5: memref<20480xf32, #tpu.memory_space<hbm>>, %arg6: memref<80x128xi32, #tpu.memory_space<vmem>>, %arg7: memref<128xf32, #tpu.memory_space<vmem>>, %arg8: memref<10240xf32, #tpu.memory_space<vmem_shared>>) attributes {dimension_semantics = [#tpu.dimension_semantics<core_parallel>, #tpu.dimension_semantics<subcore_parallel>], iteration_bounds = array<i64: 2, 16>, scalar_prefetch = 0 : i64, scratch_operands = 3 : i64, tpu.core_type = #tpu.core_type<sc_vector_subcore>, window_params = [{transform_indices = #map}, {transform_indices = #map1}, {transform_indices = #map1}, {transform_indices = #map1}]} {
    %mul3A = arith.constant 16 : i32
    %mul3A_0 = arith.muli %arg0, %mul3A : i32
    %add3A = arith.addi %mul3A_0, %arg1 : i32
    "tpu.region"() ({
      %run_scoped3A = tpu.sem_alloc : memref<!tpu.dma_semaphore, #tpu.memory_space<semaphore_mem>>
      tpu.enqueue_dma source(%arg3 : memref<128xf32, #tpu.memory_space<hbm>>) target(%arg7 : memref<128xf32, #tpu.memory_space<vmem>>) target_semaphore(%run_scoped3A : memref<!tpu.dma_semaphore, #tpu.memory_space<semaphore_mem>>)
      tpu.wait_dma2 semaphore(%run_scoped3A : memref<!tpu.dma_semaphore, #tpu.memory_space<semaphore_mem>>) src(%arg3 : memref<128xf32, #tpu.memory_space<hbm>>) dst(%arg7 : memref<128xf32, #tpu.memory_space<vmem>>)
      tpu.yield
    }) : () -> ()
    %mul3A_1 = arith.constant 80 : i32
    %mul3A_2 = arith.muli %add3A, %mul3A_1 : i32
    "tpu.region"() ({
      %run_scoped3A = tpu.sem_alloc : memref<!tpu.dma_semaphore, #tpu.memory_space<semaphore_mem>>
      %dma_start3A = arith.constant 0 : i32
      %dma_start3A_20 = tpu.memref_slice %arg2[%mul3A_2, %dma_start3A] : memref<2560x128xi32, #tpu.memory_space<hbm>> -> memref<80x128xi32, #tpu.memory_space<hbm>>
      %dma_start3A_21 = arith.constant 0 : i32
      %dma_start3A_22 = tpu.memref_slice %arg2[%mul3A_2, %dma_start3A_21] : memref<2560x128xi32, #tpu.memory_space<hbm>> -> memref<80x128xi32, #tpu.memory_space<hbm>>
      tpu.enqueue_dma source(%dma_start3A_22 : memref<80x128xi32, #tpu.memory_space<hbm>>) target(%arg6 : memref<80x128xi32, #tpu.memory_space<vmem>>) target_semaphore(%run_scoped3A : memref<!tpu.dma_semaphore, #tpu.memory_space<semaphore_mem>>)
      %dma_wait3A = arith.constant 0 : i32
      %dma_wait3A_23 = tpu.memref_slice %arg2[%mul3A_2, %dma_wait3A] : memref<2560x128xi32, #tpu.memory_space<hbm>> -> memref<80x128xi32, #tpu.memory_space<hbm>>
      %dma_wait3A_24 = arith.constant 0 : i32
      %dma_wait3A_25 = tpu.memref_slice %arg2[%mul3A_2, %dma_wait3A_24] : memref<2560x128xi32, #tpu.memory_space<hbm>> -> memref<80x128xi32, #tpu.memory_space<hbm>>
      tpu.wait_dma2 semaphore(%run_scoped3A : memref<!tpu.dma_semaphore, #tpu.memory_space<semaphore_mem>>) src(%dma_wait3A_25 : memref<80x128xi32, #tpu.memory_space<hbm>>) dst(%arg6 : memref<80x128xi32, #tpu.memory_space<vmem>>)
      tpu.yield
    }) : () -> ()
    %mul3A_3 = arith.constant 640 : i32
    %mul3A_4 = arith.muli %arg1, %mul3A_3 : i32
    %mul3A_5 = arith.constant 640 : i32
    %mul3A_6 = arith.muli %arg1, %mul3A_5 : i32
    "tpu.region"() ({
      %run_scoped3A = tpu.sem_alloc : memref<!tpu.dma_semaphore, #tpu.memory_space<semaphore_mem>>
      %dma_start3A = tpu.memref_slice %arg8[%mul3A_6] : memref<10240xf32, #tpu.memory_space<vmem_shared>> -> memref<640xf32, #tpu.memory_space<vmem_shared>>
      %dma_start3A_20 = tpu.memref_slice %arg4[%mul3A_4] : memref<10240xf32, #tpu.memory_space<hbm>> -> memref<640xf32, #tpu.memory_space<hbm>>
      tpu.enqueue_dma source(%dma_start3A_20 : memref<640xf32, #tpu.memory_space<hbm>>) target(%dma_start3A : memref<640xf32, #tpu.memory_space<vmem_shared>>) target_semaphore(%run_scoped3A : memref<!tpu.dma_semaphore, #tpu.memory_space<semaphore_mem>>)
      %dma_wait3A = tpu.memref_slice %arg8[%mul3A_6] : memref<10240xf32, #tpu.memory_space<vmem_shared>> -> memref<640xf32, #tpu.memory_space<vmem_shared>>
      %dma_wait3A_21 = tpu.memref_slice %arg4[%mul3A_4] : memref<10240xf32, #tpu.memory_space<hbm>> -> memref<640xf32, #tpu.memory_space<hbm>>
      tpu.wait_dma2 semaphore(%run_scoped3A : memref<!tpu.dma_semaphore, #tpu.memory_space<semaphore_mem>>) src(%dma_wait3A_21 : memref<640xf32, #tpu.memory_space<hbm>>) dst(%dma_wait3A : memref<640xf32, #tpu.memory_space<vmem_shared>>)
      tpu.yield
    }) : () -> ()
    %barrier3A = arith.constant 0 : index
    tpu.barrier barrier_id(%barrier3A)
    %scan3A = arith.constant 0 : i32
    %scan3A_7 = arith.constant 0 : i32
    %scan3A_8 = arith.constant 80 : i32
    %scan3A_9 = arith.addi %scan3A_7, %scan3A_8 : i32
    %scan3A_10 = arith.constant 1 : i32
    scf.for %scan3A_20 = %scan3A_7 to %scan3A_9 step %scan3A_10  : i32 {
      "tpu.region"() ({
        %run_scoped3A = tpu.sem_alloc : memref<!tpu.dma_semaphore, #tpu.memory_space<semaphore_mem>>
        %dma_start3A = arith.constant 0 : i32
        %dma_start3A_21 = tpu.memref_slice %arg6[%scan3A_20, %dma_start3A] : memref<80x128xi32, #tpu.memory_space<vmem>> -> memref<1x128xi32, #tpu.memory_space<vmem>>
        %dma_start3A_22 = tpu.memref_squeeze %dma_start3A_21 : memref<1x128xi32, #tpu.memory_space<vmem>> -> memref<128xi32, #tpu.memory_space<vmem>>
        %dma_start3A_23 = arith.constant 0 : i32
        %dma_start3A_24 = tpu.memref_slice %arg8[%dma_start3A_23] : memref<10240xf32, #tpu.memory_space<vmem_shared>> -> memref<10240xf32, #tpu.memory_space<vmem_shared>>
        tpu.enqueue_indirect_dma source(%arg7 : memref<128xf32, #tpu.memory_space<vmem>>) target(%dma_start3A_24 : memref<10240xf32, #tpu.memory_space<vmem_shared>>) offsets(%dma_start3A_22 : memref<128xi32, #tpu.memory_space<vmem>>) semaphore(%run_scoped3A : memref<!tpu.dma_semaphore, #tpu.memory_space<semaphore_mem>>) {add = true}
        %dma_wait3A = arith.constant 0 : i32
        %dma_wait3A_25 = tpu.memref_slice %arg6[%scan3A_20, %dma_wait3A] : memref<80x128xi32, #tpu.memory_space<vmem>> -> memref<1x128xi32, #tpu.memory_space<vmem>>
        %dma_wait3A_26 = tpu.memref_squeeze %dma_wait3A_25 : memref<1x128xi32, #tpu.memory_space<vmem>> -> memref<128xi32, #tpu.memory_space<vmem>>
        %dma_wait3A_27 = arith.constant 0 : i32
        %dma_wait3A_28 = tpu.memref_slice %arg8[%dma_wait3A_27] : memref<10240xf32, #tpu.memory_space<vmem_shared>> -> memref<10240xf32, #tpu.memory_space<vmem_shared>>
        tpu.wait_indirect_dma semaphore(%run_scoped3A : memref<!tpu.dma_semaphore, #tpu.memory_space<semaphore_mem>>) src(%arg7 : memref<128xf32, #tpu.memory_space<vmem>>) dst(%dma_wait3A_28 : memref<10240xf32, #tpu.memory_space<vmem_shared>>)
        tpu.yield
      }) : () -> ()
    }
    %scan3A_11 = arith.constant 80 : i32
    %barrier3A_12 = arith.constant 0 : index
    tpu.barrier barrier_id(%barrier3A_12)
    %mul3A_13 = arith.constant 640 : i32
    %mul3A_14 = arith.muli %arg1, %mul3A_13 : i32
    %mul3A_15 = arith.constant 10240 : i32
    %mul3A_16 = arith.muli %arg0, %mul3A_15 : i32
    %mul3A_17 = arith.constant 640 : i32
    %mul3A_18 = arith.muli %arg1, %mul3A_17 : i32
    %add3A_19 = arith.addi %mul3A_16, %mul3A_18 : i32
    "tpu.region"() ({
      %run_scoped3A = tpu.sem_alloc : memref<!tpu.dma_semaphore, #tpu.memory_space<semaphore_mem>>
      %dma_start3A = tpu.memref_slice %arg5[%add3A_19] : memref<20480xf32, #tpu.memory_space<hbm>> -> memref<640xf32, #tpu.memory_space<hbm>>
      %dma_start3A_20 = tpu.memref_slice %arg8[%mul3A_14] : memref<10240xf32, #tpu.memory_space<vmem_shared>> -> memref<640xf32, #tpu.memory_space<vmem_shared>>
      tpu.enqueue_dma source(%dma_start3A_20 : memref<640xf32, #tpu.memory_space<vmem_shared>>) target(%dma_start3A : memref<640xf32, #tpu.memory_space<hbm>>) target_semaphore(%run_scoped3A : memref<!tpu.dma_semaphore, #tpu.memory_space<semaphore_mem>>)
      %dma_wait3A = tpu.memref_slice %arg5[%add3A_19] : memref<20480xf32, #tpu.memory_space<hbm>> -> memref<640xf32, #tpu.memory_space<hbm>>
      %dma_wait3A_21 = tpu.memref_slice %arg8[%mul3A_14] : memref<10240xf32, #tpu.memory_space<vmem_shared>> -> memref<640xf32, #tpu.memory_space<vmem_shared>>
      tpu.wait_dma2 semaphore(%run_scoped3A : memref<!tpu.dma_semaphore, #tpu.memory_space<semaphore_mem>>) src(%dma_wait3A_21 : memref<640xf32, #tpu.memory_space<vmem_shared>>) dst(%dma_wait3A : memref<640xf32, #tpu.memory_space<hbm>>)
      tpu.yield
    }) : () -> ()
    return
  }
}

#map = affine_map<(d0, d1) -> (0, 0)>
module attributes {stable_mosaic.version = 14 : i64} {
  func.func @_segsum_sc(%arg0: i32, %arg1: i32, %arg2: memref<10000x128xf32, #tpu.memory_space<hbm>>, %arg3: memref<2560x128xi32, #tpu.memory_space<hbm>>, %arg4: memref<2560x128xi32, #tpu.memory_space<hbm>>, %arg5: memref<10240x128xf32, #tpu.memory_space<hbm>>, %arg6: memref<20480x128xf32, #tpu.memory_space<hbm>>, %arg7: memref<2x8x128xi32, #tpu.memory_space<vmem>>, %arg8: memref<2x8x128xi32, #tpu.memory_space<vmem>>, %arg9: memref<2x128x128xf32, #tpu.memory_space<vmem>>, %arg10: memref<10240x128xf32, #tpu.memory_space<vmem_shared>>, %arg11: memref<!tpu.dma_semaphore, #tpu.memory_space<semaphore_mem>>, %arg12: memref<!tpu.dma_semaphore, #tpu.memory_space<semaphore_mem>>, %arg13: memref<!tpu.dma_semaphore, #tpu.memory_space<semaphore_mem>>, %arg14: memref<!tpu.dma_semaphore, #tpu.memory_space<semaphore_mem>>, %arg15: memref<!tpu.dma_semaphore, #tpu.memory_space<semaphore_mem>>, %arg16: memref<!tpu.dma_semaphore, #tpu.memory_space<semaphore_mem>>) attributes {dimension_semantics = [#tpu.dimension_semantics<core_parallel>, #tpu.dimension_semantics<subcore_parallel>], iteration_bounds = array<i64: 2, 16>, scalar_prefetch = 0 : i64, scratch_operands = 10 : i64, tpu.core_type = #tpu.core_type<sc_vector_subcore>, window_params = [{transform_indices = #map}, {transform_indices = #map}, {transform_indices = #map}, {transform_indices = #map}, {transform_indices = #map}]} {
    %mul3A = arith.constant 16 : i32
    %mul3A_0 = arith.muli %arg0, %mul3A : i32
    %add3A = arith.addi %mul3A_0, %arg1 : i32
    %mul3A_1 = arith.constant 80 : i32
    %mul3A_2 = arith.muli %add3A, %mul3A_1 : i32
    %run_scoped3A = arith.constant 0 : i32
    "tpu.region"() ({
      %run_scoped3A_46 = tpu.sem_alloc : memref<!tpu.dma_semaphore, #tpu.memory_space<semaphore_mem>>
      %dma_start3A_47 = arith.constant 0 : i32
      %dma_start3A_48 = arith.constant 0 : i32
      %dma_start3A_49 = tpu.memref_slice %arg7[%run_scoped3A, %dma_start3A_47, %dma_start3A_48] : memref<2x8x128xi32, #tpu.memory_space<vmem>> -> memref<1x8x128xi32, #tpu.memory_space<vmem>>
      %dma_start3A_50 = tpu.memref_squeeze %dma_start3A_49 : memref<1x8x128xi32, #tpu.memory_space<vmem>> -> memref<8x128xi32, #tpu.memory_space<vmem>>
      %dma_start3A_51 = arith.constant 0 : i32
      %dma_start3A_52 = tpu.memref_slice %arg3[%mul3A_2, %dma_start3A_51] : memref<2560x128xi32, #tpu.memory_space<hbm>> -> memref<8x128xi32, #tpu.memory_space<hbm>>
      %dma_start3A_53 = arith.constant 0 : i32
      %dma_start3A_54 = arith.constant 0 : i32
      %dma_start3A_55 = tpu.memref_slice %arg7[%run_scoped3A, %dma_start3A_53, %dma_start3A_54] : memref<2x8x128xi32, #tpu.memory_space<vmem>> -> memref<1x8x128xi32, #tpu.memory_space<vmem>>
      %dma_start3A_56 = tpu.memref_squeeze %dma_start3A_55 : memref<1x8x128xi32, #tpu.memory_space<vmem>> -> memref<8x128xi32, #tpu.memory_space<vmem>>
      %dma_start3A_57 = arith.constant 0 : i32
      %dma_start3A_58 = tpu.memref_slice %arg3[%mul3A_2, %dma_start3A_57] : memref<2560x128xi32, #tpu.memory_space<hbm>> -> memref<8x128xi32, #tpu.memory_space<hbm>>
      tpu.enqueue_dma source(%dma_start3A_58 : memref<8x128xi32, #tpu.memory_space<hbm>>) target(%dma_start3A_56 : memref<8x128xi32, #tpu.memory_space<vmem>>) target_semaphore(%run_scoped3A_46 : memref<!tpu.dma_semaphore, #tpu.memory_space<semaphore_mem>>)
      %dma_wait3A_59 = arith.constant 0 : i32
      %dma_wait3A_60 = arith.constant 0 : i32
      %dma_wait3A_61 = tpu.memref_slice %arg7[%run_scoped3A, %dma_wait3A_59, %dma_wait3A_60] : memref<2x8x128xi32, #tpu.memory_space<vmem>> -> memref<1x8x128xi32, #tpu.memory_space<vmem>>
      %dma_wait3A_62 = tpu.memref_squeeze %dma_wait3A_61 : memref<1x8x128xi32, #tpu.memory_space<vmem>> -> memref<8x128xi32, #tpu.memory_space<vmem>>
      %dma_wait3A_63 = arith.constant 0 : i32
      %dma_wait3A_64 = tpu.memref_slice %arg3[%mul3A_2, %dma_wait3A_63] : memref<2560x128xi32, #tpu.memory_space<hbm>> -> memref<8x128xi32, #tpu.memory_space<hbm>>
      %dma_wait3A_65 = arith.constant 0 : i32
      %dma_wait3A_66 = arith.constant 0 : i32
      %dma_wait3A_67 = tpu.memref_slice %arg7[%run_scoped3A, %dma_wait3A_65, %dma_wait3A_66] : memref<2x8x128xi32, #tpu.memory_space<vmem>> -> memref<1x8x128xi32, #tpu.memory_space<vmem>>
      %dma_wait3A_68 = tpu.memref_squeeze %dma_wait3A_67 : memref<1x8x128xi32, #tpu.memory_space<vmem>> -> memref<8x128xi32, #tpu.memory_space<vmem>>
      %dma_wait3A_69 = arith.constant 0 : i32
      %dma_wait3A_70 = tpu.memref_slice %arg3[%mul3A_2, %dma_wait3A_69] : memref<2560x128xi32, #tpu.memory_space<hbm>> -> memref<8x128xi32, #tpu.memory_space<hbm>>
      tpu.wait_dma2 semaphore(%run_scoped3A_46 : memref<!tpu.dma_semaphore, #tpu.memory_space<semaphore_mem>>) src(%dma_wait3A_70 : memref<8x128xi32, #tpu.memory_space<hbm>>) dst(%dma_wait3A_68 : memref<8x128xi32, #tpu.memory_space<vmem>>)
      tpu.yield
    }) : () -> ()
    %run_scoped3A_3 = arith.constant 0 : i32
    "tpu.region"() ({
      %run_scoped3A_46 = tpu.sem_alloc : memref<!tpu.dma_semaphore, #tpu.memory_space<semaphore_mem>>
      %dma_start3A_47 = arith.constant 0 : i32
      %dma_start3A_48 = arith.constant 0 : i32
      %dma_start3A_49 = tpu.memref_slice %arg8[%run_scoped3A_3, %dma_start3A_47, %dma_start3A_48] : memref<2x8x128xi32, #tpu.memory_space<vmem>> -> memref<1x8x128xi32, #tpu.memory_space<vmem>>
      %dma_start3A_50 = tpu.memref_squeeze %dma_start3A_49 : memref<1x8x128xi32, #tpu.memory_space<vmem>> -> memref<8x128xi32, #tpu.memory_space<vmem>>
      %dma_start3A_51 = arith.constant 0 : i32
      %dma_start3A_52 = tpu.memref_slice %arg4[%mul3A_2, %dma_start3A_51] : memref<2560x128xi32, #tpu.memory_space<hbm>> -> memref<8x128xi32, #tpu.memory_space<hbm>>
      %dma_start3A_53 = arith.constant 0 : i32
      %dma_start3A_54 = arith.constant 0 : i32
      %dma_start3A_55 = tpu.memref_slice %arg8[%run_scoped3A_3, %dma_start3A_53, %dma_start3A_54] : memref<2x8x128xi32, #tpu.memory_space<vmem>> -> memref<1x8x128xi32, #tpu.memory_space<vmem>>
      %dma_start3A_56 = tpu.memref_squeeze %dma_start3A_55 : memref<1x8x128xi32, #tpu.memory_space<vmem>> -> memref<8x128xi32, #tpu.memory_space<vmem>>
      %dma_start3A_57 = arith.constant 0 : i32
      %dma_start3A_58 = tpu.memref_slice %arg4[%mul3A_2, %dma_start3A_57] : memref<2560x128xi32, #tpu.memory_space<hbm>> -> memref<8x128xi32, #tpu.memory_space<hbm>>
      tpu.enqueue_dma source(%dma_start3A_58 : memref<8x128xi32, #tpu.memory_space<hbm>>) target(%dma_start3A_56 : memref<8x128xi32, #tpu.memory_space<vmem>>) target_semaphore(%run_scoped3A_46 : memref<!tpu.dma_semaphore, #tpu.memory_space<semaphore_mem>>)
      %dma_wait3A_59 = arith.constant 0 : i32
      %dma_wait3A_60 = arith.constant 0 : i32
      %dma_wait3A_61 = tpu.memref_slice %arg8[%run_scoped3A_3, %dma_wait3A_59, %dma_wait3A_60] : memref<2x8x128xi32, #tpu.memory_space<vmem>> -> memref<1x8x128xi32, #tpu.memory_space<vmem>>
      %dma_wait3A_62 = tpu.memref_squeeze %dma_wait3A_61 : memref<1x8x128xi32, #tpu.memory_space<vmem>> -> memref<8x128xi32, #tpu.memory_space<vmem>>
      %dma_wait3A_63 = arith.constant 0 : i32
      %dma_wait3A_64 = tpu.memref_slice %arg4[%mul3A_2, %dma_wait3A_63] : memref<2560x128xi32, #tpu.memory_space<hbm>> -> memref<8x128xi32, #tpu.memory_space<hbm>>
      %dma_wait3A_65 = arith.constant 0 : i32
      %dma_wait3A_66 = arith.constant 0 : i32
      %dma_wait3A_67 = tpu.memref_slice %arg8[%run_scoped3A_3, %dma_wait3A_65, %dma_wait3A_66] : memref<2x8x128xi32, #tpu.memory_space<vmem>> -> memref<1x8x128xi32, #tpu.memory_space<vmem>>
      %dma_wait3A_68 = tpu.memref_squeeze %dma_wait3A_67 : memref<1x8x128xi32, #tpu.memory_space<vmem>> -> memref<8x128xi32, #tpu.memory_space<vmem>>
      %dma_wait3A_69 = arith.constant 0 : i32
      %dma_wait3A_70 = tpu.memref_slice %arg4[%mul3A_2, %dma_wait3A_69] : memref<2560x128xi32, #tpu.memory_space<hbm>> -> memref<8x128xi32, #tpu.memory_space<hbm>>
      tpu.wait_dma2 semaphore(%run_scoped3A_46 : memref<!tpu.dma_semaphore, #tpu.memory_space<semaphore_mem>>) src(%dma_wait3A_70 : memref<8x128xi32, #tpu.memory_space<hbm>>) dst(%dma_wait3A_68 : memref<8x128xi32, #tpu.memory_space<vmem>>)
      tpu.yield
    }) : () -> ()
    %mul3A_4 = arith.constant 640 : i32
    %mul3A_5 = arith.muli %arg1, %mul3A_4 : i32
    %mul3A_6 = arith.constant 640 : i32
    %mul3A_7 = arith.muli %arg1, %mul3A_6 : i32
    "tpu.region"() ({
      %run_scoped3A_46 = tpu.sem_alloc : memref<!tpu.dma_semaphore, #tpu.memory_space<semaphore_mem>>
      %dma_start3A_47 = arith.constant 0 : i32
      %dma_start3A_48 = tpu.memref_slice %arg10[%mul3A_7, %dma_start3A_47] : memref<10240x128xf32, #tpu.memory_space<vmem_shared>> -> memref<640x128xf32, #tpu.memory_space<vmem_shared>>
      %dma_start3A_49 = arith.constant 0 : i32
      %dma_start3A_50 = tpu.memref_slice %arg5[%mul3A_5, %dma_start3A_49] : memref<10240x128xf32, #tpu.memory_space<hbm>> -> memref<640x128xf32, #tpu.memory_space<hbm>>
      tpu.enqueue_dma source(%dma_start3A_50 : memref<640x128xf32, #tpu.memory_space<hbm>>) target(%dma_start3A_48 : memref<640x128xf32, #tpu.memory_space<vmem_shared>>) target_semaphore(%run_scoped3A_46 : memref<!tpu.dma_semaphore, #tpu.memory_space<semaphore_mem>>)
      %dma_wait3A_51 = arith.constant 0 : i32
      %dma_wait3A_52 = tpu.memref_slice %arg10[%mul3A_7, %dma_wait3A_51] : memref<10240x128xf32, #tpu.memory_space<vmem_shared>> -> memref<640x128xf32, #tpu.memory_space<vmem_shared>>
      %dma_wait3A_53 = arith.constant 0 : i32
      %dma_wait3A_54 = tpu.memref_slice %arg5[%mul3A_5, %dma_wait3A_53] : memref<10240x128xf32, #tpu.memory_space<hbm>> -> memref<640x128xf32, #tpu.memory_space<hbm>>
      tpu.wait_dma2 semaphore(%run_scoped3A_46 : memref<!tpu.dma_semaphore, #tpu.memory_space<semaphore_mem>>) src(%dma_wait3A_54 : memref<640x128xf32, #tpu.memory_space<hbm>>) dst(%dma_wait3A_52 : memref<640x128xf32, #tpu.memory_space<vmem_shared>>)
      tpu.yield
    }) : () -> ()
    %barrier3A = arith.constant 0 : index
    tpu.barrier barrier_id(%barrier3A)
    %dma_start3A = arith.constant 0 : i32
    %dma_start3A_8 = arith.constant 0 : i32
    %dma_start3A_9 = arith.constant 0 : i32
    %dma_start3A_10 = arith.constant 0 : i32
    %dma_start3A_11 = arith.constant 0 : i32
    %dma_start3A_12 = tpu.memref_slice %arg9[%dma_start3A_9, %dma_start3A_10, %dma_start3A_11] : memref<2x128x128xf32, #tpu.memory_space<vmem>> -> memref<1x128x128xf32, #tpu.memory_space<vmem>>
    %dma_start3A_13 = tpu.memref_squeeze %dma_start3A_12 : memref<1x128x128xf32, #tpu.memory_space<vmem>> -> memref<128x128xf32, #tpu.memory_space<vmem>>
    %dma_start3A_14 = arith.constant 0 : i32
    %dma_start3A_15 = tpu.memref_slice %arg7[%dma_start3A, %dma_start3A_8, %dma_start3A_14] : memref<2x8x128xi32, #tpu.memory_space<vmem>> -> memref<1x1x128xi32, #tpu.memory_space<vmem>>
    %dma_start3A_16 = tpu.memref_squeeze %dma_start3A_15 : memref<1x1x128xi32, #tpu.memory_space<vmem>> -> memref<128xi32, #tpu.memory_space<vmem>>
    %dma_start3A_17 = arith.constant 0 : i32
    %dma_start3A_18 = arith.constant 0 : i32
    %dma_start3A_19 = tpu.memref_slice %arg2[%dma_start3A_17, %dma_start3A_18] : memref<10000x128xf32, #tpu.memory_space<hbm>> -> memref<10000x128xf32, #tpu.memory_space<hbm>>
    tpu.enqueue_indirect_dma source(%dma_start3A_19 : memref<10000x128xf32, #tpu.memory_space<hbm>>) target(%dma_start3A_13 : memref<128x128xf32, #tpu.memory_space<vmem>>) offsets(%dma_start3A_16 : memref<128xi32, #tpu.memory_space<vmem>>) semaphore(%arg11 : memref<!tpu.dma_semaphore, #tpu.memory_space<semaphore_mem>>)
    %scan3A = arith.constant 0 : i32
    %scan3A_20 = arith.constant 0 : i32
    %scan3A_21 = arith.constant 10 : i32
    %scan3A_22 = arith.addi %scan3A_20, %scan3A_21 : i32
    %scan3A_23 = arith.constant 1 : i32
    scf.for %scan3A_46 = %scan3A_20 to %scan3A_22 step %scan3A_23  : i32 {
      %rem3A_47 = arith.constant 2 : i32
      %rem3A_48 = arith.remsi %scan3A_46, %rem3A_47 : i32
      %sub3A = arith.constant 1 : i32
      %sub3A_49 = arith.subi %sub3A, %rem3A_48 : i32
      %ge3A = arith.constant 1 : i32
      %ge3A_50 = arith.cmpi sge, %scan3A_46, %ge3A : i32
      %convert_element_type3A = arith.extui %ge3A_50 : i1 to i32
      %cond3A = arith.constant 0 : i32
      %cond3A_51 = arith.cmpi ne, %convert_element_type3A, %cond3A : i32
      scf.if %cond3A_51 {
        %dma_wait3A_432 = arith.constant 1 : i32
        %dma_wait3A_433 = arith.constant 7 : i32
        %dma_wait3A_434 = arith.constant 0 : i32
        %dma_wait3A_435 = arith.constant 0 : i32
        %dma_wait3A_436 = tpu.memref_slice %arg9[%dma_wait3A_432, %dma_wait3A_434, %dma_wait3A_435] : memref<2x128x128xf32, #tpu.memory_space<vmem>> -> memref<1x128x128xf32, #tpu.memory_space<vmem>>
        %dma_wait3A_437 = tpu.memref_squeeze %dma_wait3A_436 : memref<1x128x128xf32, #tpu.memory_space<vmem>> -> memref<128x128xf32, #tpu.memory_space<vmem>>
        %dma_wait3A_438 = arith.constant 0 : i32
        %dma_wait3A_439 = tpu.memref_slice %arg8[%sub3A_49, %dma_wait3A_433, %dma_wait3A_438] : memref<2x8x128xi32, #tpu.memory_space<vmem>> -> memref<1x1x128xi32, #tpu.memory_space<vmem>>
        %dma_wait3A_440 = tpu.memref_squeeze %dma_wait3A_439 : memref<1x1x128xi32, #tpu.memory_space<vmem>> -> memref<128xi32, #tpu.memory_space<vmem>>
        %dma_wait3A_441 = arith.constant 0 : i32
        %dma_wait3A_442 = arith.constant 0 : i32
        %dma_wait3A_443 = tpu.memref_slice %arg10[%dma_wait3A_441, %dma_wait3A_442] : memref<10240x128xf32, #tpu.memory_space<vmem_shared>> -> memref<10240x128xf32, #tpu.memory_space<vmem_shared>>
        tpu.wait_indirect_dma semaphore(%arg14 : memref<!tpu.dma_semaphore, #tpu.memory_space<semaphore_mem>>) src(%dma_wait3A_437 : memref<128x128xf32, #tpu.memory_space<vmem>>) dst(%dma_wait3A_443 : memref<10240x128xf32, #tpu.memory_space<vmem_shared>>)
      } else {
      }
      %add3A_52 = arith.constant 1 : i32
      %add3A_53 = arith.addi %scan3A_46, %add3A_52 : i32
      %lt3A = arith.constant 10 : i32
      %lt3A_54 = arith.cmpi slt, %add3A_53, %lt3A : i32
      %convert_element_type3A_55 = arith.extui %lt3A_54 : i1 to i32
      %cond3A_56 = arith.constant 0 : i32
      %cond3A_57 = arith.cmpi ne, %convert_element_type3A_55, %cond3A_56 : i32
      scf.if %cond3A_57 {
        %add3A_432 = arith.constant 1 : i32
        %add3A_433 = arith.addi %scan3A_46, %add3A_432 : i32
        %mul3A_434 = arith.constant 8 : i32
        %mul3A_435 = arith.muli %add3A_433, %mul3A_434 : i32
        %add3A_436 = arith.addi %mul3A_2, %mul3A_435 : i32
        %dma_start3A_437 = arith.constant 0 : i32
        %dma_start3A_438 = arith.constant 0 : i32
        %dma_start3A_439 = tpu.memref_slice %arg7[%sub3A_49, %dma_start3A_437, %dma_start3A_438] : memref<2x8x128xi32, #tpu.memory_space<vmem>> -> memref<1x8x128xi32, #tpu.memory_space<vmem>>
        %dma_start3A_440 = tpu.memref_squeeze %dma_start3A_439 : memref<1x8x128xi32, #tpu.memory_space<vmem>> -> memref<8x128xi32, #tpu.memory_space<vmem>>
        %dma_start3A_441 = arith.constant 0 : i32
        %dma_start3A_442 = tpu.memref_slice %arg3[%add3A_436, %dma_start3A_441] : memref<2560x128xi32, #tpu.memory_space<hbm>> -> memref<8x128xi32, #tpu.memory_space<hbm>>
        %dma_start3A_443 = arith.constant 0 : i32
        %dma_start3A_444 = arith.constant 0 : i32
        %dma_start3A_445 = tpu.memref_slice %arg7[%sub3A_49, %dma_start3A_443, %dma_start3A_444] : memref<2x8x128xi32, #tpu.memory_space<vmem>> -> memref<1x8x128xi32, #tpu.memory_space<vmem>>
        %dma_start3A_446 = tpu.memref_squeeze %dma_start3A_445 : memref<1x8x128xi32, #tpu.memory_space<vmem>> -> memref<8x128xi32, #tpu.memory_space<vmem>>
        %dma_start3A_447 = arith.constant 0 : i32
        %dma_start3A_448 = tpu.memref_slice %arg3[%add3A_436, %dma_start3A_447] : memref<2560x128xi32, #tpu.memory_space<hbm>> -> memref<8x128xi32, #tpu.memory_space<hbm>>
        tpu.enqueue_dma source(%dma_start3A_448 : memref<8x128xi32, #tpu.memory_space<hbm>>) target(%dma_start3A_446 : memref<8x128xi32, #tpu.memory_space<vmem>>) target_semaphore(%arg15 : memref<!tpu.dma_semaphore, #tpu.memory_space<semaphore_mem>>)
        %add3A_449 = arith.constant 1 : i32
        %add3A_450 = arith.addi %scan3A_46, %add3A_449 : i32
        %mul3A_451 = arith.constant 8 : i32
        %mul3A_452 = arith.muli %add3A_450, %mul3A_451 : i32
        %add3A_453 = arith.addi %mul3A_2, %mul3A_452 : i32
        %dma_start3A_454 = arith.constant 0 : i32
        %dma_start3A_455 = arith.constant 0 : i32
        %dma_start3A_456 = tpu.memref_slice %arg8[%sub3A_49, %dma_start3A_454, %dma_start3A_455] : memref<2x8x128xi32, #tpu.memory_space<vmem>> -> memref<1x8x128xi32, #tpu.memory_space<vmem>>
        %dma_start3A_457 = tpu.memref_squeeze %dma_start3A_456 : memref<1x8x128xi32, #tpu.memory_space<vmem>> -> memref<8x128xi32, #tpu.memory_space<vmem>>
        %dma_start3A_458 = arith.constant 0 : i32
        %dma_start3A_459 = tpu.memref_slice %arg4[%add3A_453, %dma_start3A_458] : memref<2560x128xi32, #tpu.memory_space<hbm>> -> memref<8x128xi32, #tpu.memory_space<hbm>>
        %dma_start3A_460 = arith.constant 0 : i32
        %dma_start3A_461 = arith.constant 0 : i32
        %dma_start3A_462 = tpu.memref_slice %arg8[%sub3A_49, %dma_start3A_460, %dma_start3A_461] : memref<2x8x128xi32, #tpu.memory_space<vmem>> -> memref<1x8x128xi32, #tpu.memory_space<vmem>>
        %dma_start3A_463 = tpu.memref_squeeze %dma_start3A_462 : memref<1x8x128xi32, #tpu.memory_space<vmem>> -> memref<8x128xi32, #tpu.memory_space<vmem>>
        %dma_start3A_464 = arith.constant 0 : i32
        %dma_start3A_465 = tpu.memref_slice %arg4[%add3A_453, %dma_start3A_464] : memref<2560x128xi32, #tpu.memory_space<hbm>> -> memref<8x128xi32, #tpu.memory_space<hbm>>
        tpu.enqueue_dma source(%dma_start3A_465 : memref<8x128xi32, #tpu.memory_space<hbm>>) target(%dma_start3A_463 : memref<8x128xi32, #tpu.memory_space<vmem>>) target_semaphore(%arg16 : memref<!tpu.dma_semaphore, #tpu.memory_space<semaphore_mem>>)
      } else {
      }
      %dma_start3A_58 = arith.constant 1 : i32
      %dma_start3A_59 = arith.constant 1 : i32
      %dma_start3A_60 = arith.constant 0 : i32
      %dma_start3A_61 = arith.constant 0 : i32
      %dma_start3A_62 = tpu.memref_slice %arg9[%dma_start3A_59, %dma_start3A_60, %dma_start3A_61] : memref<2x128x128xf32, #tpu.memory_space<vmem>> -> memref<1x128x128xf32, #tpu.memory_space<vmem>>
      %dma_start3A_63 = tpu.memref_squeeze %dma_start3A_62 : memref<1x128x128xf32, #tpu.memory_space<vmem>> -> memref<128x128xf32, #tpu.memory_space<vmem>>
      %dma_start3A_64 = arith.constant 0 : i32
      %dma_start3A_65 = tpu.memref_slice %arg7[%rem3A_48, %dma_start3A_58, %dma_start3A_64] : memref<2x8x128xi32, #tpu.memory_space<vmem>> -> memref<1x1x128xi32, #tpu.memory_space<vmem>>
      %dma_start3A_66 = tpu.memref_squeeze %dma_start3A_65 : memref<1x1x128xi32, #tpu.memory_space<vmem>> -> memref<128xi32, #tpu.memory_space<vmem>>
      %dma_start3A_67 = arith.constant 0 : i32
      %dma_start3A_68 = arith.constant 0 : i32
      %dma_start3A_69 = tpu.memref_slice %arg2[%dma_start3A_67, %dma_start3A_68] : memref<10000x128xf32, #tpu.memory_space<hbm>> -> memref<10000x128xf32, #tpu.memory_space<hbm>>
      tpu.enqueue_indirect_dma source(%dma_start3A_69 : memref<10000x128xf32, #tpu.memory_space<hbm>>) target(%dma_start3A_63 : memref<128x128xf32, #tpu.memory_space<vmem>>) offsets(%dma_start3A_66 : memref<128xi32, #tpu.memory_space<vmem>>) semaphore(%arg12 : memref<!tpu.dma_semaphore, #tpu.memory_space<semaphore_mem>>)
      %dma_wait3A_70 = arith.constant 0 : i32
      %dma_wait3A_71 = arith.constant 0 : i32
      %dma_wait3A_72 = arith.constant 0 : i32
      %dma_wait3A_73 = arith.constant 0 : i32
      %dma_wait3A_74 = tpu.memref_slice %arg9[%dma_wait3A_71, %dma_wait3A_72, %dma_wait3A_73] : memref<2x128x128xf32, #tpu.memory_space<vmem>> -> memref<1x128x128xf32, #tpu.memory_space<vmem>>
      %dma_wait3A_75 = tpu.memref_squeeze %dma_wait3A_74 : memref<1x128x128xf32, #tpu.memory_space<vmem>> -> memref<128x128xf32, #tpu.memory_space<vmem>>
      %dma_wait3A_76 = arith.constant 0 : i32
      %dma_wait3A_77 = tpu.memref_slice %arg7[%rem3A_48, %dma_wait3A_70, %dma_wait3A_76] : memref<2x8x128xi32, #tpu.memory_space<vmem>> -> memref<1x1x128xi32, #tpu.memory_space<vmem>>
      %dma_wait3A_78 = tpu.memref_squeeze %dma_wait3A_77 : memref<1x1x128xi32, #tpu.memory_space<vmem>> -> memref<128xi32, #tpu.memory_space<vmem>>
      %dma_wait3A_79 = arith.constant 0 : i32
      %dma_wait3A_80 = arith.constant 0 : i32
      %dma_wait3A_81 = tpu.memref_slice %arg2[%dma_wait3A_79, %dma_wait3A_80] : memref<10000x128xf32, #tpu.memory_space<hbm>> -> memref<10000x128xf32, #tpu.memory_space<hbm>>
      tpu.wait_indirect_dma semaphore(%arg11 : memref<!tpu.dma_semaphore, #tpu.memory_space<semaphore_mem>>) src(%dma_wait3A_81 : memref<10000x128xf32, #tpu.memory_space<hbm>>) dst(%dma_wait3A_75 : memref<128x128xf32, #tpu.memory_space<vmem>>)
      %dma_start3A_82 = arith.constant 0 : i32
      %dma_start3A_83 = arith.constant 0 : i32
      %dma_start3A_84 = arith.constant 0 : i32
      %dma_start3A_85 = arith.constant 0 : i32
      %dma_start3A_86 = tpu.memref_slice %arg9[%dma_start3A_82, %dma_start3A_84, %dma_start3A_85] : memref<2x128x128xf32, #tpu.memory_space<vmem>> -> memref<1x128x128xf32, #tpu.memory_space<vmem>>
      %dma_start3A_87 = tpu.memref_squeeze %dma_start3A_86 : memref<1x128x128xf32, #tpu.memory_space<vmem>> -> memref<128x128xf32, #tpu.memory_space<vmem>>
      %dma_start3A_88 = arith.constant 0 : i32
      %dma_start3A_89 = tpu.memref_slice %arg8[%rem3A_48, %dma_start3A_83, %dma_start3A_88] : memref<2x8x128xi32, #tpu.memory_space<vmem>> -> memref<1x1x128xi32, #tpu.memory_space<vmem>>
      %dma_start3A_90 = tpu.memref_squeeze %dma_start3A_89 : memref<1x1x128xi32, #tpu.memory_space<vmem>> -> memref<128xi32, #tpu.memory_space<vmem>>
      %dma_start3A_91 = arith.constant 0 : i32
      %dma_start3A_92 = arith.constant 0 : i32
      %dma_start3A_93 = tpu.memref_slice %arg10[%dma_start3A_91, %dma_start3A_92] : memref<10240x128xf32, #tpu.memory_space<vmem_shared>> -> memref<10240x128xf32, #tpu.memory_space<vmem_shared>>
      tpu.enqueue_indirect_dma source(%dma_start3A_87 : memref<128x128xf32, #tpu.memory_space<vmem>>) target(%dma_start3A_93 : memref<10240x128xf32, #tpu.memory_space<vmem_shared>>) offsets(%dma_start3A_90 : memref<128xi32, #tpu.memory_space<vmem>>) semaphore(%arg13 : memref<!tpu.dma_semaphore, #tpu.memory_space<semaphore_mem>>) {add = true}
      %dma_wait3A_94 = arith.constant 0 : i32
      %dma_wait3A_95 = arith.constant 0 : i32
      %dma_wait3A_96 = arith.constant 0 : i32
      %dma_wait3A_97 = arith.constant 0 : i32
      %dma_wait3A_98 = tpu.memref_slice %arg9[%dma_wait3A_94, %dma_wait3A_96, %dma_wait3A_97] : memref<2x128x128xf32, #tpu.memory_space<vmem>> -> memref<1x128x128xf32, #tpu.memory_space<vmem>>
      %dma_wait3A_99 = tpu.memref_squeeze %dma_wait3A_98 : memref<1x128x128xf32, #tpu.memory_space<vmem>> -> memref<128x128xf32, #tpu.memory_space<vmem>>
      %dma_wait3A_100 = arith.constant 0 : i32
      %dma_wait3A_101 = tpu.memref_slice %arg8[%rem3A_48, %dma_wait3A_95, %dma_wait3A_100] : memref<2x8x128xi32, #tpu.memory_space<vmem>> -> memref<1x1x128xi32, #tpu.memory_space<vmem>>
      %dma_wait3A_102 = tpu.memref_squeeze %dma_wait3A_101 : memref<1x1x128xi32, #tpu.memory_space<vmem>> -> memref<128xi32, #tpu.memory_space<vmem>>
      %dma_wait3A_103 = arith.constant 0 : i32
      %dma_wait3A_104 = arith.constant 0 : i32
      %dma_wait3A_105 = tpu.memref_slice %arg10[%dma_wait3A_103, %dma_wait3A_104] : memref<10240x128xf32, #tpu.memory_space<vmem_shared>> -> memref<10240x128xf32, #tpu.memory_space<vmem_shared>>
      tpu.wait_indirect_dma semaphore(%arg13 : memref<!tpu.dma_semaphore, #tpu.memory_space<semaphore_mem>>) src(%dma_wait3A_99 : memref<128x128xf32, #tpu.memory_space<vmem>>) dst(%dma_wait3A_105 : memref<10240x128xf32, #tpu.memory_space<vmem_shared>>)
      %dma_start3A_106 = arith.constant 2 : i32
      %dma_start3A_107 = arith.constant 0 : i32
      %dma_start3A_108 = arith.constant 0 : i32
      %dma_start3A_109 = arith.constant 0 : i32
      %dma_start3A_110 = tpu.memref_slice %arg9[%dma_start3A_107, %dma_start3A_108, %dma_start3A_109] : memref<2x128x128xf32, #tpu.memory_space<vmem>> -> memref<1x128x128xf32, #tpu.memory_space<vmem>>
      %dma_start3A_111 = tpu.memref_squeeze %dma_start3A_110 : memref<1x128x128xf32, #tpu.memory_space<vmem>> -> memref<128x128xf32, #tpu.memory_space<vmem>>
      %dma_start3A_112 = arith.constant 0 : i32
      %dma_start3A_113 = tpu.memref_slice %arg7[%rem3A_48, %dma_start3A_106, %dma_start3A_112] : memref<2x8x128xi32, #tpu.memory_space<vmem>> -> memref<1x1x128xi32, #tpu.memory_space<vmem>>
      %dma_start3A_114 = tpu.memref_squeeze %dma_start3A_113 : memref<1x1x128xi32, #tpu.memory_space<vmem>> -> memref<128xi32, #tpu.memory_space<vmem>>
      %dma_start3A_115 = arith.constant 0 : i32
      %dma_start3A_116 = arith.constant 0 : i32
      %dma_start3A_117 = tpu.memref_slice %arg2[%dma_start3A_115, %dma_start3A_116] : memref<10000x128xf32, #tpu.memory_space<hbm>> -> memref<10000x128xf32, #tpu.memory_space<hbm>>
      tpu.enqueue_indirect_dma source(%dma_start3A_117 : memref<10000x128xf32, #tpu.memory_space<hbm>>) target(%dma_start3A_111 : memref<128x128xf32, #tpu.memory_space<vmem>>) offsets(%dma_start3A_114 : memref<128xi32, #tpu.memory_space<vmem>>) semaphore(%arg11 : memref<!tpu.dma_semaphore, #tpu.memory_space<semaphore_mem>>)
      %dma_wait3A_118 = arith.constant 1 : i32
      %dma_wait3A_119 = arith.constant 1 : i32
      %dma_wait3A_120 = arith.constant 0 : i32
      %dma_wait3A_121 = arith.constant 0 : i32
      %dma_wait3A_122 = tpu.memref_slice %arg9[%dma_wait3A_119, %dma_wait3A_120, %dma_wait3A_121] : memref<2x128x128xf32, #tpu.memory_space<vmem>> -> memref<1x128x128xf32, #tpu.memory_space<vmem>>
      %dma_wait3A_123 = tpu.memref_squeeze %dma_wait3A_122 : memref<1x128x128xf32, #tpu.memory_space<vmem>> -> memref<128x128xf32, #tpu.memory_space<vmem>>
      %dma_wait3A_124 = arith.constant 0 : i32
      %dma_wait3A_125 = tpu.memref_slice %arg7[%rem3A_48, %dma_wait3A_118, %dma_wait3A_124] : memref<2x8x128xi32, #tpu.memory_space<vmem>> -> memref<1x1x128xi32, #tpu.memory_space<vmem>>
      %dma_wait3A_126 = tpu.memref_squeeze %dma_wait3A_125 : memref<1x1x128xi32, #tpu.memory_space<vmem>> -> memref<128xi32, #tpu.memory_space<vmem>>
      %dma_wait3A_127 = arith.constant 0 : i32
      %dma_wait3A_128 = arith.constant 0 : i32
      %dma_wait3A_129 = tpu.memref_slice %arg2[%dma_wait3A_127, %dma_wait3A_128] : memref<10000x128xf32, #tpu.memory_space<hbm>> -> memref<10000x128xf32, #tpu.memory_space<hbm>>
      tpu.wait_indirect_dma semaphore(%arg12 : memref<!tpu.dma_semaphore, #tpu.memory_space<semaphore_mem>>) src(%dma_wait3A_129 : memref<10000x128xf32, #tpu.memory_space<hbm>>) dst(%dma_wait3A_123 : memref<128x128xf32, #tpu.memory_space<vmem>>)
      %dma_start3A_130 = arith.constant 1 : i32
      %dma_start3A_131 = arith.constant 1 : i32
      %dma_start3A_132 = arith.constant 0 : i32
      %dma_start3A_133 = arith.constant 0 : i32
      %dma_start3A_134 = tpu.memref_slice %arg9[%dma_start3A_130, %dma_start3A_132, %dma_start3A_133] : memref<2x128x128xf32, #tpu.memory_space<vmem>> -> memref<1x128x128xf32, #tpu.memory_space<vmem>>
      %dma_start3A_135 = tpu.memref_squeeze %dma_start3A_134 : memref<1x128x128xf32, #tpu.memory_space<vmem>> -> memref<128x128xf32, #tpu.memory_space<vmem>>
      %dma_start3A_136 = arith.constant 0 : i32
      %dma_start3A_137 = tpu.memref_slice %arg8[%rem3A_48, %dma_start3A_131, %dma_start3A_136] : memref<2x8x128xi32, #tpu.memory_space<vmem>> -> memref<1x1x128xi32, #tpu.memory_space<vmem>>
      %dma_start3A_138 = tpu.memref_squeeze %dma_start3A_137 : memref<1x1x128xi32, #tpu.memory_space<vmem>> -> memref<128xi32, #tpu.memory_space<vmem>>
      %dma_start3A_139 = arith.constant 0 : i32
      %dma_start3A_140 = arith.constant 0 : i32
      %dma_start3A_141 = tpu.memref_slice %arg10[%dma_start3A_139, %dma_start3A_140] : memref<10240x128xf32, #tpu.memory_space<vmem_shared>> -> memref<10240x128xf32, #tpu.memory_space<vmem_shared>>
      tpu.enqueue_indirect_dma source(%dma_start3A_135 : memref<128x128xf32, #tpu.memory_space<vmem>>) target(%dma_start3A_141 : memref<10240x128xf32, #tpu.memory_space<vmem_shared>>) offsets(%dma_start3A_138 : memref<128xi32, #tpu.memory_space<vmem>>) semaphore(%arg14 : memref<!tpu.dma_semaphore, #tpu.memory_space<semaphore_mem>>) {add = true}
      %dma_wait3A_142 = arith.constant 1 : i32
      %dma_wait3A_143 = arith.constant 1 : i32
      %dma_wait3A_144 = arith.constant 0 : i32
      %dma_wait3A_145 = arith.constant 0 : i32
      %dma_wait3A_146 = tpu.memref_slice %arg9[%dma_wait3A_142, %dma_wait3A_144, %dma_wait3A_145] : memref<2x128x128xf32, #tpu.memory_space<vmem>> -> memref<1x128x128xf32, #tpu.memory_space<vmem>>
      %dma_wait3A_147 = tpu.memref_squeeze %dma_wait3A_146 : memref<1x128x128xf32, #tpu.memory_space<vmem>> -> memref<128x128xf32, #tpu.memory_space<vmem>>
      %dma_wait3A_148 = arith.constant 0 : i32
      %dma_wait3A_149 = tpu.memref_slice %arg8[%rem3A_48, %dma_wait3A_143, %dma_wait3A_148] : memref<2x8x128xi32, #tpu.memory_space<vmem>> -> memref<1x1x128xi32, #tpu.memory_space<vmem>>
      %dma_wait3A_150 = tpu.memref_squeeze %dma_wait3A_149 : memref<1x1x128xi32, #tpu.memory_space<vmem>> -> memref<128xi32, #tpu.memory_space<vmem>>
      %dma_wait3A_151 = arith.constant 0 : i32
      %dma_wait3A_152 = arith.constant 0 : i32
      %dma_wait3A_153 = tpu.memref_slice %arg10[%dma_wait3A_151, %dma_wait3A_152] : memref<10240x128xf32, #tpu.memory_space<vmem_shared>> -> memref<10240x128xf32, #tpu.memory_space<vmem_shared>>
      tpu.wait_indirect_dma semaphore(%arg14 : memref<!tpu.dma_semaphore, #tpu.memory_space<semaphore_mem>>) src(%dma_wait3A_147 : memref<128x128xf32, #tpu.memory_space<vmem>>) dst(%dma_wait3A_153 : memref<10240x128xf32, #tpu.memory_space<vmem_shared>>)
      %dma_start3A_154 = arith.constant 3 : i32
      %dma_start3A_155 = arith.constant 1 : i32
      %dma_start3A_156 = arith.constant 0 : i32
      %dma_start3A_157 = arith.constant 0 : i32
      %dma_start3A_158 = tpu.memref_slice %arg9[%dma_start3A_155, %dma_start3A_156, %dma_start3A_157] : memref<2x128x128xf32, #tpu.memory_space<vmem>> -> memref<1x128x128xf32, #tpu.memory_space<vmem>>
      %dma_start3A_159 = tpu.memref_squeeze %dma_start3A_158 : memref<1x128x128xf32, #tpu.memory_space<vmem>> -> memref<128x128xf32, #tpu.memory_space<vmem>>
      %dma_start3A_160 = arith.constant 0 : i32
      %dma_start3A_161 = tpu.memref_slice %arg7[%rem3A_48, %dma_start3A_154, %dma_start3A_160] : memref<2x8x128xi32, #tpu.memory_space<vmem>> -> memref<1x1x128xi32, #tpu.memory_space<vmem>>
      %dma_start3A_162 = tpu.memref_squeeze %dma_start3A_161 : memref<1x1x128xi32, #tpu.memory_space<vmem>> -> memref<128xi32, #tpu.memory_space<vmem>>
      %dma_start3A_163 = arith.constant 0 : i32
      %dma_start3A_164 = arith.constant 0 : i32
      %dma_start3A_165 = tpu.memref_slice %arg2[%dma_start3A_163, %dma_start3A_164] : memref<10000x128xf32, #tpu.memory_space<hbm>> -> memref<10000x128xf32, #tpu.memory_space<hbm>>
      tpu.enqueue_indirect_dma source(%dma_start3A_165 : memref<10000x128xf32, #tpu.memory_space<hbm>>) target(%dma_start3A_159 : memref<128x128xf32, #tpu.memory_space<vmem>>) offsets(%dma_start3A_162 : memref<128xi32, #tpu.memory_space<vmem>>) semaphore(%arg12 : memref<!tpu.dma_semaphore, #tpu.memory_space<semaphore_mem>>)
      %dma_wait3A_166 = arith.constant 2 : i32
      %dma_wait3A_167 = arith.constant 0 : i32
      %dma_wait3A_168 = arith.constant 0 : i32
      %dma_wait3A_169 = arith.constant 0 : i32
      %dma_wait3A_170 = tpu.memref_slice %arg9[%dma_wait3A_167, %dma_wait3A_168, %dma_wait3A_169] : memref<2x128x128xf32, #tpu.memory_space<vmem>> -> memref<1x128x128xf32, #tpu.memory_space<vmem>>
      %dma_wait3A_171 = tpu.memref_squeeze %dma_wait3A_170 : memref<1x128x128xf32, #tpu.memory_space<vmem>> -> memref<128x128xf32, #tpu.memory_space<vmem>>
      %dma_wait3A_172 = arith.constant 0 : i32
      %dma_wait3A_173 = tpu.memref_slice %arg7[%rem3A_48, %dma_wait3A_166, %dma_wait3A_172] : memref<2x8x128xi32, #tpu.memory_space<vmem>> -> memref<1x1x128xi32, #tpu.memory_space<vmem>>
      %dma_wait3A_174 = tpu.memref_squeeze %dma_wait3A_173 : memref<1x1x128xi32, #tpu.memory_space<vmem>> -> memref<128xi32, #tpu.memory_space<vmem>>
      %dma_wait3A_175 = arith.constant 0 : i32
      %dma_wait3A_176 = arith.constant 0 : i32
      %dma_wait3A_177 = tpu.memref_slice %arg2[%dma_wait3A_175, %dma_wait3A_176] : memref<10000x128xf32, #tpu.memory_space<hbm>> -> memref<10000x128xf32, #tpu.memory_space<hbm>>
      tpu.wait_indirect_dma semaphore(%arg11 : memref<!tpu.dma_semaphore, #tpu.memory_space<semaphore_mem>>) src(%dma_wait3A_177 : memref<10000x128xf32, #tpu.memory_space<hbm>>) dst(%dma_wait3A_171 : memref<128x128xf32, #tpu.memory_space<vmem>>)
      %dma_start3A_178 = arith.constant 0 : i32
      %dma_start3A_179 = arith.constant 2 : i32
      %dma_start3A_180 = arith.constant 0 : i32
      %dma_start3A_181 = arith.constant 0 : i32
      %dma_start3A_182 = tpu.memref_slice %arg9[%dma_start3A_178, %dma_start3A_180, %dma_start3A_181] : memref<2x128x128xf32, #tpu.memory_space<vmem>> -> memref<1x128x128xf32, #tpu.memory_space<vmem>>
      %dma_start3A_183 = tpu.memref_squeeze %dma_start3A_182 : memref<1x128x128xf32, #tpu.memory_space<vmem>> -> memref<128x128xf32, #tpu.memory_space<vmem>>
      %dma_start3A_184 = arith.constant 0 : i32
      %dma_start3A_185 = tpu.memref_slice %arg8[%rem3A_48, %dma_start3A_179, %dma_start3A_184] : memref<2x8x128xi32, #tpu.memory_space<vmem>> -> memref<1x1x128xi32, #tpu.memory_space<vmem>>
      %dma_start3A_186 = tpu.memref_squeeze %dma_start3A_185 : memref<1x1x128xi32, #tpu.memory_space<vmem>> -> memref<128xi32, #tpu.memory_space<vmem>>
      %dma_start3A_187 = arith.constant 0 : i32
      %dma_start3A_188 = arith.constant 0 : i32
      %dma_start3A_189 = tpu.memref_slice %arg10[%dma_start3A_187, %dma_start3A_188] : memref<10240x128xf32, #tpu.memory_space<vmem_shared>> -> memref<10240x128xf32, #tpu.memory_space<vmem_shared>>
      tpu.enqueue_indirect_dma source(%dma_start3A_183 : memref<128x128xf32, #tpu.memory_space<vmem>>) target(%dma_start3A_189 : memref<10240x128xf32, #tpu.memory_space<vmem_shared>>) offsets(%dma_start3A_186 : memref<128xi32, #tpu.memory_space<vmem>>) semaphore(%arg13 : memref<!tpu.dma_semaphore, #tpu.memory_space<semaphore_mem>>) {add = true}
      %dma_wait3A_190 = arith.constant 0 : i32
      %dma_wait3A_191 = arith.constant 2 : i32
      %dma_wait3A_192 = arith.constant 0 : i32
      %dma_wait3A_193 = arith.constant 0 : i32
      %dma_wait3A_194 = tpu.memref_slice %arg9[%dma_wait3A_190, %dma_wait3A_192, %dma_wait3A_193] : memref<2x128x128xf32, #tpu.memory_space<vmem>> -> memref<1x128x128xf32, #tpu.memory_space<vmem>>
      %dma_wait3A_195 = tpu.memref_squeeze %dma_wait3A_194 : memref<1x128x128xf32, #tpu.memory_space<vmem>> -> memref<128x128xf32, #tpu.memory_space<vmem>>
      %dma_wait3A_196 = arith.constant 0 : i32
      %dma_wait3A_197 = tpu.memref_slice %arg8[%rem3A_48, %dma_wait3A_191, %dma_wait3A_196] : memref<2x8x128xi32, #tpu.memory_space<vmem>> -> memref<1x1x128xi32, #tpu.memory_space<vmem>>
      %dma_wait3A_198 = tpu.memref_squeeze %dma_wait3A_197 : memref<1x1x128xi32, #tpu.memory_space<vmem>> -> memref<128xi32, #tpu.memory_space<vmem>>
      %dma_wait3A_199 = arith.constant 0 : i32
      %dma_wait3A_200 = arith.constant 0 : i32
      %dma_wait3A_201 = tpu.memref_slice %arg10[%dma_wait3A_199, %dma_wait3A_200] : memref<10240x128xf32, #tpu.memory_space<vmem_shared>> -> memref<10240x128xf32, #tpu.memory_space<vmem_shared>>
      tpu.wait_indirect_dma semaphore(%arg13 : memref<!tpu.dma_semaphore, #tpu.memory_space<semaphore_mem>>) src(%dma_wait3A_195 : memref<128x128xf32, #tpu.memory_space<vmem>>) dst(%dma_wait3A_201 : memref<10240x128xf32, #tpu.memory_space<vmem_shared>>)
      %dma_start3A_202 = arith.constant 4 : i32
      %dma_start3A_203 = arith.constant 0 : i32
      %dma_start3A_204 = arith.constant 0 : i32
      %dma_start3A_205 = arith.constant 0 : i32
      %dma_start3A_206 = tpu.memref_slice %arg9[%dma_start3A_203, %dma_start3A_204, %dma_start3A_205] : memref<2x128x128xf32, #tpu.memory_space<vmem>> -> memref<1x128x128xf32, #tpu.memory_space<vmem>>
      %dma_start3A_207 = tpu.memref_squeeze %dma_start3A_206 : memref<1x128x128xf32, #tpu.memory_space<vmem>> -> memref<128x128xf32, #tpu.memory_space<vmem>>
      %dma_start3A_208 = arith.constant 0 : i32
      %dma_start3A_209 = tpu.memref_slice %arg7[%rem3A_48, %dma_start3A_202, %dma_start3A_208] : memref<2x8x128xi32, #tpu.memory_space<vmem>> -> memref<1x1x128xi32, #tpu.memory_space<vmem>>
      %dma_start3A_210 = tpu.memref_squeeze %dma_start3A_209 : memref<1x1x128xi32, #tpu.memory_space<vmem>> -> memref<128xi32, #tpu.memory_space<vmem>>
      %dma_start3A_211 = arith.constant 0 : i32
      %dma_start3A_212 = arith.constant 0 : i32
      %dma_start3A_213 = tpu.memref_slice %arg2[%dma_start3A_211, %dma_start3A_212] : memref<10000x128xf32, #tpu.memory_space<hbm>> -> memref<10000x128xf32, #tpu.memory_space<hbm>>
      tpu.enqueue_indirect_dma source(%dma_start3A_213 : memref<10000x128xf32, #tpu.memory_space<hbm>>) target(%dma_start3A_207 : memref<128x128xf32, #tpu.memory_space<vmem>>) offsets(%dma_start3A_210 : memref<128xi32, #tpu.memory_space<vmem>>) semaphore(%arg11 : memref<!tpu.dma_semaphore, #tpu.memory_space<semaphore_mem>>)
      %dma_wait3A_214 = arith.constant 3 : i32
      %dma_wait3A_215 = arith.constant 1 : i32
      %dma_wait3A_216 = arith.constant 0 : i32
      %dma_wait3A_217 = arith.constant 0 : i32
      %dma_wait3A_218 = tpu.memref_slice %arg9[%dma_wait3A_215, %dma_wait3A_216, %dma_wait3A_217] : memref<2x128x128xf32, #tpu.memory_space<vmem>> -> memref<1x128x128xf32, #tpu.memory_space<vmem>>
      %dma_wait3A_219 = tpu.memref_squeeze %dma_wait3A_218 : memref<1x128x128xf32, #tpu.memory_space<vmem>> -> memref<128x128xf32, #tpu.memory_space<vmem>>
      %dma_wait3A_220 = arith.constant 0 : i32
      %dma_wait3A_221 = tpu.memref_slice %arg7[%rem3A_48, %dma_wait3A_214, %dma_wait3A_220] : memref<2x8x128xi32, #tpu.memory_space<vmem>> -> memref<1x1x128xi32, #tpu.memory_space<vmem>>
      %dma_wait3A_222 = tpu.memref_squeeze %dma_wait3A_221 : memref<1x1x128xi32, #tpu.memory_space<vmem>> -> memref<128xi32, #tpu.memory_space<vmem>>
      %dma_wait3A_223 = arith.constant 0 : i32
      %dma_wait3A_224 = arith.constant 0 : i32
      %dma_wait3A_225 = tpu.memref_slice %arg2[%dma_wait3A_223, %dma_wait3A_224] : memref<10000x128xf32, #tpu.memory_space<hbm>> -> memref<10000x128xf32, #tpu.memory_space<hbm>>
      tpu.wait_indirect_dma semaphore(%arg12 : memref<!tpu.dma_semaphore, #tpu.memory_space<semaphore_mem>>) src(%dma_wait3A_225 : memref<10000x128xf32, #tpu.memory_space<hbm>>) dst(%dma_wait3A_219 : memref<128x128xf32, #tpu.memory_space<vmem>>)
      %dma_start3A_226 = arith.constant 1 : i32
      %dma_start3A_227 = arith.constant 3 : i32
      %dma_start3A_228 = arith.constant 0 : i32
      %dma_start3A_229 = arith.constant 0 : i32
      %dma_start3A_230 = tpu.memref_slice %arg9[%dma_start3A_226, %dma_start3A_228, %dma_start3A_229] : memref<2x128x128xf32, #tpu.memory_space<vmem>> -> memref<1x128x128xf32, #tpu.memory_space<vmem>>
      %dma_start3A_231 = tpu.memref_squeeze %dma_start3A_230 : memref<1x128x128xf32, #tpu.memory_space<vmem>> -> memref<128x128xf32, #tpu.memory_space<vmem>>
      %dma_start3A_232 = arith.constant 0 : i32
      %dma_start3A_233 = tpu.memref_slice %arg8[%rem3A_48, %dma_start3A_227, %dma_start3A_232] : memref<2x8x128xi32, #tpu.memory_space<vmem>> -> memref<1x1x128xi32, #tpu.memory_space<vmem>>
      %dma_start3A_234 = tpu.memref_squeeze %dma_start3A_233 : memref<1x1x128xi32, #tpu.memory_space<vmem>> -> memref<128xi32, #tpu.memory_space<vmem>>
      %dma_start3A_235 = arith.constant 0 : i32
      %dma_start3A_236 = arith.constant 0 : i32
      %dma_start3A_237 = tpu.memref_slice %arg10[%dma_start3A_235, %dma_start3A_236] : memref<10240x128xf32, #tpu.memory_space<vmem_shared>> -> memref<10240x128xf32, #tpu.memory_space<vmem_shared>>
      tpu.enqueue_indirect_dma source(%dma_start3A_231 : memref<128x128xf32, #tpu.memory_space<vmem>>) target(%dma_start3A_237 : memref<10240x128xf32, #tpu.memory_space<vmem_shared>>) offsets(%dma_start3A_234 : memref<128xi32, #tpu.memory_space<vmem>>) semaphore(%arg14 : memref<!tpu.dma_semaphore, #tpu.memory_space<semaphore_mem>>) {add = true}
      %dma_wait3A_238 = arith.constant 1 : i32
      %dma_wait3A_239 = arith.constant 3 : i32
      %dma_wait3A_240 = arith.constant 0 : i32
      %dma_wait3A_241 = arith.constant 0 : i32
      %dma_wait3A_242 = tpu.memref_slice %arg9[%dma_wait3A_238, %dma_wait3A_240, %dma_wait3A_241] : memref<2x128x128xf32, #tpu.memory_space<vmem>> -> memref<1x128x128xf32, #tpu.memory_space<vmem>>
      %dma_wait3A_243 = tpu.memref_squeeze %dma_wait3A_242 : memref<1x128x128xf32, #tpu.memory_space<vmem>> -> memref<128x128xf32, #tpu.memory_space<vmem>>
      %dma_wait3A_244 = arith.constant 0 : i32
      %dma_wait3A_245 = tpu.memref_slice %arg8[%rem3A_48, %dma_wait3A_239, %dma_wait3A_244] : memref<2x8x128xi32, #tpu.memory_space<vmem>> -> memref<1x1x128xi32, #tpu.memory_space<vmem>>
      %dma_wait3A_246 = tpu.memref_squeeze %dma_wait3A_245 : memref<1x1x128xi32, #tpu.memory_space<vmem>> -> memref<128xi32, #tpu.memory_space<vmem>>
      %dma_wait3A_247 = arith.constant 0 : i32
      %dma_wait3A_248 = arith.constant 0 : i32
      %dma_wait3A_249 = tpu.memref_slice %arg10[%dma_wait3A_247, %dma_wait3A_248] : memref<10240x128xf32, #tpu.memory_space<vmem_shared>> -> memref<10240x128xf32, #tpu.memory_space<vmem_shared>>
      tpu.wait_indirect_dma semaphore(%arg14 : memref<!tpu.dma_semaphore, #tpu.memory_space<semaphore_mem>>) src(%dma_wait3A_243 : memref<128x128xf32, #tpu.memory_space<vmem>>) dst(%dma_wait3A_249 : memref<10240x128xf32, #tpu.memory_space<vmem_shared>>)
      %dma_start3A_250 = arith.constant 5 : i32
      %dma_start3A_251 = arith.constant 1 : i32
      %dma_start3A_252 = arith.constant 0 : i32
      %dma_start3A_253 = arith.constant 0 : i32
      %dma_start3A_254 = tpu.memref_slice %arg9[%dma_start3A_251, %dma_start3A_252, %dma_start3A_253] : memref<2x128x128xf32, #tpu.memory_space<vmem>> -> memref<1x128x128xf32, #tpu.memory_space<vmem>>
      %dma_start3A_255 = tpu.memref_squeeze %dma_start3A_254 : memref<1x128x128xf32, #tpu.memory_space<vmem>> -> memref<128x128xf32, #tpu.memory_space<vmem>>
      %dma_start3A_256 = arith.constant 0 : i32
      %dma_start3A_257 = tpu.memref_slice %arg7[%rem3A_48, %dma_start3A_250, %dma_start3A_256] : memref<2x8x128xi32, #tpu.memory_space<vmem>> -> memref<1x1x128xi32, #tpu.memory_space<vmem>>
      %dma_start3A_258 = tpu.memref_squeeze %dma_start3A_257 : memref<1x1x128xi32, #tpu.memory_space<vmem>> -> memref<128xi32, #tpu.memory_space<vmem>>
      %dma_start3A_259 = arith.constant 0 : i32
      %dma_start3A_260 = arith.constant 0 : i32
      %dma_start3A_261 = tpu.memref_slice %arg2[%dma_start3A_259, %dma_start3A_260] : memref<10000x128xf32, #tpu.memory_space<hbm>> -> memref<10000x128xf32, #tpu.memory_space<hbm>>
      tpu.enqueue_indirect_dma source(%dma_start3A_261 : memref<10000x128xf32, #tpu.memory_space<hbm>>) target(%dma_start3A_255 : memref<128x128xf32, #tpu.memory_space<vmem>>) offsets(%dma_start3A_258 : memref<128xi32, #tpu.memory_space<vmem>>) semaphore(%arg12 : memref<!tpu.dma_semaphore, #tpu.memory_space<semaphore_mem>>)
      %dma_wait3A_262 = arith.constant 4 : i32
      %dma_wait3A_263 = arith.constant 0 : i32
      %dma_wait3A_264 = arith.constant 0 : i32
      %dma_wait3A_265 = arith.constant 0 : i32
      %dma_wait3A_266 = tpu.memref_slice %arg9[%dma_wait3A_263, %dma_wait3A_264, %dma_wait3A_265] : memref<2x128x128xf32, #tpu.memory_space<vmem>> -> memref<1x128x128xf32, #tpu.memory_space<vmem>>
      %dma_wait3A_267 = tpu.memref_squeeze %dma_wait3A_266 : memref<1x128x128xf32, #tpu.memory_space<vmem>> -> memref<128x128xf32, #tpu.memory_space<vmem>>
      %dma_wait3A_268 = arith.constant 0 : i32
      %dma_wait3A_269 = tpu.memref_slice %arg7[%rem3A_48, %dma_wait3A_262, %dma_wait3A_268] : memref<2x8x128xi32, #tpu.memory_space<vmem>> -> memref<1x1x128xi32, #tpu.memory_space<vmem>>
      %dma_wait3A_270 = tpu.memref_squeeze %dma_wait3A_269 : memref<1x1x128xi32, #tpu.memory_space<vmem>> -> memref<128xi32, #tpu.memory_space<vmem>>
      %dma_wait3A_271 = arith.constant 0 : i32
      %dma_wait3A_272 = arith.constant 0 : i32
      %dma_wait3A_273 = tpu.memref_slice %arg2[%dma_wait3A_271, %dma_wait3A_272] : memref<10000x128xf32, #tpu.memory_space<hbm>> -> memref<10000x128xf32, #tpu.memory_space<hbm>>
      tpu.wait_indirect_dma semaphore(%arg11 : memref<!tpu.dma_semaphore, #tpu.memory_space<semaphore_mem>>) src(%dma_wait3A_273 : memref<10000x128xf32, #tpu.memory_space<hbm>>) dst(%dma_wait3A_267 : memref<128x128xf32, #tpu.memory_space<vmem>>)
      %dma_start3A_274 = arith.constant 0 : i32
      %dma_start3A_275 = arith.constant 4 : i32
      %dma_start3A_276 = arith.constant 0 : i32
      %dma_start3A_277 = arith.constant 0 : i32
      %dma_start3A_278 = tpu.memref_slice %arg9[%dma_start3A_274, %dma_start3A_276, %dma_start3A_277] : memref<2x128x128xf32, #tpu.memory_space<vmem>> -> memref<1x128x128xf32, #tpu.memory_space<vmem>>
      %dma_start3A_279 = tpu.memref_squeeze %dma_start3A_278 : memref<1x128x128xf32, #tpu.memory_space<vmem>> -> memref<128x128xf32, #tpu.memory_space<vmem>>
      %dma_start3A_280 = arith.constant 0 : i32
      %dma_start3A_281 = tpu.memref_slice %arg8[%rem3A_48, %dma_start3A_275, %dma_start3A_280] : memref<2x8x128xi32, #tpu.memory_space<vmem>> -> memref<1x1x128xi32, #tpu.memory_space<vmem>>
      %dma_start3A_282 = tpu.memref_squeeze %dma_start3A_281 : memref<1x1x128xi32, #tpu.memory_space<vmem>> -> memref<128xi32, #tpu.memory_space<vmem>>
      %dma_start3A_283 = arith.constant 0 : i32
      %dma_start3A_284 = arith.constant 0 : i32
      %dma_start3A_285 = tpu.memref_slice %arg10[%dma_start3A_283, %dma_start3A_284] : memref<10240x128xf32, #tpu.memory_space<vmem_shared>> -> memref<10240x128xf32, #tpu.memory_space<vmem_shared>>
      tpu.enqueue_indirect_dma source(%dma_start3A_279 : memref<128x128xf32, #tpu.memory_space<vmem>>) target(%dma_start3A_285 : memref<10240x128xf32, #tpu.memory_space<vmem_shared>>) offsets(%dma_start3A_282 : memref<128xi32, #tpu.memory_space<vmem>>) semaphore(%arg13 : memref<!tpu.dma_semaphore, #tpu.memory_space<semaphore_mem>>) {add = true}
      %dma_wait3A_286 = arith.constant 0 : i32
      %dma_wait3A_287 = arith.constant 4 : i32
      %dma_wait3A_288 = arith.constant 0 : i32
      %dma_wait3A_289 = arith.constant 0 : i32
      %dma_wait3A_290 = tpu.memref_slice %arg9[%dma_wait3A_286, %dma_wait3A_288, %dma_wait3A_289] : memref<2x128x128xf32, #tpu.memory_space<vmem>> -> memref<1x128x128xf32, #tpu.memory_space<vmem>>
      %dma_wait3A_291 = tpu.memref_squeeze %dma_wait3A_290 : memref<1x128x128xf32, #tpu.memory_space<vmem>> -> memref<128x128xf32, #tpu.memory_space<vmem>>
      %dma_wait3A_292 = arith.constant 0 : i32
      %dma_wait3A_293 = tpu.memref_slice %arg8[%rem3A_48, %dma_wait3A_287, %dma_wait3A_292] : memref<2x8x128xi32, #tpu.memory_space<vmem>> -> memref<1x1x128xi32, #tpu.memory_space<vmem>>
      %dma_wait3A_294 = tpu.memref_squeeze %dma_wait3A_293 : memref<1x1x128xi32, #tpu.memory_space<vmem>> -> memref<128xi32, #tpu.memory_space<vmem>>
      %dma_wait3A_295 = arith.constant 0 : i32
      %dma_wait3A_296 = arith.constant 0 : i32
      %dma_wait3A_297 = tpu.memref_slice %arg10[%dma_wait3A_295, %dma_wait3A_296] : memref<10240x128xf32, #tpu.memory_space<vmem_shared>> -> memref<10240x128xf32, #tpu.memory_space<vmem_shared>>
      tpu.wait_indirect_dma semaphore(%arg13 : memref<!tpu.dma_semaphore, #tpu.memory_space<semaphore_mem>>) src(%dma_wait3A_291 : memref<128x128xf32, #tpu.memory_space<vmem>>) dst(%dma_wait3A_297 : memref<10240x128xf32, #tpu.memory_space<vmem_shared>>)
      %dma_start3A_298 = arith.constant 6 : i32
      %dma_start3A_299 = arith.constant 0 : i32
      %dma_start3A_300 = arith.constant 0 : i32
      %dma_start3A_301 = arith.constant 0 : i32
      %dma_start3A_302 = tpu.memref_slice %arg9[%dma_start3A_299, %dma_start3A_300, %dma_start3A_301] : memref<2x128x128xf32, #tpu.memory_space<vmem>> -> memref<1x128x128xf32, #tpu.memory_space<vmem>>
      %dma_start3A_303 = tpu.memref_squeeze %dma_start3A_302 : memref<1x128x128xf32, #tpu.memory_space<vmem>> -> memref<128x128xf32, #tpu.memory_space<vmem>>
      %dma_start3A_304 = arith.constant 0 : i32
      %dma_start3A_305 = tpu.memref_slice %arg7[%rem3A_48, %dma_start3A_298, %dma_start3A_304] : memref<2x8x128xi32, #tpu.memory_space<vmem>> -> memref<1x1x128xi32, #tpu.memory_space<vmem>>
      %dma_start3A_306 = tpu.memref_squeeze %dma_start3A_305 : memref<1x1x128xi32, #tpu.memory_space<vmem>> -> memref<128xi32, #tpu.memory_space<vmem>>
      %dma_start3A_307 = arith.constant 0 : i32
      %dma_start3A_308 = arith.constant 0 : i32
      %dma_start3A_309 = tpu.memref_slice %arg2[%dma_start3A_307, %dma_start3A_308] : memref<10000x128xf32, #tpu.memory_space<hbm>> -> memref<10000x128xf32, #tpu.memory_space<hbm>>
      tpu.enqueue_indirect_dma source(%dma_start3A_309 : memref<10000x128xf32, #tpu.memory_space<hbm>>) target(%dma_start3A_303 : memref<128x128xf32, #tpu.memory_space<vmem>>) offsets(%dma_start3A_306 : memref<128xi32, #tpu.memory_space<vmem>>) semaphore(%arg11 : memref<!tpu.dma_semaphore, #tpu.memory_space<semaphore_mem>>)
      %dma_wait3A_310 = arith.constant 5 : i32
      %dma_wait3A_311 = arith.constant 1 : i32
      %dma_wait3A_312 = arith.constant 0 : i32
      %dma_wait3A_313 = arith.constant 0 : i32
      %dma_wait3A_314 = tpu.memref_slice %arg9[%dma_wait3A_311, %dma_wait3A_312, %dma_wait3A_313] : memref<2x128x128xf32, #tpu.memory_space<vmem>> -> memref<1x128x128xf32, #tpu.memory_space<vmem>>
      %dma_wait3A_315 = tpu.memref_squeeze %dma_wait3A_314 : memref<1x128x128xf32, #tpu.memory_space<vmem>> -> memref<128x128xf32, #tpu.memory_space<vmem>>
      %dma_wait3A_316 = arith.constant 0 : i32
      %dma_wait3A_317 = tpu.memref_slice %arg7[%rem3A_48, %dma_wait3A_310, %dma_wait3A_316] : memref<2x8x128xi32, #tpu.memory_space<vmem>> -> memref<1x1x128xi32, #tpu.memory_space<vmem>>
      %dma_wait3A_318 = tpu.memref_squeeze %dma_wait3A_317 : memref<1x1x128xi32, #tpu.memory_space<vmem>> -> memref<128xi32, #tpu.memory_space<vmem>>
      %dma_wait3A_319 = arith.constant 0 : i32
      %dma_wait3A_320 = arith.constant 0 : i32
      %dma_wait3A_321 = tpu.memref_slice %arg2[%dma_wait3A_319, %dma_wait3A_320] : memref<10000x128xf32, #tpu.memory_space<hbm>> -> memref<10000x128xf32, #tpu.memory_space<hbm>>
      tpu.wait_indirect_dma semaphore(%arg12 : memref<!tpu.dma_semaphore, #tpu.memory_space<semaphore_mem>>) src(%dma_wait3A_321 : memref<10000x128xf32, #tpu.memory_space<hbm>>) dst(%dma_wait3A_315 : memref<128x128xf32, #tpu.memory_space<vmem>>)
      %dma_start3A_322 = arith.constant 1 : i32
      %dma_start3A_323 = arith.constant 5 : i32
      %dma_start3A_324 = arith.constant 0 : i32
      %dma_start3A_325 = arith.constant 0 : i32
      %dma_start3A_326 = tpu.memref_slice %arg9[%dma_start3A_322, %dma_start3A_324, %dma_start3A_325] : memref<2x128x128xf32, #tpu.memory_space<vmem>> -> memref<1x128x128xf32, #tpu.memory_space<vmem>>
      %dma_start3A_327 = tpu.memref_squeeze %dma_start3A_326 : memref<1x128x128xf32, #tpu.memory_space<vmem>> -> memref<128x128xf32, #tpu.memory_space<vmem>>
      %dma_start3A_328 = arith.constant 0 : i32
      %dma_start3A_329 = tpu.memref_slice %arg8[%rem3A_48, %dma_start3A_323, %dma_start3A_328] : memref<2x8x128xi32, #tpu.memory_space<vmem>> -> memref<1x1x128xi32, #tpu.memory_space<vmem>>
      %dma_start3A_330 = tpu.memref_squeeze %dma_start3A_329 : memref<1x1x128xi32, #tpu.memory_space<vmem>> -> memref<128xi32, #tpu.memory_space<vmem>>
      %dma_start3A_331 = arith.constant 0 : i32
      %dma_start3A_332 = arith.constant 0 : i32
      %dma_start3A_333 = tpu.memref_slice %arg10[%dma_start3A_331, %dma_start3A_332] : memref<10240x128xf32, #tpu.memory_space<vmem_shared>> -> memref<10240x128xf32, #tpu.memory_space<vmem_shared>>
      tpu.enqueue_indirect_dma source(%dma_start3A_327 : memref<128x128xf32, #tpu.memory_space<vmem>>) target(%dma_start3A_333 : memref<10240x128xf32, #tpu.memory_space<vmem_shared>>) offsets(%dma_start3A_330 : memref<128xi32, #tpu.memory_space<vmem>>) semaphore(%arg14 : memref<!tpu.dma_semaphore, #tpu.memory_space<semaphore_mem>>) {add = true}
      %dma_wait3A_334 = arith.constant 1 : i32
      %dma_wait3A_335 = arith.constant 5 : i32
      %dma_wait3A_336 = arith.constant 0 : i32
      %dma_wait3A_337 = arith.constant 0 : i32
      %dma_wait3A_338 = tpu.memref_slice %arg9[%dma_wait3A_334, %dma_wait3A_336, %dma_wait3A_337] : memref<2x128x128xf32, #tpu.memory_space<vmem>> -> memref<1x128x128xf32, #tpu.memory_space<vmem>>
      %dma_wait3A_339 = tpu.memref_squeeze %dma_wait3A_338 : memref<1x128x128xf32, #tpu.memory_space<vmem>> -> memref<128x128xf32, #tpu.memory_space<vmem>>
      %dma_wait3A_340 = arith.constant 0 : i32
      %dma_wait3A_341 = tpu.memref_slice %arg8[%rem3A_48, %dma_wait3A_335, %dma_wait3A_340] : memref<2x8x128xi32, #tpu.memory_space<vmem>> -> memref<1x1x128xi32, #tpu.memory_space<vmem>>
      %dma_wait3A_342 = tpu.memref_squeeze %dma_wait3A_341 : memref<1x1x128xi32, #tpu.memory_space<vmem>> -> memref<128xi32, #tpu.memory_space<vmem>>
      %dma_wait3A_343 = arith.constant 0 : i32
      %dma_wait3A_344 = arith.constant 0 : i32
      %dma_wait3A_345 = tpu.memref_slice %arg10[%dma_wait3A_343, %dma_wait3A_344] : memref<10240x128xf32, #tpu.memory_space<vmem_shared>> -> memref<10240x128xf32, #tpu.memory_space<vmem_shared>>
      tpu.wait_indirect_dma semaphore(%arg14 : memref<!tpu.dma_semaphore, #tpu.memory_space<semaphore_mem>>) src(%dma_wait3A_339 : memref<128x128xf32, #tpu.memory_space<vmem>>) dst(%dma_wait3A_345 : memref<10240x128xf32, #tpu.memory_space<vmem_shared>>)
      %dma_start3A_346 = arith.constant 7 : i32
      %dma_start3A_347 = arith.constant 1 : i32
      %dma_start3A_348 = arith.constant 0 : i32
      %dma_start3A_349 = arith.constant 0 : i32
      %dma_start3A_350 = tpu.memref_slice %arg9[%dma_start3A_347, %dma_start3A_348, %dma_start3A_349] : memref<2x128x128xf32, #tpu.memory_space<vmem>> -> memref<1x128x128xf32, #tpu.memory_space<vmem>>
      %dma_start3A_351 = tpu.memref_squeeze %dma_start3A_350 : memref<1x128x128xf32, #tpu.memory_space<vmem>> -> memref<128x128xf32, #tpu.memory_space<vmem>>
      %dma_start3A_352 = arith.constant 0 : i32
      %dma_start3A_353 = tpu.memref_slice %arg7[%rem3A_48, %dma_start3A_346, %dma_start3A_352] : memref<2x8x128xi32, #tpu.memory_space<vmem>> -> memref<1x1x128xi32, #tpu.memory_space<vmem>>
      %dma_start3A_354 = tpu.memref_squeeze %dma_start3A_353 : memref<1x1x128xi32, #tpu.memory_space<vmem>> -> memref<128xi32, #tpu.memory_space<vmem>>
      %dma_start3A_355 = arith.constant 0 : i32
      %dma_start3A_356 = arith.constant 0 : i32
      %dma_start3A_357 = tpu.memref_slice %arg2[%dma_start3A_355, %dma_start3A_356] : memref<10000x128xf32, #tpu.memory_space<hbm>> -> memref<10000x128xf32, #tpu.memory_space<hbm>>
      tpu.enqueue_indirect_dma source(%dma_start3A_357 : memref<10000x128xf32, #tpu.memory_space<hbm>>) target(%dma_start3A_351 : memref<128x128xf32, #tpu.memory_space<vmem>>) offsets(%dma_start3A_354 : memref<128xi32, #tpu.memory_space<vmem>>) semaphore(%arg12 : memref<!tpu.dma_semaphore, #tpu.memory_space<semaphore_mem>>)
      %dma_wait3A_358 = arith.constant 6 : i32
      %dma_wait3A_359 = arith.constant 0 : i32
      %dma_wait3A_360 = arith.constant 0 : i32
      %dma_wait3A_361 = arith.constant 0 : i32
      %dma_wait3A_362 = tpu.memref_slice %arg9[%dma_wait3A_359, %dma_wait3A_360, %dma_wait3A_361] : memref<2x128x128xf32, #tpu.memory_space<vmem>> -> memref<1x128x128xf32, #tpu.memory_space<vmem>>
      %dma_wait3A_363 = tpu.memref_squeeze %dma_wait3A_362 : memref<1x128x128xf32, #tpu.memory_space<vmem>> -> memref<128x128xf32, #tpu.memory_space<vmem>>
      %dma_wait3A_364 = arith.constant 0 : i32
      %dma_wait3A_365 = tpu.memref_slice %arg7[%rem3A_48, %dma_wait3A_358, %dma_wait3A_364] : memref<2x8x128xi32, #tpu.memory_space<vmem>> -> memref<1x1x128xi32, #tpu.memory_space<vmem>>
      %dma_wait3A_366 = tpu.memref_squeeze %dma_wait3A_365 : memref<1x1x128xi32, #tpu.memory_space<vmem>> -> memref<128xi32, #tpu.memory_space<vmem>>
      %dma_wait3A_367 = arith.constant 0 : i32
      %dma_wait3A_368 = arith.constant 0 : i32
      %dma_wait3A_369 = tpu.memref_slice %arg2[%dma_wait3A_367, %dma_wait3A_368] : memref<10000x128xf32, #tpu.memory_space<hbm>> -> memref<10000x128xf32, #tpu.memory_space<hbm>>
      tpu.wait_indirect_dma semaphore(%arg11 : memref<!tpu.dma_semaphore, #tpu.memory_space<semaphore_mem>>) src(%dma_wait3A_369 : memref<10000x128xf32, #tpu.memory_space<hbm>>) dst(%dma_wait3A_363 : memref<128x128xf32, #tpu.memory_space<vmem>>)
      %dma_start3A_370 = arith.constant 0 : i32
      %dma_start3A_371 = arith.constant 6 : i32
      %dma_start3A_372 = arith.constant 0 : i32
      %dma_start3A_373 = arith.constant 0 : i32
      %dma_start3A_374 = tpu.memref_slice %arg9[%dma_start3A_370, %dma_start3A_372, %dma_start3A_373] : memref<2x128x128xf32, #tpu.memory_space<vmem>> -> memref<1x128x128xf32, #tpu.memory_space<vmem>>
      %dma_start3A_375 = tpu.memref_squeeze %dma_start3A_374 : memref<1x128x128xf32, #tpu.memory_space<vmem>> -> memref<128x128xf32, #tpu.memory_space<vmem>>
      %dma_start3A_376 = arith.constant 0 : i32
      %dma_start3A_377 = tpu.memref_slice %arg8[%rem3A_48, %dma_start3A_371, %dma_start3A_376] : memref<2x8x128xi32, #tpu.memory_space<vmem>> -> memref<1x1x128xi32, #tpu.memory_space<vmem>>
      %dma_start3A_378 = tpu.memref_squeeze %dma_start3A_377 : memref<1x1x128xi32, #tpu.memory_space<vmem>> -> memref<128xi32, #tpu.memory_space<vmem>>
      %dma_start3A_379 = arith.constant 0 : i32
      %dma_start3A_380 = arith.constant 0 : i32
      %dma_start3A_381 = tpu.memref_slice %arg10[%dma_start3A_379, %dma_start3A_380] : memref<10240x128xf32, #tpu.memory_space<vmem_shared>> -> memref<10240x128xf32, #tpu.memory_space<vmem_shared>>
      tpu.enqueue_indirect_dma source(%dma_start3A_375 : memref<128x128xf32, #tpu.memory_space<vmem>>) target(%dma_start3A_381 : memref<10240x128xf32, #tpu.memory_space<vmem_shared>>) offsets(%dma_start3A_378 : memref<128xi32, #tpu.memory_space<vmem>>) semaphore(%arg13 : memref<!tpu.dma_semaphore, #tpu.memory_space<semaphore_mem>>) {add = true}
      %add3A_382 = arith.constant 1 : i32
      %add3A_383 = arith.addi %scan3A_46, %add3A_382 : i32
      %lt3A_384 = arith.constant 10 : i32
      %lt3A_385 = arith.cmpi slt, %add3A_383, %lt3A_384 : i32
      %convert_element_type3A_386 = arith.extui %lt3A_385 : i1 to i32
      %cond3A_387 = arith.constant 0 : i32
      %cond3A_388 = arith.cmpi ne, %convert_element_type3A_386, %cond3A_387 : i32
      scf.if %cond3A_388 {
        %add3A_432 = arith.constant 1 : i32
        %add3A_433 = arith.addi %scan3A_46, %add3A_432 : i32
        %mul3A_434 = arith.constant 8 : i32
        %mul3A_435 = arith.muli %add3A_433, %mul3A_434 : i32
        %add3A_436 = arith.addi %mul3A_2, %mul3A_435 : i32
        %dma_wait3A_437 = arith.constant 0 : i32
        %dma_wait3A_438 = arith.constant 0 : i32
        %dma_wait3A_439 = tpu.memref_slice %arg7[%sub3A_49, %dma_wait3A_437, %dma_wait3A_438] : memref<2x8x128xi32, #tpu.memory_space<vmem>> -> memref<1x8x128xi32, #tpu.memory_space<vmem>>
        %dma_wait3A_440 = tpu.memref_squeeze %dma_wait3A_439 : memref<1x8x128xi32, #tpu.memory_space<vmem>> -> memref<8x128xi32, #tpu.memory_space<vmem>>
        %dma_wait3A_441 = arith.constant 0 : i32
        %dma_wait3A_442 = tpu.memref_slice %arg3[%add3A_436, %dma_wait3A_441] : memref<2560x128xi32, #tpu.memory_space<hbm>> -> memref<8x128xi32, #tpu.memory_space<hbm>>
        %dma_wait3A_443 = arith.constant 0 : i32
        %dma_wait3A_444 = arith.constant 0 : i32
        %dma_wait3A_445 = tpu.memref_slice %arg7[%sub3A_49, %dma_wait3A_443, %dma_wait3A_444] : memref<2x8x128xi32, #tpu.memory_space<vmem>> -> memref<1x8x128xi32, #tpu.memory_space<vmem>>
        %dma_wait3A_446 = tpu.memref_squeeze %dma_wait3A_445 : memref<1x8x128xi32, #tpu.memory_space<vmem>> -> memref<8x128xi32, #tpu.memory_space<vmem>>
        %dma_wait3A_447 = arith.constant 0 : i32
        %dma_wait3A_448 = tpu.memref_slice %arg3[%add3A_436, %dma_wait3A_447] : memref<2560x128xi32, #tpu.memory_space<hbm>> -> memref<8x128xi32, #tpu.memory_space<hbm>>
        tpu.wait_dma2 semaphore(%arg15 : memref<!tpu.dma_semaphore, #tpu.memory_space<semaphore_mem>>) src(%dma_wait3A_448 : memref<8x128xi32, #tpu.memory_space<hbm>>) dst(%dma_wait3A_446 : memref<8x128xi32, #tpu.memory_space<vmem>>)
        %add3A_449 = arith.constant 1 : i32
        %add3A_450 = arith.addi %scan3A_46, %add3A_449 : i32
        %mul3A_451 = arith.constant 8 : i32
        %mul3A_452 = arith.muli %add3A_450, %mul3A_451 : i32
        %add3A_453 = arith.addi %mul3A_2, %mul3A_452 : i32
        %dma_wait3A_454 = arith.constant 0 : i32
        %dma_wait3A_455 = arith.constant 0 : i32
        %dma_wait3A_456 = tpu.memref_slice %arg8[%sub3A_49, %dma_wait3A_454, %dma_wait3A_455] : memref<2x8x128xi32, #tpu.memory_space<vmem>> -> memref<1x8x128xi32, #tpu.memory_space<vmem>>
        %dma_wait3A_457 = tpu.memref_squeeze %dma_wait3A_456 : memref<1x8x128xi32, #tpu.memory_space<vmem>> -> memref<8x128xi32, #tpu.memory_space<vmem>>
        %dma_wait3A_458 = arith.constant 0 : i32
        %dma_wait3A_459 = tpu.memref_slice %arg4[%add3A_453, %dma_wait3A_458] : memref<2560x128xi32, #tpu.memory_space<hbm>> -> memref<8x128xi32, #tpu.memory_space<hbm>>
        %dma_wait3A_460 = arith.constant 0 : i32
        %dma_wait3A_461 = arith.constant 0 : i32
        %dma_wait3A_462 = tpu.memref_slice %arg8[%sub3A_49, %dma_wait3A_460, %dma_wait3A_461] : memref<2x8x128xi32, #tpu.memory_space<vmem>> -> memref<1x8x128xi32, #tpu.memory_space<vmem>>
        %dma_wait3A_463 = tpu.memref_squeeze %dma_wait3A_462 : memref<1x8x128xi32, #tpu.memory_space<vmem>> -> memref<8x128xi32, #tpu.memory_space<vmem>>
        %dma_wait3A_464 = arith.constant 0 : i32
        %dma_wait3A_465 = tpu.memref_slice %arg4[%add3A_453, %dma_wait3A_464] : memref<2560x128xi32, #tpu.memory_space<hbm>> -> memref<8x128xi32, #tpu.memory_space<hbm>>
        tpu.wait_dma2 semaphore(%arg16 : memref<!tpu.dma_semaphore, #tpu.memory_space<semaphore_mem>>) src(%dma_wait3A_465 : memref<8x128xi32, #tpu.memory_space<hbm>>) dst(%dma_wait3A_463 : memref<8x128xi32, #tpu.memory_space<vmem>>)
      } else {
      }
      %dma_wait3A_389 = arith.constant 0 : i32
      %dma_wait3A_390 = arith.constant 6 : i32
      %dma_wait3A_391 = arith.constant 0 : i32
      %dma_wait3A_392 = arith.constant 0 : i32
      %dma_wait3A_393 = tpu.memref_slice %arg9[%dma_wait3A_389, %dma_wait3A_391, %dma_wait3A_392] : memref<2x128x128xf32, #tpu.memory_space<vmem>> -> memref<1x128x128xf32, #tpu.memory_space<vmem>>
      %dma_wait3A_394 = tpu.memref_squeeze %dma_wait3A_393 : memref<1x128x128xf32, #tpu.memory_space<vmem>> -> memref<128x128xf32, #tpu.memory_space<vmem>>
      %dma_wait3A_395 = arith.constant 0 : i32
      %dma_wait3A_396 = tpu.memref_slice %arg8[%rem3A_48, %dma_wait3A_390, %dma_wait3A_395] : memref<2x8x128xi32, #tpu.memory_space<vmem>> -> memref<1x1x128xi32, #tpu.memory_space<vmem>>
      %dma_wait3A_397 = tpu.memref_squeeze %dma_wait3A_396 : memref<1x1x128xi32, #tpu.memory_space<vmem>> -> memref<128xi32, #tpu.memory_space<vmem>>
      %dma_wait3A_398 = arith.constant 0 : i32
      %dma_wait3A_399 = arith.constant 0 : i32
      %dma_wait3A_400 = tpu.memref_slice %arg10[%dma_wait3A_398, %dma_wait3A_399] : memref<10240x128xf32, #tpu.memory_space<vmem_shared>> -> memref<10240x128xf32, #tpu.memory_space<vmem_shared>>
      tpu.wait_indirect_dma semaphore(%arg13 : memref<!tpu.dma_semaphore, #tpu.memory_space<semaphore_mem>>) src(%dma_wait3A_394 : memref<128x128xf32, #tpu.memory_space<vmem>>) dst(%dma_wait3A_400 : memref<10240x128xf32, #tpu.memory_space<vmem_shared>>)
      %add3A_401 = arith.constant 1 : i32
      %add3A_402 = arith.addi %scan3A_46, %add3A_401 : i32
      %lt3A_403 = arith.constant 10 : i32
      %lt3A_404 = arith.cmpi slt, %add3A_402, %lt3A_403 : i32
      %convert_element_type3A_405 = arith.extui %lt3A_404 : i1 to i32
      %cond3A_406 = arith.constant 0 : i32
      %cond3A_407 = arith.cmpi ne, %convert_element_type3A_405, %cond3A_406 : i32
      scf.if %cond3A_407 {
        %dma_start3A_432 = arith.constant 0 : i32
        %dma_start3A_433 = arith.constant 0 : i32
        %dma_start3A_434 = arith.constant 0 : i32
        %dma_start3A_435 = arith.constant 0 : i32
        %dma_start3A_436 = tpu.memref_slice %arg9[%dma_start3A_433, %dma_start3A_434, %dma_start3A_435] : memref<2x128x128xf32, #tpu.memory_space<vmem>> -> memref<1x128x128xf32, #tpu.memory_space<vmem>>
        %dma_start3A_437 = tpu.memref_squeeze %dma_start3A_436 : memref<1x128x128xf32, #tpu.memory_space<vmem>> -> memref<128x128xf32, #tpu.memory_space<vmem>>
        %dma_start3A_438 = arith.constant 0 : i32
        %dma_start3A_439 = tpu.memref_slice %arg7[%sub3A_49, %dma_start3A_432, %dma_start3A_438] : memref<2x8x128xi32, #tpu.memory_space<vmem>> -> memref<1x1x128xi32, #tpu.memory_space<vmem>>
        %dma_start3A_440 = tpu.memref_squeeze %dma_start3A_439 : memref<1x1x128xi32, #tpu.memory_space<vmem>> -> memref<128xi32, #tpu.memory_space<vmem>>
        %dma_start3A_441 = arith.constant 0 : i32
        %dma_start3A_442 = arith.constant 0 : i32
        %dma_start3A_443 = tpu.memref_slice %arg2[%dma_start3A_441, %dma_start3A_442] : memref<10000x128xf32, #tpu.memory_space<hbm>> -> memref<10000x128xf32, #tpu.memory_space<hbm>>
        tpu.enqueue_indirect_dma source(%dma_start3A_443 : memref<10000x128xf32, #tpu.memory_space<hbm>>) target(%dma_start3A_437 : memref<128x128xf32, #tpu.memory_space<vmem>>) offsets(%dma_start3A_440 : memref<128xi32, #tpu.memory_space<vmem>>) semaphore(%arg11 : memref<!tpu.dma_semaphore, #tpu.memory_space<semaphore_mem>>)
      } else {
      }
      %dma_wait3A_408 = arith.constant 7 : i32
      %dma_wait3A_409 = arith.constant 1 : i32
      %dma_wait3A_410 = arith.constant 0 : i32
      %dma_wait3A_411 = arith.constant 0 : i32
      %dma_wait3A_412 = tpu.memref_slice %arg9[%dma_wait3A_409, %dma_wait3A_410, %dma_wait3A_411] : memref<2x128x128xf32, #tpu.memory_space<vmem>> -> memref<1x128x128xf32, #tpu.memory_space<vmem>>
      %dma_wait3A_413 = tpu.memref_squeeze %dma_wait3A_412 : memref<1x128x128xf32, #tpu.memory_space<vmem>> -> memref<128x128xf32, #tpu.memory_space<vmem>>
      %dma_wait3A_414 = arith.constant 0 : i32
      %dma_wait3A_415 = tpu.memref_slice %arg7[%rem3A_48, %dma_wait3A_408, %dma_wait3A_414] : memref<2x8x128xi32, #tpu.memory_space<vmem>> -> memref<1x1x128xi32, #tpu.memory_space<vmem>>
      %dma_wait3A_416 = tpu.memref_squeeze %dma_wait3A_415 : memref<1x1x128xi32, #tpu.memory_space<vmem>> -> memref<128xi32, #tpu.memory_space<vmem>>
      %dma_wait3A_417 = arith.constant 0 : i32
      %dma_wait3A_418 = arith.constant 0 : i32
      %dma_wait3A_419 = tpu.memref_slice %arg2[%dma_wait3A_417, %dma_wait3A_418] : memref<10000x128xf32, #tpu.memory_space<hbm>> -> memref<10000x128xf32, #tpu.memory_space<hbm>>
      tpu.wait_indirect_dma semaphore(%arg12 : memref<!tpu.dma_semaphore, #tpu.memory_space<semaphore_mem>>) src(%dma_wait3A_419 : memref<10000x128xf32, #tpu.memory_space<hbm>>) dst(%dma_wait3A_413 : memref<128x128xf32, #tpu.memory_space<vmem>>)
      %dma_start3A_420 = arith.constant 1 : i32
      %dma_start3A_421 = arith.constant 7 : i32
      %dma_start3A_422 = arith.constant 0 : i32
      %dma_start3A_423 = arith.constant 0 : i32
      %dma_start3A_424 = tpu.memref_slice %arg9[%dma_start3A_420, %dma_start3A_422, %dma_start3A_423] : memref<2x128x128xf32, #tpu.memory_space<vmem>> -> memref<1x128x128xf32, #tpu.memory_space<vmem>>
      %dma_start3A_425 = tpu.memref_squeeze %dma_start3A_424 : memref<1x128x128xf32, #tpu.memory_space<vmem>> -> memref<128x128xf32, #tpu.memory_space<vmem>>
      %dma_start3A_426 = arith.constant 0 : i32
      %dma_start3A_427 = tpu.memref_slice %arg8[%rem3A_48, %dma_start3A_421, %dma_start3A_426] : memref<2x8x128xi32, #tpu.memory_space<vmem>> -> memref<1x1x128xi32, #tpu.memory_space<vmem>>
      %dma_start3A_428 = tpu.memref_squeeze %dma_start3A_427 : memref<1x1x128xi32, #tpu.memory_space<vmem>> -> memref<128xi32, #tpu.memory_space<vmem>>
      %dma_start3A_429 = arith.constant 0 : i32
      %dma_start3A_430 = arith.constant 0 : i32
      %dma_start3A_431 = tpu.memref_slice %arg10[%dma_start3A_429, %dma_start3A_430] : memref<10240x128xf32, #tpu.memory_space<vmem_shared>> -> memref<10240x128xf32, #tpu.memory_space<vmem_shared>>
      tpu.enqueue_indirect_dma source(%dma_start3A_425 : memref<128x128xf32, #tpu.memory_space<vmem>>) target(%dma_start3A_431 : memref<10240x128xf32, #tpu.memory_space<vmem_shared>>) offsets(%dma_start3A_428 : memref<128xi32, #tpu.memory_space<vmem>>) semaphore(%arg14 : memref<!tpu.dma_semaphore, #tpu.memory_space<semaphore_mem>>) {add = true}
    }
    %scan3A_24 = arith.constant 10 : i32
    %rem3A = arith.constant 9 : i32
    %rem3A_25 = arith.constant 2 : i32
    %rem3A_26 = arith.remsi %rem3A, %rem3A_25 : i32
    %dma_wait3A = arith.constant 1 : i32
    %dma_wait3A_27 = arith.constant 7 : i32
    %dma_wait3A_28 = arith.constant 0 : i32
    %dma_wait3A_29 = arith.constant 0 : i32
    %dma_wait3A_30 = tpu.memref_slice %arg9[%dma_wait3A, %dma_wait3A_28, %dma_wait3A_29] : memref<2x128x128xf32, #tpu.memory_space<vmem>> -> memref<1x128x128xf32, #tpu.memory_space<vmem>>
    %dma_wait3A_31 = tpu.memref_squeeze %dma_wait3A_30 : memref<1x128x128xf32, #tpu.memory_space<vmem>> -> memref<128x128xf32, #tpu.memory_space<vmem>>
    %dma_wait3A_32 = arith.constant 0 : i32
    %dma_wait3A_33 = tpu.memref_slice %arg8[%rem3A_26, %dma_wait3A_27, %dma_wait3A_32] : memref<2x8x128xi32, #tpu.memory_space<vmem>> -> memref<1x1x128xi32, #tpu.memory_space<vmem>>
    %dma_wait3A_34 = tpu.memref_squeeze %dma_wait3A_33 : memref<1x1x128xi32, #tpu.memory_space<vmem>> -> memref<128xi32, #tpu.memory_space<vmem>>
    %dma_wait3A_35 = arith.constant 0 : i32
    %dma_wait3A_36 = arith.constant 0 : i32
    %dma_wait3A_37 = tpu.memref_slice %arg10[%dma_wait3A_35, %dma_wait3A_36] : memref<10240x128xf32, #tpu.memory_space<vmem_shared>> -> memref<10240x128xf32, #tpu.memory_space<vmem_shared>>
    tpu.wait_indirect_dma semaphore(%arg14 : memref<!tpu.dma_semaphore, #tpu.memory_space<semaphore_mem>>) src(%dma_wait3A_31 : memref<128x128xf32, #tpu.memory_space<vmem>>) dst(%dma_wait3A_37 : memref<10240x128xf32, #tpu.memory_space<vmem_shared>>)
    %barrier3A_38 = arith.constant 0 : index
    tpu.barrier barrier_id(%barrier3A_38)
    %mul3A_39 = arith.constant 640 : i32
    %mul3A_40 = arith.muli %arg1, %mul3A_39 : i32
    %mul3A_41 = arith.constant 10240 : i32
    %mul3A_42 = arith.muli %arg0, %mul3A_41 : i32
    %mul3A_43 = arith.constant 640 : i32
    %mul3A_44 = arith.muli %arg1, %mul3A_43 : i32
    %add3A_45 = arith.addi %mul3A_42, %mul3A_44 : i32
    "tpu.region"() ({
      %run_scoped3A_46 = tpu.sem_alloc : memref<!tpu.dma_semaphore, #tpu.memory_space<semaphore_mem>>
      %dma_start3A_47 = arith.constant 0 : i32
      %dma_start3A_48 = tpu.memref_slice %arg6[%add3A_45, %dma_start3A_47] : memref<20480x128xf32, #tpu.memory_space<hbm>> -> memref<640x128xf32, #tpu.memory_space<hbm>>
      %dma_start3A_49 = arith.constant 0 : i32
      %dma_start3A_50 = tpu.memref_slice %arg10[%mul3A_40, %dma_start3A_49] : memref<10240x128xf32, #tpu.memory_space<vmem_shared>> -> memref<640x128xf32, #tpu.memory_space<vmem_shared>>
      tpu.enqueue_dma source(%dma_start3A_50 : memref<640x128xf32, #tpu.memory_space<vmem_shared>>) target(%dma_start3A_48 : memref<640x128xf32, #tpu.memory_space<hbm>>) target_semaphore(%run_scoped3A_46 : memref<!tpu.dma_semaphore, #tpu.memory_space<semaphore_mem>>)
      %dma_wait3A_51 = arith.constant 0 : i32
      %dma_wait3A_52 = tpu.memref_slice %arg6[%add3A_45, %dma_wait3A_51] : memref<20480x128xf32, #tpu.memory_space<hbm>> -> memref<640x128xf32, #tpu.memory_space<hbm>>
      %dma_wait3A_53 = arith.constant 0 : i32
      %dma_wait3A_54 = tpu.memref_slice %arg10[%mul3A_40, %dma_wait3A_53] : memref<10240x128xf32, #tpu.memory_space<vmem_shared>> -> memref<640x128xf32, #tpu.memory_space<vmem_shared>>
      tpu.wait_dma2 semaphore(%run_scoped3A_46 : memref<!tpu.dma_semaphore, #tpu.memory_space<semaphore_mem>>) src(%dma_wait3A_54 : memref<640x128xf32, #tpu.memory_space<vmem_shared>>) dst(%dma_wait3A_52 : memref<640x128xf32, #tpu.memory_space<hbm>>)
      tpu.yield
    }) : () -> ()
    return
  }
}

module attributes {stable_mosaic.version = 14 : i64} {
  func.func @_fuse1_body(%arg0: i32, %arg1: memref<1024x128xf32, #tpu.memory_space<vmem>>, %arg2: memref<2x1024xf32, #tpu.memory_space<vmem>>, %arg3: memref<128x128xf32, #tpu.memory_space<vmem>>, %arg4: memref<1x128xf32, #tpu.memory_space<vmem>>, %arg5: memref<128x128xf32, #tpu.memory_space<vmem>>, %arg6: memref<1024x128xf32, #tpu.memory_space<vmem>>, %arg7: memref<1024x128xf32, #tpu.memory_space<vmem>>) attributes {dimension_semantics = [#tpu.dimension_semantics<arbitrary>], iteration_bounds = array<i64: 10>, scalar_prefetch = 0 : i64, scratch_operands = 0 : i64, tpu.core_type = #tpu.core_type<tc>, window_params = [{transform_indices = @transform_0, window_bounds = array<i64: 1024, 128>}, {transform_indices = @transform_1, window_bounds = array<i64: 2, 1024>}, {pipeline_mode = #tpu.pipeline_mode<synchronous>, transform_indices = @transform_2, window_bounds = array<i64: 128, 128>}, {pipeline_mode = #tpu.pipeline_mode<synchronous>, transform_indices = @transform_3, window_bounds = array<i64: 1, 128>}, {pipeline_mode = #tpu.pipeline_mode<synchronous>, transform_indices = @transform_4, window_bounds = array<i64: 128, 128>}, {transform_indices = @transform_5, window_bounds = array<i64: 1024, 128>}, {transform_indices = @transform_6, window_bounds = array<i64: 1024, 128>}]} {
    %get3A = arith.constant 0 : index
    %get3A_0 = arith.constant 0 : index
    %get3A_1 = vector.load %arg2[%get3A, %get3A_0] : memref<2x1024xf32, #tpu.memory_space<vmem>>, vector<1x1024xf32>
    %get3A_2 = vector.shape_cast %get3A_1 : vector<1x1024xf32> to vector<1024xf32>
    %get3A_3 = arith.constant 1 : index
    %get3A_4 = arith.constant 0 : index
    %get3A_5 = vector.load %arg2[%get3A_3, %get3A_4] : memref<2x1024xf32, #tpu.memory_space<vmem>>, vector<1x1024xf32>
    %get3A_6 = vector.shape_cast %get3A_5 : vector<1x1024xf32> to vector<1024xf32>
    %add3A = arith.addf %get3A_2, %get3A_6 : vector<1024xf32>
    %gt3A = arith.constant 0.000000e+00 : f32
    %gt3A_7 = vector.broadcast %gt3A : f32 to vector<1024xf32>
    %gt3A_8 = arith.cmpf ogt, %add3A, %gt3A_7 : vector<1024xf32>
    %rsqrt3A = math.rsqrt %add3A : vector<1024xf32>
    %jit3A = arith.constant 0.000000e+00 : f32
    %broadcast_in_dim3A = vector.broadcast %jit3A : f32 to vector<1024xf32>
    %select_n3A = arith.select %gt3A_8, %rsqrt3A, %broadcast_in_dim3A : vector<1024xi1>, vector<1024xf32>
    %broadcast_in_dim3A_9 = vector.shape_cast %select_n3A : vector<1024xf32> to vector<1024x1xf32>
    %get3A_10 = arith.constant 0 : index
    %get3A_11 = arith.constant 0 : index
    %get3A_12 = vector.load %arg1[%get3A_10, %get3A_11] : memref<1024x128xf32, #tpu.memory_space<vmem>>, vector<1024x128xf32>
    %get3A_13 = arith.constant 0 : index
    %get3A_14 = arith.constant 0 : index
    %get3A_15 = vector.load %arg3[%get3A_13, %get3A_14] : memref<128x128xf32, #tpu.memory_space<vmem>>, vector<128x128xf32>
    %dot_general3A = arith.constant dense<0.000000e+00> : vector<1024x128xf32>
    %dot_general3A_16 = tpu.matmul %get3A_12, %get3A_15, %dot_general3A {dimension_numbers = #tpu.dot_dimension_numbers<[1], [0], [0], [1], [0, 0, 1, 1], [], []>, precision = #tpu.contract_precision<fp32>, transpose_lhs_hint = false} : vector<1024x128xf32>, vector<128x128xf32>, vector<1024x128xf32> -> vector<1024x128xf32>
    %get3A_17 = arith.constant 0 : index
    %get3A_18 = arith.constant 0 : index
    %get3A_19 = vector.load %arg4[%get3A_17, %get3A_18] : memref<1x128xf32, #tpu.memory_space<vmem>>, vector<1x128xf32>
    %add3A_20 = vector.broadcast %get3A_19 : vector<1x128xf32> to vector<1024x128xf32>
    %add3A_21 = arith.addf %dot_general3A_16, %add3A_20 : vector<1024x128xf32>
    %max3A = arith.constant 0.000000e+00 : f32
    %max3A_22 = vector.broadcast %max3A : f32 to vector<1024x128xf32>
    %max3A_23 = arith.maximumf %add3A_21, %max3A_22 : vector<1024x128xf32>
    %swap3A = arith.constant 0 : index
    %swap3A_24 = arith.constant 0 : index
    %swap3A_25 = vector.load %arg6[%swap3A, %swap3A_24] : memref<1024x128xf32, #tpu.memory_space<vmem>>, vector<1024x128xf32>
    tpu.vector_store %arg6[%swap3A, %swap3A_24], %max3A_23 {strides = array<i32>} : memref<1024x128xf32, #tpu.memory_space<vmem>>, vector<1024x128xf32>,
    %get3A_26 = arith.constant 0 : index
    %get3A_27 = arith.constant 0 : index
    %get3A_28 = vector.load %arg5[%get3A_26, %get3A_27] : memref<128x128xf32, #tpu.memory_space<vmem>>, vector<128x128xf32>
    %dot_general3A_29 = arith.constant dense<0.000000e+00> : vector<1024x128xf32>
    %dot_general3A_30 = tpu.matmul %get3A_12, %get3A_28, %dot_general3A_29 {dimension_numbers = #tpu.dot_dimension_numbers<[1], [0], [0], [1], [0, 0, 1, 1], [], []>, precision = #tpu.contract_precision<fp32>, transpose_lhs_hint = false} : vector<1024x128xf32>, vector<128x128xf32>, vector<1024x128xf32> -> vector<1024x128xf32>
    %mul3A = vector.broadcast %broadcast_in_dim3A_9 : vector<1024x1xf32> to vector<1024x128xf32>
    %mul3A_31 = arith.mulf %mul3A, %dot_general3A_30 : vector<1024x128xf32>
    %swap3A_32 = arith.constant 0 : index
    %swap3A_33 = arith.constant 0 : index
    %swap3A_34 = vector.load %arg7[%swap3A_32, %swap3A_33] : memref<1024x128xf32, #tpu.memory_space<vmem>>, vector<1024x128xf32>
    tpu.vector_store %arg7[%swap3A_32, %swap3A_33], %mul3A_31 {strides = array<i32>} : memref<1024x128xf32, #tpu.memory_space<vmem>>, vector<1024x128xf32>,
    return
  }
  func.func @transform_0(%arg0: i32) -> (i32, i32) {
    %c0_i32 = arith.constant 0 : i32
    %c0_i32_0 = arith.constant 0 : i32
    return %arg0, %c0_i32 : i32, i32
  }
  func.func @transform_1(%arg0: i32) -> (i32, i32) {
    %c0_i32 = arith.constant 0 : i32
    %c0_i32_0 = arith.constant 0 : i32
    return %c0_i32, %arg0 : i32, i32
  }
  func.func @transform_2(%arg0: i32) -> (i32, i32) {
    %c0_i32 = arith.constant 0 : i32
    %c0_i32_0 = arith.constant 0 : i32
    %c0_i32_1 = arith.constant 0 : i32
    return %c0_i32, %c0_i32_0 : i32, i32
  }
  func.func @transform_3(%arg0: i32) -> (i32, i32) {
    %c0_i32 = arith.constant 0 : i32
    %c0_i32_0 = arith.constant 0 : i32
    %c0_i32_1 = arith.constant 0 : i32
    return %c0_i32, %c0_i32_0 : i32, i32
  }
  func.func @transform_4(%arg0: i32) -> (i32, i32) {
    %c0_i32 = arith.constant 0 : i32
    %c0_i32_0 = arith.constant 0 : i32
    %c0_i32_1 = arith.constant 0 : i32
    return %c0_i32, %c0_i32_0 : i32, i32
  }
  func.func @transform_5(%arg0: i32) -> (i32, i32) {
    %c0_i32 = arith.constant 0 : i32
    %c0_i32_0 = arith.constant 0 : i32
    return %arg0, %c0_i32 : i32, i32
  }
  func.func @transform_6(%arg0: i32) -> (i32, i32) {
    %c0_i32 = arith.constant 0 : i32
    %c0_i32_0 = arith.constant 0 : i32
    return %arg0, %c0_i32 : i32, i32
  }
}

module attributes {stable_mosaic.version = 14 : i64} {
  func.func @_fuse2_body(%arg0: i32, %arg1: memref<2x1024x128xf32, #tpu.memory_space<vmem>>, %arg2: memref<2x1024xf32, #tpu.memory_space<vmem>>, %arg3: memref<1x128xf32, #tpu.memory_space<vmem>>, %arg4: memref<128x128xf32, #tpu.memory_space<vmem>>, %arg5: memref<1024x128xf32, #tpu.memory_space<vmem>>, %arg6: memref<1024x128xf32, #tpu.memory_space<vmem>>) attributes {dimension_semantics = [#tpu.dimension_semantics<arbitrary>], iteration_bounds = array<i64: 10>, scalar_prefetch = 0 : i64, scratch_operands = 0 : i64, tpu.core_type = #tpu.core_type<tc>, window_params = [{transform_indices = @transform_0, window_bounds = array<i64: 2, 1024, 128>}, {transform_indices = @transform_1, window_bounds = array<i64: 2, 1024>}, {pipeline_mode = #tpu.pipeline_mode<synchronous>, transform_indices = @transform_2, window_bounds = array<i64: 1, 128>}, {pipeline_mode = #tpu.pipeline_mode<synchronous>, transform_indices = @transform_3, window_bounds = array<i64: 128, 128>}, {transform_indices = @transform_4, window_bounds = array<i64: 1024, 128>}, {transform_indices = @transform_5, window_bounds = array<i64: 1024, 128>}]} {
    %get3A = arith.constant 0 : index
    %get3A_0 = arith.constant 0 : index
    %get3A_1 = vector.load %arg2[%get3A, %get3A_0] : memref<2x1024xf32, #tpu.memory_space<vmem>>, vector<1x1024xf32>
    %get3A_2 = vector.shape_cast %get3A_1 : vector<1x1024xf32> to vector<1024xf32>
    %get3A_3 = arith.constant 1 : index
    %get3A_4 = arith.constant 0 : index
    %get3A_5 = vector.load %arg2[%get3A_3, %get3A_4] : memref<2x1024xf32, #tpu.memory_space<vmem>>, vector<1x1024xf32>
    %get3A_6 = vector.shape_cast %get3A_5 : vector<1x1024xf32> to vector<1024xf32>
    %add3A = arith.addf %get3A_2, %get3A_6 : vector<1024xf32>
    %gt3A = arith.constant 0.000000e+00 : f32
    %gt3A_7 = vector.broadcast %gt3A : f32 to vector<1024xf32>
    %gt3A_8 = arith.cmpf ogt, %add3A, %gt3A_7 : vector<1024xf32>
    %rsqrt3A = math.rsqrt %add3A : vector<1024xf32>
    %jit3A = arith.constant 0.000000e+00 : f32
    %broadcast_in_dim3A = vector.broadcast %jit3A : f32 to vector<1024xf32>
    %select_n3A = arith.select %gt3A_8, %rsqrt3A, %broadcast_in_dim3A : vector<1024xi1>, vector<1024xf32>
    %broadcast_in_dim3A_9 = vector.shape_cast %select_n3A : vector<1024xf32> to vector<1024x1xf32>
    %get3A_10 = arith.constant 0 : index
    %get3A_11 = arith.constant 0 : index
    %get3A_12 = arith.constant 0 : index
    %get3A_13 = vector.load %arg1[%get3A_10, %get3A_11, %get3A_12] : memref<2x1024x128xf32, #tpu.memory_space<vmem>>, vector<1x1024x128xf32>
    %get3A_14 = vector.shape_cast %get3A_13 : vector<1x1024x128xf32> to vector<1024x128xf32>
    %get3A_15 = arith.constant 1 : index
    %get3A_16 = arith.constant 0 : index
    %get3A_17 = arith.constant 0 : index
    %get3A_18 = vector.load %arg1[%get3A_15, %get3A_16, %get3A_17] : memref<2x1024x128xf32, #tpu.memory_space<vmem>>, vector<1x1024x128xf32>
    %get3A_19 = vector.shape_cast %get3A_18 : vector<1x1024x128xf32> to vector<1024x128xf32>
    %add3A_20 = arith.addf %get3A_14, %get3A_19 : vector<1024x128xf32>
    %mul3A = vector.broadcast %broadcast_in_dim3A_9 : vector<1024x1xf32> to vector<1024x128xf32>
    %mul3A_21 = arith.mulf %mul3A, %add3A_20 : vector<1024x128xf32>
    %get3A_22 = arith.constant 0 : index
    %get3A_23 = arith.constant 0 : index
    %get3A_24 = vector.load %arg3[%get3A_22, %get3A_23] : memref<1x128xf32, #tpu.memory_space<vmem>>, vector<1x128xf32>
    %add3A_25 = vector.broadcast %get3A_24 : vector<1x128xf32> to vector<1024x128xf32>
    %add3A_26 = arith.addf %mul3A_21, %add3A_25 : vector<1024x128xf32>
    %max3A = arith.constant 0.000000e+00 : f32
    %max3A_27 = vector.broadcast %max3A : f32 to vector<1024x128xf32>
    %max3A_28 = arith.maximumf %add3A_26, %max3A_27 : vector<1024x128xf32>
    %swap3A = arith.constant 0 : index
    %swap3A_29 = arith.constant 0 : index
    %swap3A_30 = vector.load %arg5[%swap3A, %swap3A_29] : memref<1024x128xf32, #tpu.memory_space<vmem>>, vector<1024x128xf32>
    tpu.vector_store %arg5[%swap3A, %swap3A_29], %max3A_28 {strides = array<i32>} : memref<1024x128xf32, #tpu.memory_space<vmem>>, vector<1024x128xf32>,
    %get3A_31 = arith.constant 0 : index
    %get3A_32 = arith.constant 0 : index
    %get3A_33 = vector.load %arg4[%get3A_31, %get3A_32] : memref<128x128xf32, #tpu.memory_space<vmem>>, vector<128x128xf32>
    %dot_general3A = arith.constant dense<0.000000e+00> : vector<1024x128xf32>
    %dot_general3A_34 = tpu.matmul %max3A_28, %get3A_33, %dot_general3A {dimension_numbers = #tpu.dot_dimension_numbers<[1], [0], [0], [1], [0, 0, 1, 1], [], []>, precision = #tpu.contract_precision<fp32>, transpose_lhs_hint = false} : vector<1024x128xf32>, vector<128x128xf32>, vector<1024x128xf32> -> vector<1024x128xf32>
    %mul3A_35 = vector.broadcast %broadcast_in_dim3A_9 : vector<1024x1xf32> to vector<1024x128xf32>
    %mul3A_36 = arith.mulf %mul3A_35, %dot_general3A_34 : vector<1024x128xf32>
    %swap3A_37 = arith.constant 0 : index
    %swap3A_38 = arith.constant 0 : index
    %swap3A_39 = vector.load %arg6[%swap3A_37, %swap3A_38] : memref<1024x128xf32, #tpu.memory_space<vmem>>, vector<1024x128xf32>
    tpu.vector_store %arg6[%swap3A_37, %swap3A_38], %mul3A_36 {strides = array<i32>} : memref<1024x128xf32, #tpu.memory_space<vmem>>, vector<1024x128xf32>,
    return
  }
  func.func @transform_0(%arg0: i32) -> (i32, i32, i32) {
    %c0_i32 = arith.constant 0 : i32
    %c0_i32_0 = arith.constant 0 : i32
    %c0_i32_1 = arith.constant 0 : i32
    return %c0_i32, %arg0, %c0_i32_0 : i32, i32, i32
  }
  func.func @transform_1(%arg0: i32) -> (i32, i32) {
    %c0_i32 = arith.constant 0 : i32
    %c0_i32_0 = arith.constant 0 : i32
    return %c0_i32, %arg0 : i32, i32
  }
  func.func @transform_2(%arg0: i32) -> (i32, i32) {
    %c0_i32 = arith.constant 0 : i32
    %c0_i32_0 = arith.constant 0 : i32
    %c0_i32_1 = arith.constant 0 : i32
    return %c0_i32, %c0_i32_0 : i32, i32
  }
  func.func @transform_3(%arg0: i32) -> (i32, i32) {
    %c0_i32 = arith.constant 0 : i32
    %c0_i32_0 = arith.constant 0 : i32
    %c0_i32_1 = arith.constant 0 : i32
    return %c0_i32, %c0_i32_0 : i32, i32
  }
  func.func @transform_4(%arg0: i32) -> (i32, i32) {
    %c0_i32 = arith.constant 0 : i32
    %c0_i32_0 = arith.constant 0 : i32
    return %arg0, %c0_i32 : i32, i32
  }
  func.func @transform_5(%arg0: i32) -> (i32, i32) {
    %c0_i32 = arith.constant 0 : i32
    %c0_i32_0 = arith.constant 0 : i32
    return %arg0, %c0_i32 : i32, i32
  }
}

module attributes {stable_mosaic.version = 14 : i64} {
  func.func @_fuse3_body(%arg0: i32, %arg1: memref<2x1024x128xf32, #tpu.memory_space<vmem>>, %arg2: memref<2x1024xf32, #tpu.memory_space<vmem>>, %arg3: memref<1x128xf32, #tpu.memory_space<vmem>>, %arg4: memref<1024x128xf32, #tpu.memory_space<vmem>>, %arg5: memref<1024x128xf32, #tpu.memory_space<vmem>>, %arg6: memref<384x64xf32, #tpu.memory_space<vmem>>, %arg7: memref<1x64xf32, #tpu.memory_space<vmem>>, %arg8: memref<1024x64xf32, #tpu.memory_space<vmem>>) attributes {dimension_semantics = [#tpu.dimension_semantics<arbitrary>], iteration_bounds = array<i64: 10>, scalar_prefetch = 0 : i64, scratch_operands = 0 : i64, tpu.core_type = #tpu.core_type<tc>, window_params = [{transform_indices = @transform_0, window_bounds = array<i64: 2, 1024, 128>}, {transform_indices = @transform_1, window_bounds = array<i64: 2, 1024>}, {pipeline_mode = #tpu.pipeline_mode<synchronous>, transform_indices = @transform_2, window_bounds = array<i64: 1, 128>}, {transform_indices = @transform_3, window_bounds = array<i64: 1024, 128>}, {transform_indices = @transform_4, window_bounds = array<i64: 1024, 128>}, {pipeline_mode = #tpu.pipeline_mode<synchronous>, transform_indices = @transform_5, window_bounds = array<i64: 384, 64>}, {pipeline_mode = #tpu.pipeline_mode<synchronous>, transform_indices = @transform_6, window_bounds = array<i64: 1, 64>}, {transform_indices = @transform_7, window_bounds = array<i64: 1024, 64>}]} {
    %get3A = arith.constant 0 : index
    %get3A_0 = arith.constant 0 : index
    %get3A_1 = vector.load %arg2[%get3A, %get3A_0] : memref<2x1024xf32, #tpu.memory_space<vmem>>, vector<1x1024xf32>
    %get3A_2 = vector.shape_cast %get3A_1 : vector<1x1024xf32> to vector<1024xf32>
    %get3A_3 = arith.constant 1 : index
    %get3A_4 = arith.constant 0 : index
    %get3A_5 = vector.load %arg2[%get3A_3, %get3A_4] : memref<2x1024xf32, #tpu.memory_space<vmem>>, vector<1x1024xf32>
    %get3A_6 = vector.shape_cast %get3A_5 : vector<1x1024xf32> to vector<1024xf32>
    %add3A = arith.addf %get3A_2, %get3A_6 : vector<1024xf32>
    %gt3A = arith.constant 0.000000e+00 : f32
    %gt3A_7 = vector.broadcast %gt3A : f32 to vector<1024xf32>
    %gt3A_8 = arith.cmpf ogt, %add3A, %gt3A_7 : vector<1024xf32>
    %rsqrt3A = math.rsqrt %add3A : vector<1024xf32>
    %jit3A = arith.constant 0.000000e+00 : f32
    %broadcast_in_dim3A = vector.broadcast %jit3A : f32 to vector<1024xf32>
    %select_n3A = arith.select %gt3A_8, %rsqrt3A, %broadcast_in_dim3A : vector<1024xi1>, vector<1024xf32>
    %broadcast_in_dim3A_9 = vector.shape_cast %select_n3A : vector<1024xf32> to vector<1024x1xf32>
    %get3A_10 = arith.constant 0 : index
    %get3A_11 = arith.constant 0 : index
    %get3A_12 = arith.constant 0 : index
    %get3A_13 = vector.load %arg1[%get3A_10, %get3A_11, %get3A_12] : memref<2x1024x128xf32, #tpu.memory_space<vmem>>, vector<1x1024x128xf32>
    %get3A_14 = vector.shape_cast %get3A_13 : vector<1x1024x128xf32> to vector<1024x128xf32>
    %get3A_15 = arith.constant 1 : index
    %get3A_16 = arith.constant 0 : index
    %get3A_17 = arith.constant 0 : index
    %get3A_18 = vector.load %arg1[%get3A_15, %get3A_16, %get3A_17] : memref<2x1024x128xf32, #tpu.memory_space<vmem>>, vector<1x1024x128xf32>
    %get3A_19 = vector.shape_cast %get3A_18 : vector<1x1024x128xf32> to vector<1024x128xf32>
    %add3A_20 = arith.addf %get3A_14, %get3A_19 : vector<1024x128xf32>
    %mul3A = vector.broadcast %broadcast_in_dim3A_9 : vector<1024x1xf32> to vector<1024x128xf32>
    %mul3A_21 = arith.mulf %mul3A, %add3A_20 : vector<1024x128xf32>
    %get3A_22 = arith.constant 0 : index
    %get3A_23 = arith.constant 0 : index
    %get3A_24 = vector.load %arg3[%get3A_22, %get3A_23] : memref<1x128xf32, #tpu.memory_space<vmem>>, vector<1x128xf32>
    %add3A_25 = vector.broadcast %get3A_24 : vector<1x128xf32> to vector<1024x128xf32>
    %add3A_26 = arith.addf %mul3A_21, %add3A_25 : vector<1024x128xf32>
    %max3A = arith.constant 0.000000e+00 : f32
    %max3A_27 = vector.broadcast %max3A : f32 to vector<1024x128xf32>
    %max3A_28 = arith.maximumf %add3A_26, %max3A_27 : vector<1024x128xf32>
    %get3A_29 = arith.constant 0 : index
    %get3A_30 = arith.constant 0 : index
    %get3A_31 = vector.load %arg6[%get3A_29, %get3A_30] : memref<384x64xf32, #tpu.memory_space<vmem>>, vector<384x64xf32>
    %get3A_32 = arith.constant 0 : index
    %get3A_33 = arith.constant 0 : index
    %get3A_34 = vector.load %arg4[%get3A_32, %get3A_33] : memref<1024x128xf32, #tpu.memory_space<vmem>>, vector<1024x128xf32>
    %slice3A = vector.extract_strided_slice %get3A_31 {offsets = [0, 0], sizes = [128, 64], strides = [1, 1]} : vector<384x64xf32> to vector<128x64xf32>
    %dot_general3A = arith.constant dense<0.000000e+00> : vector<1024x64xf32>
    %dot_general3A_35 = tpu.matmul %get3A_34, %slice3A, %dot_general3A {dimension_numbers = #tpu.dot_dimension_numbers<[1], [0], [0], [1], [0, 0, 1, 1], [], []>, precision = #tpu.contract_precision<fp32>, transpose_lhs_hint = false} : vector<1024x128xf32>, vector<128x64xf32>, vector<1024x64xf32> -> vector<1024x64xf32>
    %get3A_36 = arith.constant 0 : index
    %get3A_37 = arith.constant 0 : index
    %get3A_38 = vector.load %arg5[%get3A_36, %get3A_37] : memref<1024x128xf32, #tpu.memory_space<vmem>>, vector<1024x128xf32>
    %slice3A_39 = vector.extract_strided_slice %get3A_31 {offsets = [128, 0], sizes = [128, 64], strides = [1, 1]} : vector<384x64xf32> to vector<128x64xf32>
    %dot_general3A_40 = arith.constant dense<0.000000e+00> : vector<1024x64xf32>
    %dot_general3A_41 = tpu.matmul %get3A_38, %slice3A_39, %dot_general3A_40 {dimension_numbers = #tpu.dot_dimension_numbers<[1], [0], [0], [1], [0, 0, 1, 1], [], []>, precision = #tpu.contract_precision<fp32>, transpose_lhs_hint = false} : vector<1024x128xf32>, vector<128x64xf32>, vector<1024x64xf32> -> vector<1024x64xf32>
    %add3A_42 = arith.addf %dot_general3A_35, %dot_general3A_41 : vector<1024x64xf32>
    %slice3A_43 = vector.extract_strided_slice %get3A_31 {offsets = [256, 0], sizes = [128, 64], strides = [1, 1]} : vector<384x64xf32> to vector<128x64xf32>
    %dot_general3A_44 = arith.constant dense<0.000000e+00> : vector<1024x64xf32>
    %dot_general3A_45 = tpu.matmul %max3A_28, %slice3A_43, %dot_general3A_44 {dimension_numbers = #tpu.dot_dimension_numbers<[1], [0], [0], [1], [0, 0, 1, 1], [], []>, precision = #tpu.contract_precision<fp32>, transpose_lhs_hint = false} : vector<1024x128xf32>, vector<128x64xf32>, vector<1024x64xf32> -> vector<1024x64xf32>
    %add3A_46 = arith.addf %add3A_42, %dot_general3A_45 : vector<1024x64xf32>
    %get3A_47 = arith.constant 0 : index
    %get3A_48 = arith.constant 0 : index
    %get3A_49 = vector.load %arg7[%get3A_47, %get3A_48] : memref<1x64xf32, #tpu.memory_space<vmem>>, vector<1x64xf32>
    %add3A_50 = vector.broadcast %get3A_49 : vector<1x64xf32> to vector<1024x64xf32>
    %add3A_51 = arith.addf %add3A_46, %add3A_50 : vector<1024x64xf32>
    %swap3A = arith.constant 0 : index
    %swap3A_52 = arith.constant 0 : index
    %swap3A_53 = vector.load %arg8[%swap3A, %swap3A_52] : memref<1024x64xf32, #tpu.memory_space<vmem>>, vector<1024x64xf32>
    tpu.vector_store %arg8[%swap3A, %swap3A_52], %add3A_51 {strides = array<i32>} : memref<1024x64xf32, #tpu.memory_space<vmem>>, vector<1024x64xf32>,
    return
  }
  func.func @transform_0(%arg0: i32) -> (i32, i32, i32) {
    %c0_i32 = arith.constant 0 : i32
    %c0_i32_0 = arith.constant 0 : i32
    %c0_i32_1 = arith.constant 0 : i32
    return %c0_i32, %arg0, %c0_i32_0 : i32, i32, i32
  }
  func.func @transform_1(%arg0: i32) -> (i32, i32) {
    %c0_i32 = arith.constant 0 : i32
    %c0_i32_0 = arith.constant 0 : i32
    return %c0_i32, %arg0 : i32, i32
  }
  func.func @transform_2(%arg0: i32) -> (i32, i32) {
    %c0_i32 = arith.constant 0 : i32
    %c0_i32_0 = arith.constant 0 : i32
    %c0_i32_1 = arith.constant 0 : i32
    return %c0_i32, %c0_i32_0 : i32, i32
  }
  func.func @transform_3(%arg0: i32) -> (i32, i32) {
    %c0_i32 = arith.constant 0 : i32
    %c0_i32_0 = arith.constant 0 : i32
    return %arg0, %c0_i32 : i32, i32
  }
  func.func @transform_4(%arg0: i32) -> (i32, i32) {
    %c0_i32 = arith.constant 0 : i32
    %c0_i32_0 = arith.constant 0 : i32
    return %arg0, %c0_i32 : i32, i32
  }
  func.func @transform_5(%arg0: i32) -> (i32, i32) {
    %c0_i32 = arith.constant 0 : i32
    %c0_i32_0 = arith.constant 0 : i32
    %c0_i32_1 = arith.constant 0 : i32
    return %c0_i32, %c0_i32_0 : i32, i32
  }
  func.func @transform_6(%arg0: i32) -> (i32, i32) {
    %c0_i32 = arith.constant 0 : i32
    %c0_i32_0 = arith.constant 0 : i32
    %c0_i32_1 = arith.constant 0 : i32
    return %c0_i32, %c0_i32_0 : i32, i32
  }
  func.func @transform_7(%arg0: i32) -> (i32, i32) {
    %c0_i32 = arith.constant 0 : i32
    %c0_i32_0 = arith.constant 0 : i32
    return %arg0, %c0_i32 : i32, i32
  }
}

</mosaic_0001>

<sc_bundles>
// kernel: kernel.11.cloned.1.call-start
scs
__scs_entry_jumppad:
0x0: {  	(pc) =	sbr.rel $0x88, $3  }
0x1: {  	(tag) =	ssettag $0x0;
	lr =	simm.s32 $0x1  }
0x2: {  	[smem:$0x3F97] =	sst lr;
	_ =	strace $0xD0000000  }
0x3: {  	_ = 	snop  }
0x4: {  	_ = 	snop  }
0x5: {  	_ = 	snop  }
0x6: {  	_ = 	snop  }
0x7: {  	_ = 	snop  }
__scs_overlays_trampoline_lowered:
0x8: {  	[smem:$0x3FA6] =	sst s0  }
0x9: {  	[smem:$0x3FA7] =	sst s1  }
0xa: {  	[smem:$0x3FA8] =	sst s2  }
0xb: {  	[smem:$0x3FA9] =	sst s3  }
0xc: {  	[smem:$0x3FAA] =	sst s4  }
0xd: {  	[smem:$0x3FAB] =	sst s5  }
0xe: {  	[smem:$0x3FAC] =	sst s6  }
0xf: {  	[smem:$0x3FAD] =	sst s7  }
0x10: {  	[smem:$0x3FAE] =	sst s8  }
0x11: {  	[smem:$0x3FAF] =	sst s9;
	s0 =	simm.s32 @!p0 $0x0  }
0x12: {  	s1 =	sld [smem:$0x3F95];
	s0 =	simm.s32 @p0 $0x1  }
0x13: {  	[smem:$0x3FB0] =	sst s0;
	s0 =	simm.s32 @!p1 $0x0  }
0x14: {  	s2 =	sld [smem:$0x3F94];
	s0 =	simm.s32 @p1 $0x1  }
0x15: {  	[smem:$0x3FB1] =	sst s0;
	s0 =	simm.s32 @!p2 $0x0  }
0x16: {  	s3 =	sld [smem:$0x3FDB];
	s0 =	simm.s32 @p2 $0x1  }
0x17: {  	s4 =	simm.s32 $0x1BF5;
	[smem:$0x3FB3] =	sst s0  }
0x18: {  	s0 =	sld [smem:$0x3F96];
	_ =	swait.ge [sflag:s4], $0x0  }
0x19: {  	s7 =	sld [smem:$0x3F97]  }
0x1a: {  	s8 =	sadd.s32 $0xFFFFE003, lr  }
0x1b: {  	s9 =	sadd.s32 $0xFFFFFEF7, lr;
	s5 =	simm.s32 $0xFFFFFFFF;
	p2 =	slt.u32 s8, $0xFFFFF086  }
0x1c: {  	p1 =	slt.u32 s9, $0xF7A;
	s5 =	simm.s32 @!p2 $0x0  }
0x1d: {  	s5 =	simm.s32 @p1 $0x1;
	p0 =	seq.s32 s7, s2  }
0x1e: {  	s7 =	smul.u32 @!p0 $0xF7A, s2;
	p2 =	seq.s32 @!p0 s5, $0x0  }
0x1f: {  	s9 =	smul.u32 $0xF7A, s1;
	s8 =	simm.s32 @!p0 $0x1BF5;
	p2 =	por !p2, p0  }
0x20: {  	[sflag:s8] =	ssyncset.s32 @!p0 $0xFFFFF086;
	s6 =	sadd.s32 @!p0 s3, s7;
	s7 =	simm.s32 @!p0 $0x108  }
0x21: {  	s3 =	sadd.s32 s3, s9;
	s6 =	sadd.s32 @!p0 $0x88, s6;
	s7 =	simm.s32 @p2 $0x1082  }
0x22: {  	[simem:s7], [sflag:s8] =	dma.local @!p0 [hbm:s6], $0xF7A  }
0x23: {  	s9 =	sor.u32 $0xD0000000, s2;
	s6 =	simm.s32 $0x108;
	_ =	swait.ge @!p0 [sflag:s8], $0x0  }
0x24: {  	s3 =	sadd.s32 $0x88, s3;
	s6 =	simm.s32 @!p1 $0x1082;
	[sflag:s4] =	ssyncset.s32 $0xFFFFF086  }
0x25: {  	[simem:s6], [sflag:s4] =	dma.local [hbm:s3], $0xF7A  }
0x26: {  	[smem:$0x3F97] =	sst s1;
	(tag) =	ssettag s2;
	_ =	strace s9  }
0x27: {  	s1 =	sld [smem:$0x3FA7]  }
0x28: {  	s2 =	sld [smem:$0x3FA8]  }
0x29: {  	s4 =	sld [smem:$0x3FAA]  }
0x2a: {  	p0 =	seq.s32 s5, $0x0;
	s5 =	sld [smem:$0x3FAB]  }
0x2b: {  	s6 =	sld [smem:$0x3FAC]  }
0x2c: {  	s7 =	sld [smem:$0x3FAD]  }
0x2d: {  	s3 =	simm.s32 $0x108;
	s8 =	sld [smem:$0x3FAE]  }
0x2e: {  	s3 =	simm.s32 @!p0 $0x1082;
	s9 =	sld [smem:$0x3FAF]  }
0x2f: {  	lr =	sadd.s32 s0, s3;
	s0 =	sld [smem:$0x3FA6]  }
0x30: {  	s3 =	sld [smem:$0x3FA9]  }
0x31: {  	[smem:$0x3FB2] =	sst s10  }
0x32: {  	s10 =	sld [smem:$0x3FB0];
	_ =	sdelay $0x3  }
0x33: {  	p0 =	seq.s32 s10, $0x1;
	s10 =	sld [smem:$0x3FB2];
	_ =	sdelay $0x3  }
0x34: {  	[smem:$0x3FB2] =	sst s10  }
0x35: {  	s10 =	sld [smem:$0x3FB1];
	_ =	sdelay $0x3  }
0x36: {  	p1 =	seq.s32 s10, $0x1;
	s10 =	sld [smem:$0x3FB2];
	_ =	sdelay $0x3  }
0x37: {  	[smem:$0x3FB2] =	sst s10  }
0x38: {  	s10 =	sld [smem:$0x3FB3]  }
0x39: {  	_ = 	snop;
	(pc) =	sbr.ind lr, $3  }
0x3a: {  	_ = 	snop  }
0x3b: {  	_ = 	snop  }
0x3c: {  	p2 =	seq.s32 s10, $0x1;
	s10 =	sld [smem:$0x3FB2]  }
0x3d: {  	_ =	shalt  }
0x3e: {  	_ =	shalt  }
0x3f: {  	_ =	shalt  }
0x40: {  	_ =	shalt  }
0x41: {  	_ =	shalt  }
0x42: {  	_ =	shalt  }
0x43: {  	_ =	shalt  }
0x44: {  	_ =	shalt  }
0x45: {  	_ =	shalt  }
0x46: {  	_ =	shalt  }
0x47: {  	_ =	shalt  }
0x48: {  	_ =	shalt  }
0x49: {  	_ =	shalt  }
0x4a: {  	_ =	shalt  }
0x4b: {  	_ =	shalt  }
0x4c: {  	_ =	shalt  }
0x4d: {  	_ =	shalt  }
0x4e: {  	_ =	shalt  }
0x4f: {  	_ =	shalt  }
0x50: {  	_ =	shalt  }
0x51: {  	_ =	shalt  }
0x52: {  	_ =	shalt  }
0x53: {  	_ =	shalt  }
0x54: {  	_ =	shalt  }
0x55: {  	_ =	shalt  }
0x56: {  	_ =	shalt  }
0x57: {  	_ =	shalt  }
0x58: {  	_ =	shalt  }
0x59: {  	_ =	shalt  }
0x5a: {  	_ =	shalt  }
0x5b: {  	_ =	shalt  }
0x5c: {  	_ =	shalt  }
0x5d: {  	_ =	shalt  }
0x5e: {  	_ =	shalt  }
0x5f: {  	_ =	shalt  }
0x60: {  	_ =	shalt  }
0x61: {  	_ =	shalt  }
0x62: {  	_ =	shalt  }
0x63: {  	_ =	shalt  }
0x64: {  	_ =	shalt  }
0x65: {  	_ =	shalt  }
0x66: {  	_ =	shalt  }
0x67: {  	_ =	shalt  }
0x68: {  	_ =	shalt  }
0x69: {  	_ =	shalt  }
0x6a: {  	_ =	shalt  }
0x6b: {  	_ =	shalt  }
0x6c: {  	_ =	shalt  }
0x6d: {  	_ =	shalt  }
0x6e: {  	_ =	shalt  }
0x6f: {  	_ =	shalt  }
0x70: {  	_ =	shalt  }
0x71: {  	_ =	shalt  }
0x72: {  	_ =	shalt  }
0x73: {  	_ =	shalt  }
0x74: {  	_ =	shalt  }
0x75: {  	_ =	shalt  }
0x76: {  	_ =	shalt  }
0x77: {  	_ =	shalt  }
0x78: {  	_ =	shalt  }
0x79: {  	_ =	shalt  }
0x7a: {  	_ =	shalt  }
0x7b: {  	_ =	shalt  }
0x7c: {  	_ =	shalt  }
0x7d: {  	_ =	shalt  }
0x7e: {  	_ =	shalt  }
0x7f: {  	_ =	shalt  }
0x80: {  	_ =	shalt  }
0x81: {  	_ =	shalt  }
0x82: {  	_ =	shalt  }
0x83: {  	_ =	shalt  }
0x84: {  	_ =	shalt  }
0x85: {  	_ =	shalt  }
0x86: {  	_ =	shalt  }
0x87: {  	_ =	shalt  }
.Lfunc_end0:
.L_simem_size_0:
called_computation.1_lowered:
.L_overlay_start_0:
0x88: {  	s2 =	sld [smem:$0x3FD9]  }
0x89: {  	s3 =	sld [smem:$0x3FFE];
	_ =	sdelay $0x1  }
0x8a: {  	s1 =	srdreg.scid  }
0x8b: {  	s0 =	sand.u32 $0x1, s1  }
0x8c: {  	s17 =	sshll.u32 s0, $0xA;
	s2 =	sadd.s32 s3, s2  }
0x8d: {  	s2 =	sadd.s32 s2, s17  }
0x8e: {  	[smem:$0x3FBE] =	sst s2  }
0x8f: {  	_ = 	snop  }
0x90: {  	s2 =	sld [smem:$0x3FD0];
	(tm) =	ssettm $0x1  }
0x91: {  	s18 =	sld [smem:$0x3FFB];
	_ =	sdelay $0x3  }
0x92: {  	_ =	strace s18  }
0x93: {  	s3 =	sld [smem:$0x3FFC];
	_ =	sdelay $0x3  }
0x94: {  	_ =	strace s3  }
0x95: {  	s3 =	sld [smem:$0x3FFD];
	_ =	sdelay $0x3  }
0x96: {  	_ =	strace s3  }
0x97: {  	_ =	strace $0x8FFFFFFF  }
0x98: {  	s19 =	sld [smem:$0x3FDB];
	_ =	sdelay $0x1  }
0x99: {  	s4 =	simm.s32 $_scs_section_size  }
0x9a: {  	s5 =	simm.s32 $_size__tile_overlayer_lowered;
	s6 =	simm.s32 $_tile_overlayer_lowered  }
0x9b: {  	s22 =	simm.s32 $0x1BFF;
	s21 =	sshll.u32 s6, $0x1;
	s3 =	sadd.s32 s4, s19  }
0x9c: {  	s7 =	simm.s32 $0x0;
	s20 =	sshll.u32 s5, $0x1;
	s5 =	sadd.s32 s21, s3  }
0x9d: {  	[timem:s7], [sflag:s22] =	dma.local [hbm:s5], s20  }
0x9e: {  	_ =	swait.ge [sflag:s22], s20  }
0x9f: {  	s4 =	ssub.s32 $0x0, s20;
	[sflag:s22] =	ssyncset.done $0x0  }
0xa0: {  	[sflag:s22] =	ssyncadd.s32 s4;
	_ =	sdelay $0x1  }
0xa1: {  	s23 =	simm.s32 $0x1B8B  }
0xa2: {  	_ =	swait.ge [sflag:s23], $0x1  }
0xa3: {  	[sflag:s23] =	ssyncset.done $0x0  }
0xa4: {  	s25 =	simm.s32 $0x1B8E;
	s24 =	sld [smem:$0x3FFE];
	[sflag:s23] =	ssyncadd.s32 $0xFFFFFFFF  }
0xa5: {  	s26 =	simm.s32 $execute0_lowered;
	[smem:$0x3FD2] =	sst s25  }
0xa6: {  	s5 =	sshll.u32 s26, $0x1;
	_ =	strace $0x80000049;
	[dreg:$0x1] =	wrdreg $0xFFFFFFFF  }
0xa7: {  	s28 =	simm.s32 $_size_execute0_lowered;
	s3 =	sadd.s32 s3, s5;
	[dreg:$0x0] =	wrdreg $0x0  }
0xa8: {  	s5 =	sshll.u32 s28, $0x1;
	[dreg:$0x2] =	wrdreg s3  }
0xa9: {  	[dreg:$0x3] =	wrdreg s5  }
0xaa: {  	[dreg:$0x4] =	wrdreg $0xC0  }
0xab: {  	_ =	task [dreg:s7], $0x5FFFF  }
0xac: {  	[dreg:$0x1] =	wrdreg $0xFFFFFFFF  }
0xad: {  	[dreg:$0x0] =	wrdreg $0x60  }
0xae: {  	[dreg:$0x2] =	wrdreg s24  }
0xaf: {  	[dreg:$0x3] =	wrdreg s2  }
0xb0: {  	[dreg:$0x4] =	wrdreg $0x90000  }
0xb1: {  	[dreg:$0x5] =	wrdreg $0x9  }
0xb2: {  	_ =	task.clear_ibuf [dreg:s7], $0x6FFFF;
	_ =	strace $0x90000049  }
0xb3: {  	s29 =	simm.s32 $0x9;
	_ =	strace $0x8000004B  }
0xb4: {  	_ =	swait.ge [sflag:s29], $0x1  }
0xb5: {  	[sflag:s29] =	ssyncadd.s32 $0xFFFFFFFF  }
0xb6: {  	_ =	strace $0x9000004B  }
0xb7: {  	_ =	sfence  }
0xb8: {  	s30 =	sld [smem:$0x0];
	_ =	sdelay $0x2  }
0xb9: {  	s31 =	sshll.u32 s1, $0xD;
	s1 =	sshrl.u32 s1, $0x2  }
0xba: {  	s3 =	sand.u32 $0x4000, s31;
	s1 =	sadd.s32 s1, s30  }
0xbb: {  	s0 =	sor.u32 s3, s0;
	s1 =	sshll.u32 s1, $0x11  }
0xbc: {  	s0 =	sor.u32 s1, s0  }
0xbd: {  	s0 =	sadd.s32 $0x8F2B, s0  }
0xbe: {  	[sflag:s0] =	ssyncadd.remote.s32 $0x1  }
0xbf: {  	_ =	sfence.sel $0xFFFF  }
0xc0: {  	[dreg:$0x0] =	wrdreg $0xFFFFFFFF;
	(pc) =	sbr.abs _section_cstart, $3  }
0xc1: {  	[dreg:$0x1] =	wrdreg $0xFFFFFFFF  }
0xc2: {  	_ =	task.clear_ibuf [dreg:s7], $0x2FFFF;
	_ =	strace $0x9FFFFFFF  }
0xc3: {  	(tm) =	ssettm $0x7FFFFFFF  }
tec
execute0_lowered:
.L_overlay_start_1:
0x0: {  	(tag) =	ssettag $0x1  }
0x1: {  	s7 =	rddreg [dreg:$0x0]  }
0x2: {  	s1 =	rddreg [dreg:$0x1]  }
0x3: {  	s2 =	rddreg [dreg:$0x2]  }
0x4: {  	s0 =	rddreg [dreg:$0x3]  }
0x5: {  	s4 =	simm.s32 $0x0;
	s5 =	srdreg.scid;
	s3 =	stileid.u32  }
0x6: {  	s17 =	simm.s32 $0x80;
	s18 =	simm.s32 $0x1000;
	s19 =	simm.s32 $0x1  }
0x7: {  	s20 =	simm.s32 $0x5000;
	s21 =	simm.s32 $0x3;
	s22 =	simm.s32 $0x2  }
0x8: {  	s23 =	simm.s32 $0x4;
	s24 =	simm.s32 $0x0;
	[smem:$0x7FF] =	sst s4  }
0x9: {  	s8 =	sand.u32 $0x1, s5;
	s9 =	smul.u32 $0x2800, s3;
	s5 =	sadd.s32 $0xD800, s7  }
0xa: {  	s14 =	smul.u32 $0x50000, s3;
	s31 =	sshll.u32 s3, $0x6;
	_ =	strace $0x8000004A  }
0xb: {  	s6 =	sshll.u32 s8, $0x4;
	s10 =	smul.u32 $0x28000, s8;
	s8 =	ssub.s32 $0x2, s8  }
0xc: {  	s11 =	sor.u32 s3, s6;
	s6 =	sadd.s32 $0x3800, s7;
	s13 =	sshrl.u32 s8, $0x1  }
0xd: {  	s30 =	sshrl.u32 s14, $0x2;
	s14 =	simm.s32 $0x800;
	s12 =	smul.u32 $0x500, s11  }
.Ltmp0:
0xe: {  	s10 =	sadd.s32 s9, s10;
	s9 =	sadd.s32 s9, s7;
	(pc) =	sbr.rel .LBB2_1-.Ltmp0, $4  }
0xf: {  	s13 =	ssub.s32 s8, s13;
	s16 =	sadd.s32 s30, s2;
	s15 =	sadd.s32 s10, s7  }
0x10: {  	s9 =	sadd.s32 $0x34A00, s9;
	s10 =	smul.u32 $0xA, s11;
	s16 =	sshrl.u32 s16, $0x3  }
0x11: {  	s7 =	sadd.s32 s6, s12;
	s8 =	sadd.s32 s1, s12;
	s11 =	sadd.s32 $0x5CA00, s15  }
0x12: {  	s12 =	smax.u32 s13, $0x1;
	s13 =	simm.s32 $0x7;
	s15 =	sor.u32 $0x1C07, s31  }
.LBB2_6:
0x13: {  	_ =	swait.ge [sflag:s23], $0x4000  }
0x14: {  	s24 =	sadd.s32 $0x1, s24;
	[sflag:s23] =	ssyncset.done $0x0  }
0x15: {  	p0 =	sne.s32 s24, s12;
	[sflag:s23] =	ssyncadd.s32 $0xFFFFC000  }
.Ltmp1:
0x16: {  	[bflag:$0x0] =	sbarrier.arrive $0xFFFF;
	(pc) =	sbr.rel @!p0 .LBB2_7-.Ltmp1, $4  }
0x17: {  	[hbm:s11], [sflag:s15] =	dma.local [spmem:s16], $0x2800  }
0x18: {  	_ =	swait.ge [sflag:s13], $0x2800  }
0x19: {  	[sflag:s13] =	ssyncset.done $0x0  }
0x1a: {  	[sflag:s13] =	ssyncadd.s32 $0xFFFFD800  }
.LBB2_1:
0x1b: {  	[tilespmem:s4], [sflag:$0x7] =	stream.linear.gather [hbm4b:s7+s4], $0x400, $0x38;
	[tilespmem:$0x1D000] =	vst v63  }
0x1c: {  	_ =	swait.ge [sflag:s13], $0x400  }
0x1d: {  	[sflag:s13] =	ssyncset.done $0x0  }
0x1e: {  	[sflag:s13] =	ssyncadd.s32 $0xFFFFFC00  }
0x1f: {  	[tilespmem:s14], [sflag:$0x7] =	stream.linear.gather [hbm4b:s8+s4], $0x400, $0x38;
	[tilespmem:$0x1D000] =	vst v63  }
0x20: {  	_ =	swait.ge [sflag:s13], $0x400  }
0x21: {  	[sflag:s13] =	ssyncset.done $0x0  }
0x22: {  	[sflag:s13] =	ssyncadd.s32 $0xFFFFFC00  }
0x23: {  	[spmem:s16], [sflag:s15] =	dma.local [hbm:s9], $0x2800  }
.Ltmp2:
0x24: {  	_ =	swait.ge [sflag:s13], $0x2800;
	(pc) =	sbr.rel .LBB2_2-.Ltmp2, $4  }
0x25: {  	[sflag:s13] =	ssyncset.done $0x0  }
0x26: {  	[sflag:s13] =	ssyncadd.s32 $0xFFFFD800  }
0x27: {  	s25 =	simm.s32 $0x0;
	[bflag:$0x0] =	sbarrier.arrive $0xFFFF  }
0x28: {  	[tilespmem:s18], [sflag:$0x1] =	stream.indirect.gather [hbm4b:s5+s17], $0x80, s4, s17, $0xb8;
	[tilespmem:$0x1D000] =	vst v63  }
.LBB2_4:
0x29: {  	s25 =	sadd.s32 @!p0 $0x1, s25  }
0x2a: {  	s25 =	simm.s32 @p0 $0x1  }
0x2b: {  	s29 =	sadd.s32 s10, s25  }
0x2c: {  	s29 =	sshll.u32 s29, $0x7  }
0x2d: {  	s29 =	sand.u32 $0x1FFFFF80, s29  }
0x2e: {  	s30 =	sshll.u32 s26, $0xA;
	s31 =	sadd.s32 s6, s29  }
0x2f: {  	[tilespmem:s30], [sflag:$0x5] =	stream.linear.gather [hbm4b:s31+s4], $0x400, $0x38;
	[tilespmem:$0x1D000] =	vst v63  }
0x30: {  	p0 =	por $0x0, $0x0;
	s29 =	sadd.s32 s1, s29;
	s30 =	sor.u32 $0x800, s30  }
0x31: {  	[tilespmem:s30], [sflag:$0x6] =	stream.linear.gather [hbm4b:s29+s4], $0x400, $0x38;
	[tilespmem:$0x1D000] =	vst v63  }
.LBB2_5:
0x32: {  	s28 =	sshll.u32 s28, $0xA  }
0x33: {  	s29 =	sor.u32 $0x80, s28  }
0x34: {  	[tilespmem:s20], [sflag:$0x2] =	stream.indirect.gather [hbm4b:s5+s17], $0x80, s29, s17, $0xb8;
	[tilespmem:$0x1D000] =	vst v63  }
0x35: {  	_ =	swait.ge [sflag:s19], $0x4000  }
0x36: {  	[sflag:s19] =	ssyncset.done $0x0  }
0x37: {  	s30 =	sor.u32 $0x800, s28;
	[sflag:s19] =	ssyncadd.s32 $0xFFFFC000  }
0x38: {  	[spmem:s2] =	stream.indirect.scatter.add.f32 [tilespmem:s18], [sflag:$0x3], $0x80, s30, s17, $0xb8;
	[tilespmem:$0x1D000] =	vst v63  }
0x39: {  	_ =	swait.ge [sflag:s21], $0x4000  }
0x3a: {  	[sflag:s21] =	ssyncset.done $0x0  }
0x3b: {  	s31 =	sor.u32 $0x100, s28;
	[sflag:s21] =	ssyncadd.s32 $0xFFFFC000  }
0x3c: {  	[tilespmem:s18], [sflag:$0x1] =	stream.indirect.gather [hbm4b:s5+s17], $0x80, s31, s17, $0xb8;
	[tilespmem:$0x1D000] =	vst v63  }
0x3d: {  	_ =	swait.ge [sflag:s22], $0x4000  }
0x3e: {  	[sflag:s22] =	ssyncset.done $0x0  }
0x3f: {  	s30 =	sor.u32 $0x880, s28;
	[sflag:s22] =	ssyncadd.s32 $0xFFFFC000  }
0x40: {  	[spmem:s2] =	stream.indirect.scatter.add.f32 [tilespmem:s20], [sflag:$0x4], $0x80, s30, s17, $0xb8;
	[tilespmem:$0x1D000] =	vst v63  }
0x41: {  	_ =	swait.ge [sflag:s23], $0x4000  }
0x42: {  	[sflag:s23] =	ssyncset.done $0x0  }
0x43: {  	s31 =	sor.u32 $0x180, s28;
	[sflag:s23] =	ssyncadd.s32 $0xFFFFC000  }
0x44: {  	[tilespmem:s20], [sflag:$0x2] =	stream.indirect.gather [hbm4b:s5+s17], $0x80, s31, s17, $0xb8;
	[tilespmem:$0x1D000] =	vst v63  }
0x45: {  	_ =	swait.ge [sflag:s19], $0x4000  }
0x46: {  	[sflag:s19] =	ssyncset.done $0x0  }
0x47: {  	s30 =	sor.u32 $0x900, s28;
	[sflag:s19] =	ssyncadd.s32 $0xFFFFC000  }
0x48: {  	[spmem:s2] =	stream.indirect.scatter.add.f32 [tilespmem:s18], [sflag:$0x3], $0x80, s30, s17, $0xb8;
	[tilespmem:$0x1D000] =	vst v63  }
0x49: {  	_ =	swait.ge [sflag:s21], $0x4000  }
0x4a: {  	[sflag:s21] =	ssyncset.done $0x0  }
0x4b: {  	s31 =	sor.u32 $0x200, s28;
	[sflag:s21] =	ssyncadd.s32 $0xFFFFC000  }
0x4c: {  	[tilespmem:s18], [sflag:$0x1] =	stream.indirect.gather [hbm4b:s5+s17], $0x80, s31, s17, $0xb8;
	[tilespmem:$0x1D000] =	vst v63  }
0x4d: {  	_ =	swait.ge [sflag:s22], $0x4000  }
0x4e: {  	[sflag:s22] =	ssyncset.done $0x0  }
0x4f: {  	s30 =	sor.u32 $0x980, s28;
	[sflag:s22] =	ssyncadd.s32 $0xFFFFC000  }
0x50: {  	[spmem:s2] =	stream.indirect.scatter.add.f32 [tilespmem:s20], [sflag:$0x4], $0x80, s30, s17, $0xb8;
	[tilespmem:$0x1D000] =	vst v63  }
0x51: {  	_ =	swait.ge [sflag:s23], $0x4000  }
0x52: {  	[sflag:s23] =	ssyncset.done $0x0  }
0x53: {  	s31 =	sor.u32 $0x280, s28;
	[sflag:s23] =	ssyncadd.s32 $0xFFFFC000  }
0x54: {  	[tilespmem:s20], [sflag:$0x2] =	stream.indirect.gather [hbm4b:s5+s17], $0x80, s31, s17, $0xb8;
	[tilespmem:$0x1D000] =	vst v63  }
0x55: {  	_ =	swait.ge [sflag:s19], $0x4000  }
0x56: {  	[sflag:s19] =	ssyncset.done $0x0  }
0x57: {  	s30 =	sor.u32 $0xA00, s28;
	[sflag:s19] =	ssyncadd.s32 $0xFFFFC000  }
0x58: {  	[spmem:s2] =	stream.indirect.scatter.add.f32 [tilespmem:s18], [sflag:$0x3], $0x80, s30, s17, $0xb8;
	[tilespmem:$0x1D000] =	vst v63  }
0x59: {  	_ =	swait.ge [sflag:s21], $0x4000  }
0x5a: {  	[sflag:s21] =	ssyncset.done $0x0  }
0x5b: {  	s31 =	sor.u32 $0x300, s28;
	[sflag:s21] =	ssyncadd.s32 $0xFFFFC000  }
0x5c: {  	[tilespmem:s18], [sflag:$0x1] =	stream.indirect.gather [hbm4b:s5+s17], $0x80, s31, s17, $0xb8;
	[tilespmem:$0x1D000] =	vst v63  }
0x5d: {  	_ =	swait.ge [sflag:s22], $0x4000  }
0x5e: {  	[sflag:s22] =	ssyncset.done $0x0  }
0x5f: {  	s30 =	sor.u32 $0xA80, s28;
	[sflag:s22] =	ssyncadd.s32 $0xFFFFC000  }
0x60: {  	[spmem:s2] =	stream.indirect.scatter.add.f32 [tilespmem:s20], [sflag:$0x4], $0x80, s30, s17, $0xb8;
	[tilespmem:$0x1D000] =	vst v63  }
0x61: {  	_ =	swait.ge [sflag:s23], $0x4000  }
0x62: {  	[sflag:s23] =	ssyncset.done $0x0  }
0x63: {  	s31 =	sor.u32 $0x380, s28;
	[sflag:s23] =	ssyncadd.s32 $0xFFFFC000  }
0x64: {  	[tilespmem:s20], [sflag:$0x2] =	stream.indirect.gather [hbm4b:s5+s17], $0x80, s31, s17, $0xb8;
	[tilespmem:$0x1D000] =	vst v63  }
0x65: {  	_ =	swait.ge [sflag:s19], $0x4000  }
0x66: {  	[sflag:s19] =	ssyncset.done $0x0  }
0x67: {  	s28 =	sor.u32 $0xB00, s28;
	[sflag:s19] =	ssyncadd.s32 $0xFFFFC000  }
0x68: {  	[spmem:s2] =	stream.indirect.scatter.add.f32 [tilespmem:s18], [sflag:$0x3], $0x80, s28, s17, $0xb8;
	[tilespmem:$0x1D000] =	vst v63  }
0x69: {  	s28 =	simm.s32 @p0 $0x3  }
0x6a: {  	_ =	swait.ge @p0 [sflag:s28], $0x4000  }
0x6b: {  	[sflag:s28] =	ssyncset.done @p0 $0x0  }
0x6c: {  	[sflag:s28] =	ssyncadd.s32 @p0 $0xFFFFC000;
	s28 =	simm.s32 @!p0 $0x5  }
0x6d: {  	_ =	swait.ge @!p0 [sflag:s28], $0x400  }
0x6e: {  	[sflag:s28] =	ssyncset.done @!p0 $0x0  }
0x6f: {  	[sflag:s28] =	ssyncadd.s32 @!p0 $0xFFFFFC00;
	s28 =	simm.s32 @!p0 $0x6  }
0x70: {  	_ =	swait.ge @!p0 [sflag:s28], $0x400  }
0x71: {  	[sflag:s28] =	ssyncset.done @!p0 $0x0  }
0x72: {  	[sflag:s28] =	ssyncadd.s32 @!p0 $0xFFFFFC00;
	s28 =	simm.s32 @!p0 $0x3  }
0x73: {  	_ =	swait.ge @!p0 [sflag:s28], $0x4000  }
0x74: {  	s26 =	sshll.u32 @!p0 s26, $0xA;
	[sflag:s28] =	ssyncset.done @!p0 $0x0  }
0x75: {  	s30 =	simm.s32 @!p0 $0x1000;
	[sflag:s28] =	ssyncadd.s32 @!p0 $0xFFFFC000;
	s28 =	simm.s32 @!p0 $0x80  }
0x76: {  	[tilespmem:s30], [sflag:$0x1] =	stream.indirect.gather @!p0 [hbm4b:s5+s28], $0x80, s26, s28, $0xb8;
	[tilespmem:$0x1D000] =	vst v63  }
0x77: {  	p0 =	slt.u32 s25, $0xA  }
.Ltmp3:
0x78: {  	_ = 	snop;
	(pc) =	sbr.rel @!p0 .LBB2_6-.Ltmp3, $4  }
0x79: {  	_ =	swait.ge [sflag:s22], $0x4000  }
0x7a: {  	[sflag:s22] =	ssyncset.done $0x0  }
0x7b: {  	s31 =	sor.u32 $0x800, s31;
	[sflag:s22] =	ssyncadd.s32 $0xFFFFC000  }
0x7c: {  	[spmem:s2] =	stream.indirect.scatter.add.f32 [tilespmem:s20], [sflag:$0x4], $0x80, s31, s17, $0xb8;
	[tilespmem:$0x1D000] =	vst v63  }
.LBB2_2:
0x7d: {  	p0 =	seq.s32 s25, $0x0  }
0x7e: {  	p1 =	seq.s32 @!p0 s25, $0x9  }
0x7f: {  	p1 =	por p0, !p1  }
.Ltmp4:
0x80: {  	_ = 	snop;
	(pc) =	sbr.rel @p1 .LBB2_4-.Ltmp4, $4  }
0x81: {  	s29 =	simm.s32 @!p0 $0x4  }
0x82: {  	_ =	swait.ge @!p0 [sflag:s29], $0x4000  }
0x83: {  	s28 =	sand.u32 $0x1, s25;
	[sflag:s29] =	ssyncset.done @!p0 $0x0  }
0x84: {  	s26 =	sxor.u32 $0x1, s28;
	[sflag:s29] =	ssyncadd.s32 @!p0 $0xFFFFC000  }
.Ltmp5:
0x85: {  	(pc) =	sbr.rel .LBB2_5-.Ltmp5, $2  }
0x86: {  	_ =	sdelay $0x2  }
0x87: {  	s25 =	simm.s32 @!p0 $0xA;
	p0 =	por @!p0 $0x1, $0x1  }
.LBB2_7:
0x88: {  	_ =	sfence.sel $0x180000  }
0x89: {  	[bflag:$0x0] =	sbarrier.arrive $0xFFFF  }
0x8a: {  	p0 =	sne.s32 s3, $0x0;
	_ =	strace $0x9000004A  }
0x8b: {  	s0 =	sadd.s32 @!p0 $0x100000, s0;
	[bflag:$0x2] =	sbarrier.arrive $0xFFFF  }
0x8c: {  	[sflag:s0] =	ssyncadd.tile.s32 @!p0 $0x1;
	_ =	shalt  }
.Lfunc_end2:
_tile_overlayer_lowered:
.L_overlay_start_2:
0x8d: {  	(tag) =	ssettag $0x2  }
0x8e: {  	s0 =	rddreg [dreg:$0x0];
	s2 =	stileid.u32  }
0x8f: {  	s1 =	rddreg [dreg:$0x1];
	p0 =	sne.s32 s2, $0x0  }
0x90: {  	s3 =	rddreg [dreg:$0x2];
	[bflag:$0x3] =	sbarrier.arrive $0xFFFF;
	s2 =	simm.s32 @!p0 $0x1C07  }
0x91: {  	[timem:s3], [sflag:s2] =	dma.local @!p0 [hbm:s0], s1  }
0x92: {  	s0 =	simm.s32 @!p0 $0x7  }
0x93: {  	_ =	swait.ge @!p0 [sflag:s0], s1  }
0x94: {  	s1 =	ssub.s32 @!p0 $0x0, s1;
	[sflag:s0] =	ssyncset.done @!p0 $0x0  }
0x95: {  	[sflag:s0] =	ssyncadd.s32 @!p0 s1  }
0x96: {  	[bflag:$0x3] =	sbarrier.arrive $0xFFFF  }
0x97: {  	_ =	shalt  }

// kernel: kernel.14.cloned.1.call-start
scs
__scs_entry_jumppad:
0x0: {  	(pc) =	sbr.rel $0x88, $3  }
0x1: {  	(tag) =	ssettag $0x0;
	lr =	simm.s32 $0x1  }
0x2: {  	[smem:$0x3F97] =	sst lr;
	_ =	strace $0xD0000000  }
0x3: {  	_ = 	snop  }
0x4: {  	_ = 	snop  }
0x5: {  	_ = 	snop  }
0x6: {  	_ = 	snop  }
0x7: {  	_ = 	snop  }
__scs_overlays_trampoline_lowered:
0x8: {  	[smem:$0x3FA6] =	sst s0  }
0x9: {  	[smem:$0x3FA7] =	sst s1  }
0xa: {  	[smem:$0x3FA8] =	sst s2  }
0xb: {  	[smem:$0x3FA9] =	sst s3  }
0xc: {  	[smem:$0x3FAA] =	sst s4  }
0xd: {  	[smem:$0x3FAB] =	sst s5  }
0xe: {  	[smem:$0x3FAC] =	sst s6  }
0xf: {  	[smem:$0x3FAD] =	sst s7  }
0x10: {  	[smem:$0x3FAE] =	sst s8  }
0x11: {  	[smem:$0x3FAF] =	sst s9;
	s0 =	simm.s32 @!p0 $0x0  }
0x12: {  	s1 =	sld [smem:$0x3F95];
	s0 =	simm.s32 @p0 $0x1  }
0x13: {  	[smem:$0x3FB0] =	sst s0;
	s0 =	simm.s32 @!p1 $0x0  }
0x14: {  	s2 =	sld [smem:$0x3F94];
	s0 =	simm.s32 @p1 $0x1  }
0x15: {  	[smem:$0x3FB1] =	sst s0;
	s0 =	simm.s32 @!p2 $0x0  }
0x16: {  	s3 =	sld [smem:$0x3FDB];
	s0 =	simm.s32 @p2 $0x1  }
0x17: {  	s4 =	simm.s32 $0x1BF5;
	[smem:$0x3FB3] =	sst s0  }
0x18: {  	s0 =	sld [smem:$0x3F96];
	_ =	swait.ge [sflag:s4], $0x0  }
0x19: {  	s7 =	sld [smem:$0x3F97]  }
0x1a: {  	s8 =	sadd.s32 $0xFFFFE003, lr  }
0x1b: {  	s9 =	sadd.s32 $0xFFFFFEF7, lr;
	s5 =	simm.s32 $0xFFFFFFFF;
	p2 =	slt.u32 s8, $0xFFFFF086  }
0x1c: {  	p1 =	slt.u32 s9, $0xF7A;
	s5 =	simm.s32 @!p2 $0x0  }
0x1d: {  	s5 =	simm.s32 @p1 $0x1;
	p0 =	seq.s32 s7, s2  }
0x1e: {  	s7 =	smul.u32 @!p0 $0xF7A, s2;
	p2 =	seq.s32 @!p0 s5, $0x0  }
0x1f: {  	s9 =	smul.u32 $0xF7A, s1;
	s8 =	simm.s32 @!p0 $0x1BF5;
	p2 =	por !p2, p0  }
0x20: {  	[sflag:s8] =	ssyncset.s32 @!p0 $0xFFFFF086;
	s6 =	sadd.s32 @!p0 s3, s7;
	s7 =	simm.s32 @!p0 $0x108  }
0x21: {  	s3 =	sadd.s32 s3, s9;
	s6 =	sadd.s32 @!p0 $0x88, s6;
	s7 =	simm.s32 @p2 $0x1082  }
0x22: {  	[simem:s7], [sflag:s8] =	dma.local @!p0 [hbm:s6], $0xF7A  }
0x23: {  	s9 =	sor.u32 $0xD0000000, s2;
	s6 =	simm.s32 $0x108;
	_ =	swait.ge @!p0 [sflag:s8], $0x0  }
0x24: {  	s3 =	sadd.s32 $0x88, s3;
	s6 =	simm.s32 @!p1 $0x1082;
	[sflag:s4] =	ssyncset.s32 $0xFFFFF086  }
0x25: {  	[simem:s6], [sflag:s4] =	dma.local [hbm:s3], $0xF7A  }
0x26: {  	[smem:$0x3F97] =	sst s1;
	(tag) =	ssettag s2;
	_ =	strace s9  }
0x27: {  	s1 =	sld [smem:$0x3FA7]  }
0x28: {  	s2 =	sld [smem:$0x3FA8]  }
0x29: {  	s4 =	sld [smem:$0x3FAA]  }
0x2a: {  	p0 =	seq.s32 s5, $0x0;
	s5 =	sld [smem:$0x3FAB]  }
0x2b: {  	s6 =	sld [smem:$0x3FAC]  }
0x2c: {  	s7 =	sld [smem:$0x3FAD]  }
0x2d: {  	s3 =	simm.s32 $0x108;
	s8 =	sld [smem:$0x3FAE]  }
0x2e: {  	s3 =	simm.s32 @!p0 $0x1082;
	s9 =	sld [smem:$0x3FAF]  }
0x2f: {  	lr =	sadd.s32 s0, s3;
	s0 =	sld [smem:$0x3FA6]  }
0x30: {  	s3 =	sld [smem:$0x3FA9]  }
0x31: {  	[smem:$0x3FB2] =	sst s10  }
0x32: {  	s10 =	sld [smem:$0x3FB0];
	_ =	sdelay $0x3  }
0x33: {  	p0 =	seq.s32 s10, $0x1;
	s10 =	sld [smem:$0x3FB2];
	_ =	sdelay $0x3  }
0x34: {  	[smem:$0x3FB2] =	sst s10  }
0x35: {  	s10 =	sld [smem:$0x3FB1];
	_ =	sdelay $0x3  }
0x36: {  	p1 =	seq.s32 s10, $0x1;
	s10 =	sld [smem:$0x3FB2];
	_ =	sdelay $0x3  }
0x37: {  	[smem:$0x3FB2] =	sst s10  }
0x38: {  	s10 =	sld [smem:$0x3FB3]  }
0x39: {  	_ = 	snop;
	(pc) =	sbr.ind lr, $3  }
0x3a: {  	_ = 	snop  }
0x3b: {  	_ = 	snop  }
0x3c: {  	p2 =	seq.s32 s10, $0x1;
	s10 =	sld [smem:$0x3FB2]  }
0x3d: {  	_ =	shalt  }
0x3e: {  	_ =	shalt  }
0x3f: {  	_ =	shalt  }
0x40: {  	_ =	shalt  }
0x41: {  	_ =	shalt  }
0x42: {  	_ =	shalt  }
0x43: {  	_ =	shalt  }
0x44: {  	_ =	shalt  }
0x45: {  	_ =	shalt  }
0x46: {  	_ =	shalt  }
0x47: {  	_ =	shalt  }
0x48: {  	_ =	shalt  }
0x49: {  	_ =	shalt  }
0x4a: {  	_ =	shalt  }
0x4b: {  	_ =	shalt  }
0x4c: {  	_ =	shalt  }
0x4d: {  	_ =	shalt  }
0x4e: {  	_ =	shalt  }
0x4f: {  	_ =	shalt  }
0x50: {  	_ =	shalt  }
0x51: {  	_ =	shalt  }
0x52: {  	_ =	shalt  }
0x53: {  	_ =	shalt  }
0x54: {  	_ =	shalt  }
0x55: {  	_ =	shalt  }
0x56: {  	_ =	shalt  }
0x57: {  	_ =	shalt  }
0x58: {  	_ =	shalt  }
0x59: {  	_ =	shalt  }
0x5a: {  	_ =	shalt  }
0x5b: {  	_ =	shalt  }
0x5c: {  	_ =	shalt  }
0x5d: {  	_ =	shalt  }
0x5e: {  	_ =	shalt  }
0x5f: {  	_ =	shalt  }
0x60: {  	_ =	shalt  }
0x61: {  	_ =	shalt  }
0x62: {  	_ =	shalt  }
0x63: {  	_ =	shalt  }
0x64: {  	_ =	shalt  }
0x65: {  	_ =	shalt  }
0x66: {  	_ =	shalt  }
0x67: {  	_ =	shalt  }
0x68: {  	_ =	shalt  }
0x69: {  	_ =	shalt  }
0x6a: {  	_ =	shalt  }
0x6b: {  	_ =	shalt  }
0x6c: {  	_ =	shalt  }
0x6d: {  	_ =	shalt  }
0x6e: {  	_ =	shalt  }
0x6f: {  	_ =	shalt  }
0x70: {  	_ =	shalt  }
0x71: {  	_ =	shalt  }
0x72: {  	_ =	shalt  }
0x73: {  	_ =	shalt  }
0x74: {  	_ =	shalt  }
0x75: {  	_ =	shalt  }
0x76: {  	_ =	shalt  }
0x77: {  	_ =	shalt  }
0x78: {  	_ =	shalt  }
0x79: {  	_ =	shalt  }
0x7a: {  	_ =	shalt  }
0x7b: {  	_ =	shalt  }
0x7c: {  	_ =	shalt  }
0x7d: {  	_ =	shalt  }
0x7e: {  	_ =	shalt  }
0x7f: {  	_ =	shalt  }
0x80: {  	_ =	shalt  }
0x81: {  	_ =	shalt  }
0x82: {  	_ =	shalt  }
0x83: {  	_ =	shalt  }
0x84: {  	_ =	shalt  }
0x85: {  	_ =	shalt  }
0x86: {  	_ =	shalt  }
0x87: {  	_ =	shalt  }
.Lfunc_end0:
.L_simem_size_0:
called_computation.2_lowered:
.L_overlay_start_0:
0x88: {  	s2 =	sld [smem:$0x3FD9]  }
0x89: {  	s3 =	sld [smem:$0x3FFE];
	_ =	sdelay $0x1  }
0x8a: {  	s1 =	srdreg.scid  }
0x8b: {  	s0 =	sand.u32 $0x1, s1  }
0x8c: {  	s17 =	sshll.u32 s0, $0xA;
	s2 =	sadd.s32 s3, s2  }
0x8d: {  	s2 =	sadd.s32 s2, s17  }
0x8e: {  	[smem:$0x3FBE] =	sst s2  }
0x8f: {  	_ = 	snop  }
0x90: {  	s2 =	sld [smem:$0x3FD0];
	(tm) =	ssettm $0x1  }
0x91: {  	s18 =	sld [smem:$0x3FFB];
	_ =	sdelay $0x3  }
0x92: {  	_ =	strace s18  }
0x93: {  	s3 =	sld [smem:$0x3FFC];
	_ =	sdelay $0x3  }
0x94: {  	_ =	strace s3  }
0x95: {  	s3 =	sld [smem:$0x3FFD];
	_ =	sdelay $0x3  }
0x96: {  	_ =	strace s3  }
0x97: {  	_ =	strace $0x8FFFFFFF  }
0x98: {  	s19 =	sld [smem:$0x3FDB];
	_ =	sdelay $0x1  }
0x99: {  	s4 =	simm.s32 $_scs_section_size  }
0x9a: {  	s5 =	simm.s32 $_size__tile_overlayer_lowered;
	s6 =	simm.s32 $_tile_overlayer_lowered  }
0x9b: {  	s22 =	simm.s32 $0x1BFF;
	s21 =	sshll.u32 s6, $0x1;
	s3 =	sadd.s32 s4, s19  }
0x9c: {  	s7 =	simm.s32 $0x0;
	s20 =	sshll.u32 s5, $0x1;
	s5 =	sadd.s32 s21, s3  }
0x9d: {  	[timem:s7], [sflag:s22] =	dma.local [hbm:s5], s20  }
0x9e: {  	_ =	swait.ge [sflag:s22], s20  }
0x9f: {  	s4 =	ssub.s32 $0x0, s20;
	[sflag:s22] =	ssyncset.done $0x0  }
0xa0: {  	[sflag:s22] =	ssyncadd.s32 s4;
	_ =	sdelay $0x1  }
0xa1: {  	s23 =	simm.s32 $0x1B8B  }
0xa2: {  	_ =	swait.ge [sflag:s23], $0x1  }
0xa3: {  	[sflag:s23] =	ssyncset.done $0x0  }
0xa4: {  	s25 =	simm.s32 $0x1B8E;
	s24 =	sld [smem:$0x3FFE];
	[sflag:s23] =	ssyncadd.s32 $0xFFFFFFFF  }
0xa5: {  	s26 =	simm.s32 $execute0_lowered;
	[smem:$0x3FD2] =	sst s25  }
0xa6: {  	s5 =	sshll.u32 s26, $0x1;
	_ =	strace $0x8000004C;
	[dreg:$0x1] =	wrdreg $0xFFFFFFFF  }
0xa7: {  	s28 =	simm.s32 $_size_execute0_lowered;
	s3 =	sadd.s32 s3, s5;
	[dreg:$0x0] =	wrdreg $0x0  }
0xa8: {  	s5 =	sshll.u32 s28, $0x1;
	[dreg:$0x2] =	wrdreg s3  }
0xa9: {  	[dreg:$0x3] =	wrdreg s5  }
0xaa: {  	[dreg:$0x4] =	wrdreg $0xC0  }
0xab: {  	_ =	task [dreg:s7], $0x5FFFF  }
0xac: {  	[dreg:$0x1] =	wrdreg $0xFFFFFFFF  }
0xad: {  	[dreg:$0x0] =	wrdreg $0x60  }
0xae: {  	[dreg:$0x2] =	wrdreg s24  }
0xaf: {  	[dreg:$0x3] =	wrdreg s2  }
0xb0: {  	[dreg:$0x4] =	wrdreg $0x90000  }
0xb1: {  	[dreg:$0x5] =	wrdreg $0x9  }
0xb2: {  	_ =	task.clear_ibuf [dreg:s7], $0x6FFFF;
	_ =	strace $0x9000004C  }
0xb3: {  	s29 =	simm.s32 $0x9;
	_ =	strace $0x8000004E  }
0xb4: {  	_ =	swait.ge [sflag:s29], $0x1  }
0xb5: {  	[sflag:s29] =	ssyncadd.s32 $0xFFFFFFFF  }
0xb6: {  	_ =	strace $0x9000004E  }
0xb7: {  	_ =	sfence  }
0xb8: {  	s30 =	sld [smem:$0x0];
	_ =	sdelay $0x2  }
0xb9: {  	s31 =	sshll.u32 s1, $0xD;
	s1 =	sshrl.u32 s1, $0x2  }
0xba: {  	s3 =	sand.u32 $0x4000, s31;
	s1 =	sadd.s32 s1, s30  }
0xbb: {  	s0 =	sor.u32 s3, s0;
	s1 =	sshll.u32 s1, $0x11  }
0xbc: {  	s0 =	sor.u32 s1, s0  }
0xbd: {  	s0 =	sadd.s32 $0x8F2B, s0  }
0xbe: {  	[sflag:s0] =	ssyncadd.remote.s32 $0x1  }
0xbf: {  	_ =	sfence.sel $0xFFFF  }
0xc0: {  	[dreg:$0x0] =	wrdreg $0xFFFFFFFF;
	(pc) =	sbr.abs _section_cstart, $3  }
0xc1: {  	[dreg:$0x1] =	wrdreg $0xFFFFFFFF  }
0xc2: {  	_ =	task.clear_ibuf [dreg:s7], $0x2FFFF;
	_ =	strace $0x9FFFFFFF  }
0xc3: {  	(tm) =	ssettm $0x7FFFFFFF  }
tec
execute0_lowered:
.L_overlay_start_1:
0x0: {  	(tag) =	ssettag $0x1  }
0x1: {  	s7 =	rddreg [dreg:$0x0]  }
0x2: {  	s1 =	rddreg [dreg:$0x1]  }
0x3: {  	s2 =	rddreg [dreg:$0x2]  }
0x4: {  	s0 =	rddreg [dreg:$0x3]  }
0x5: {  	s4 =	simm.s32 $0x0;
	s5 =	srdreg.scid;
	s3 =	stileid.u32  }
0x6: {  	s17 =	simm.s32 $0x80;
	s18 =	simm.s32 $0x1000;
	s19 =	simm.s32 $0x1  }
0x7: {  	s20 =	simm.s32 $0x5000;
	s21 =	simm.s32 $0x3;
	s22 =	simm.s32 $0x2  }
0x8: {  	s23 =	simm.s32 $0x4;
	s24 =	simm.s32 $0x0;
	[smem:$0x7FF] =	sst s4  }
0x9: {  	s8 =	sand.u32 $0x1, s5;
	s9 =	smul.u32 $0x2800, s3;
	s5 =	sadd.s32 $0xD800, s7  }
0xa: {  	s14 =	smul.u32 $0x50000, s3;
	s31 =	sshll.u32 s3, $0x6;
	_ =	strace $0x8000004D  }
0xb: {  	s6 =	sshll.u32 s8, $0x4;
	s10 =	smul.u32 $0x28000, s8;
	s8 =	ssub.s32 $0x2, s8  }
0xc: {  	s11 =	sor.u32 s3, s6;
	s6 =	sadd.s32 $0x3800, s7;
	s13 =	sshrl.u32 s8, $0x1  }
0xd: {  	s30 =	sshrl.u32 s14, $0x2;
	s14 =	simm.s32 $0x800;
	s12 =	smul.u32 $0x500, s11  }
.Ltmp0:
0xe: {  	s10 =	sadd.s32 s9, s10;
	s9 =	sadd.s32 s9, s7;
	(pc) =	sbr.rel .LBB2_1-.Ltmp0, $4  }
0xf: {  	s13 =	ssub.s32 s8, s13;
	s16 =	sadd.s32 s30, s2;
	s15 =	sadd.s32 s10, s7  }
0x10: {  	s9 =	sadd.s32 $0x34A00, s9;
	s10 =	smul.u32 $0xA, s11;
	s16 =	sshrl.u32 s16, $0x3  }
0x11: {  	s7 =	sadd.s32 s6, s12;
	s8 =	sadd.s32 s1, s12;
	s11 =	sadd.s32 $0x5CA00, s15  }
0x12: {  	s12 =	smax.u32 s13, $0x1;
	s13 =	simm.s32 $0x7;
	s15 =	sor.u32 $0x1C07, s31  }
.LBB2_6:
0x13: {  	_ =	swait.ge [sflag:s23], $0x4000  }
0x14: {  	s24 =	sadd.s32 $0x1, s24;
	[sflag:s23] =	ssyncset.done $0x0  }
0x15: {  	p0 =	sne.s32 s24, s12;
	[sflag:s23] =	ssyncadd.s32 $0xFFFFC000  }
.Ltmp1:
0x16: {  	[bflag:$0x0] =	sbarrier.arrive $0xFFFF;
	(pc) =	sbr.rel @!p0 .LBB2_7-.Ltmp1, $4  }
0x17: {  	[hbm:s11], [sflag:s15] =	dma.local [spmem:s16], $0x2800  }
0x18: {  	_ =	swait.ge [sflag:s13], $0x2800  }
0x19: {  	[sflag:s13] =	ssyncset.done $0x0  }
0x1a: {  	[sflag:s13] =	ssyncadd.s32 $0xFFFFD800  }
.LBB2_1:
0x1b: {  	[tilespmem:s4], [sflag:$0x7] =	stream.linear.gather [hbm4b:s7+s4], $0x400, $0x38;
	[tilespmem:$0x1D000] =	vst v63  }
0x1c: {  	_ =	swait.ge [sflag:s13], $0x400  }
0x1d: {  	[sflag:s13] =	ssyncset.done $0x0  }
0x1e: {  	[sflag:s13] =	ssyncadd.s32 $0xFFFFFC00  }
0x1f: {  	[tilespmem:s14], [sflag:$0x7] =	stream.linear.gather [hbm4b:s8+s4], $0x400, $0x38;
	[tilespmem:$0x1D000] =	vst v63  }
0x20: {  	_ =	swait.ge [sflag:s13], $0x400  }
0x21: {  	[sflag:s13] =	ssyncset.done $0x0  }
0x22: {  	[sflag:s13] =	ssyncadd.s32 $0xFFFFFC00  }
0x23: {  	[spmem:s16], [sflag:s15] =	dma.local [hbm:s9], $0x2800  }
.Ltmp2:
0x24: {  	_ =	swait.ge [sflag:s13], $0x2800;
	(pc) =	sbr.rel .LBB2_2-.Ltmp2, $4  }
0x25: {  	[sflag:s13] =	ssyncset.done $0x0  }
0x26: {  	[sflag:s13] =	ssyncadd.s32 $0xFFFFD800  }
0x27: {  	s25 =	simm.s32 $0x0;
	[bflag:$0x0] =	sbarrier.arrive $0xFFFF  }
0x28: {  	[tilespmem:s18], [sflag:$0x1] =	stream.indirect.gather [hbm4b:s5+s17], $0x80, s4, s17, $0xb8;
	[tilespmem:$0x1D000] =	vst v63  }
.LBB2_4:
0x29: {  	s25 =	sadd.s32 @!p0 $0x1, s25  }
0x2a: {  	s25 =	simm.s32 @p0 $0x1  }
0x2b: {  	s29 =	sadd.s32 s10, s25  }
0x2c: {  	s29 =	sshll.u32 s29, $0x7  }
0x2d: {  	s29 =	sand.u32 $0x1FFFFF80, s29  }
0x2e: {  	s30 =	sshll.u32 s26, $0xA;
	s31 =	sadd.s32 s6, s29  }
0x2f: {  	[tilespmem:s30], [sflag:$0x5] =	stream.linear.gather [hbm4b:s31+s4], $0x400, $0x38;
	[tilespmem:$0x1D000] =	vst v63  }
0x30: {  	p0 =	por $0x0, $0x0;
	s29 =	sadd.s32 s1, s29;
	s30 =	sor.u32 $0x800, s30  }
0x31: {  	[tilespmem:s30], [sflag:$0x6] =	stream.linear.gather [hbm4b:s29+s4], $0x400, $0x38;
	[tilespmem:$0x1D000] =	vst v63  }
.LBB2_5:
0x32: {  	s28 =	sshll.u32 s28, $0xA  }
0x33: {  	s29 =	sor.u32 $0x80, s28  }
0x34: {  	[tilespmem:s20], [sflag:$0x2] =	stream.indirect.gather [hbm4b:s5+s17], $0x80, s29, s17, $0xb8;
	[tilespmem:$0x1D000] =	vst v63  }
0x35: {  	_ =	swait.ge [sflag:s19], $0x4000  }
0x36: {  	[sflag:s19] =	ssyncset.done $0x0  }
0x37: {  	s30 =	sor.u32 $0x800, s28;
	[sflag:s19] =	ssyncadd.s32 $0xFFFFC000  }
0x38: {  	[spmem:s2] =	stream.indirect.scatter.add.f32 [tilespmem:s18], [sflag:$0x3], $0x80, s30, s17, $0xb8;
	[tilespmem:$0x1D000] =	vst v63  }
0x39: {  	_ =	swait.ge [sflag:s21], $0x4000  }
0x3a: {  	[sflag:s21] =	ssyncset.done $0x0  }
0x3b: {  	s31 =	sor.u32 $0x100, s28;
	[sflag:s21] =	ssyncadd.s32 $0xFFFFC000  }
0x3c: {  	[tilespmem:s18], [sflag:$0x1] =	stream.indirect.gather [hbm4b:s5+s17], $0x80, s31, s17, $0xb8;
	[tilespmem:$0x1D000] =	vst v63  }
0x3d: {  	_ =	swait.ge [sflag:s22], $0x4000  }
0x3e: {  	[sflag:s22] =	ssyncset.done $0x0  }
0x3f: {  	s30 =	sor.u32 $0x880, s28;
	[sflag:s22] =	ssyncadd.s32 $0xFFFFC000  }
0x40: {  	[spmem:s2] =	stream.indirect.scatter.add.f32 [tilespmem:s20], [sflag:$0x4], $0x80, s30, s17, $0xb8;
	[tilespmem:$0x1D000] =	vst v63  }
0x41: {  	_ =	swait.ge [sflag:s23], $0x4000  }
0x42: {  	[sflag:s23] =	ssyncset.done $0x0  }
0x43: {  	s31 =	sor.u32 $0x180, s28;
	[sflag:s23] =	ssyncadd.s32 $0xFFFFC000  }
0x44: {  	[tilespmem:s20], [sflag:$0x2] =	stream.indirect.gather [hbm4b:s5+s17], $0x80, s31, s17, $0xb8;
	[tilespmem:$0x1D000] =	vst v63  }
0x45: {  	_ =	swait.ge [sflag:s19], $0x4000  }
0x46: {  	[sflag:s19] =	ssyncset.done $0x0  }
0x47: {  	s30 =	sor.u32 $0x900, s28;
	[sflag:s19] =	ssyncadd.s32 $0xFFFFC000  }
0x48: {  	[spmem:s2] =	stream.indirect.scatter.add.f32 [tilespmem:s18], [sflag:$0x3], $0x80, s30, s17, $0xb8;
	[tilespmem:$0x1D000] =	vst v63  }
0x49: {  	_ =	swait.ge [sflag:s21], $0x4000  }
0x4a: {  	[sflag:s21] =	ssyncset.done $0x0  }
0x4b: {  	s31 =	sor.u32 $0x200, s28;
	[sflag:s21] =	ssyncadd.s32 $0xFFFFC000  }
0x4c: {  	[tilespmem:s18], [sflag:$0x1] =	stream.indirect.gather [hbm4b:s5+s17], $0x80, s31, s17, $0xb8;
	[tilespmem:$0x1D000] =	vst v63  }
0x4d: {  	_ =	swait.ge [sflag:s22], $0x4000  }
0x4e: {  	[sflag:s22] =	ssyncset.done $0x0  }
0x4f: {  	s30 =	sor.u32 $0x980, s28;
	[sflag:s22] =	ssyncadd.s32 $0xFFFFC000  }
0x50: {  	[spmem:s2] =	stream.indirect.scatter.add.f32 [tilespmem:s20], [sflag:$0x4], $0x80, s30, s17, $0xb8;
	[tilespmem:$0x1D000] =	vst v63  }
0x51: {  	_ =	swait.ge [sflag:s23], $0x4000  }
0x52: {  	[sflag:s23] =	ssyncset.done $0x0  }
0x53: {  	s31 =	sor.u32 $0x280, s28;
	[sflag:s23] =	ssyncadd.s32 $0xFFFFC000  }
0x54: {  	[tilespmem:s20], [sflag:$0x2] =	stream.indirect.gather [hbm4b:s5+s17], $0x80, s31, s17, $0xb8;
	[tilespmem:$0x1D000] =	vst v63  }
0x55: {  	_ =	swait.ge [sflag:s19], $0x4000  }
0x56: {  	[sflag:s19] =	ssyncset.done $0x0  }
0x57: {  	s30 =	sor.u32 $0xA00, s28;
	[sflag:s19] =	ssyncadd.s32 $0xFFFFC000  }
0x58: {  	[spmem:s2] =	stream.indirect.scatter.add.f32 [tilespmem:s18], [sflag:$0x3], $0x80, s30, s17, $0xb8;
	[tilespmem:$0x1D000] =	vst v63  }
0x59: {  	_ =	swait.ge [sflag:s21], $0x4000  }
0x5a: {  	[sflag:s21] =	ssyncset.done $0x0  }
0x5b: {  	s31 =	sor.u32 $0x300, s28;
	[sflag:s21] =	ssyncadd.s32 $0xFFFFC000  }
0x5c: {  	[tilespmem:s18], [sflag:$0x1] =	stream.indirect.gather [hbm4b:s5+s17], $0x80, s31, s17, $0xb8;
	[tilespmem:$0x1D000] =	vst v63  }
0x5d: {  	_ =	swait.ge [sflag:s22], $0x4000  }
0x5e: {  	[sflag:s22] =	ssyncset.done $0x0  }
0x5f: {  	s30 =	sor.u32 $0xA80, s28;
	[sflag:s22] =	ssyncadd.s32 $0xFFFFC000  }
0x60: {  	[spmem:s2] =	stream.indirect.scatter.add.f32 [tilespmem:s20], [sflag:$0x4], $0x80, s30, s17, $0xb8;
	[tilespmem:$0x1D000] =	vst v63  }
0x61: {  	_ =	swait.ge [sflag:s23], $0x4000  }
0x62: {  	[sflag:s23] =	ssyncset.done $0x0  }
0x63: {  	s31 =	sor.u32 $0x380, s28;
	[sflag:s23] =	ssyncadd.s32 $0xFFFFC000  }
0x64: {  	[tilespmem:s20], [sflag:$0x2] =	stream.indirect.gather [hbm4b:s5+s17], $0x80, s31, s17, $0xb8;
	[tilespmem:$0x1D000] =	vst v63  }
0x65: {  	_ =	swait.ge [sflag:s19], $0x4000  }
0x66: {  	[sflag:s19] =	ssyncset.done $0x0  }
0x67: {  	s28 =	sor.u32 $0xB00, s28;
	[sflag:s19] =	ssyncadd.s32 $0xFFFFC000  }
0x68: {  	[spmem:s2] =	stream.indirect.scatter.add.f32 [tilespmem:s18], [sflag:$0x3], $0x80, s28, s17, $0xb8;
	[tilespmem:$0x1D000] =	vst v63  }
0x69: {  	s28 =	simm.s32 @p0 $0x3  }
0x6a: {  	_ =	swait.ge @p0 [sflag:s28], $0x4000  }
0x6b: {  	[sflag:s28] =	ssyncset.done @p0 $0x0  }
0x6c: {  	[sflag:s28] =	ssyncadd.s32 @p0 $0xFFFFC000;
	s28 =	simm.s32 @!p0 $0x5  }
0x6d: {  	_ =	swait.ge @!p0 [sflag:s28], $0x400  }
0x6e: {  	[sflag:s28] =	ssyncset.done @!p0 $0x0  }
0x6f: {  	[sflag:s28] =	ssyncadd.s32 @!p0 $0xFFFFFC00;
	s28 =	simm.s32 @!p0 $0x6  }
0x70: {  	_ =	swait.ge @!p0 [sflag:s28], $0x400  }
0x71: {  	[sflag:s28] =	ssyncset.done @!p0 $0x0  }
0x72: {  	[sflag:s28] =	ssyncadd.s32 @!p0 $0xFFFFFC00;
	s28 =	simm.s32 @!p0 $0x3  }
0x73: {  	_ =	swait.ge @!p0 [sflag:s28], $0x4000  }
0x74: {  	s26 =	sshll.u32 @!p0 s26, $0xA;
	[sflag:s28] =	ssyncset.done @!p0 $0x0  }
0x75: {  	s30 =	simm.s32 @!p0 $0x1000;
	[sflag:s28] =	ssyncadd.s32 @!p0 $0xFFFFC000;
	s28 =	simm.s32 @!p0 $0x80  }
0x76: {  	[tilespmem:s30], [sflag:$0x1] =	stream.indirect.gather @!p0 [hbm4b:s5+s28], $0x80, s26, s28, $0xb8;
	[tilespmem:$0x1D000] =	vst v63  }
0x77: {  	p0 =	slt.u32 s25, $0xA  }
.Ltmp3:
0x78: {  	_ = 	snop;
	(pc) =	sbr.rel @!p0 .LBB2_6-.Ltmp3, $4  }
0x79: {  	_ =	swait.ge [sflag:s22], $0x4000  }
0x7a: {  	[sflag:s22] =	ssyncset.done $0x0  }
0x7b: {  	s31 =	sor.u32 $0x800, s31;
	[sflag:s22] =	ssyncadd.s32 $0xFFFFC000  }
0x7c: {  	[spmem:s2] =	stream.indirect.scatter.add.f32 [tilespmem:s20], [sflag:$0x4], $0x80, s31, s17, $0xb8;
	[tilespmem:$0x1D000] =	vst v63  }
.LBB2_2:
0x7d: {  	p0 =	seq.s32 s25, $0x0  }
0x7e: {  	p1 =	seq.s32 @!p0 s25, $0x9  }
0x7f: {  	p1 =	por p0, !p1  }
.Ltmp4:
0x80: {  	_ = 	snop;
	(pc) =	sbr.rel @p1 .LBB2_4-.Ltmp4, $4  }
0x81: {  	s29 =	simm.s32 @!p0 $0x4  }
0x82: {  	_ =	swait.ge @!p0 [sflag:s29], $0x4000  }
0x83: {  	s28 =	sand.u32 $0x1, s25;
	[sflag:s29] =	ssyncset.done @!p0 $0x0  }
0x84: {  	s26 =	sxor.u32 $0x1, s28;
	[sflag:s29] =	ssyncadd.s32 @!p0 $0xFFFFC000  }
.Ltmp5:
0x85: {  	(pc) =	sbr.rel .LBB2_5-.Ltmp5, $2  }
0x86: {  	_ =	sdelay $0x2  }
0x87: {  	s25 =	simm.s32 @!p0 $0xA;
	p0 =	por @!p0 $0x1, $0x1  }
.LBB2_7:
0x88: {  	_ =	sfence.sel $0x180000  }
0x89: {  	[bflag:$0x0] =	sbarrier.arrive $0xFFFF  }
0x8a: {  	p0 =	sne.s32 s3, $0x0;
	_ =	strace $0x9000004D  }
0x8b: {  	s0 =	sadd.s32 @!p0 $0x100000, s0;
	[bflag:$0x2] =	sbarrier.arrive $0xFFFF  }
0x8c: {  	[sflag:s0] =	ssyncadd.tile.s32 @!p0 $0x1;
	_ =	shalt  }
.Lfunc_end2:
_tile_overlayer_lowered:
.L_overlay_start_2:
0x8d: {  	(tag) =	ssettag $0x2  }
0x8e: {  	s0 =	rddreg [dreg:$0x0];
	s2 =	stileid.u32  }
0x8f: {  	s1 =	rddreg [dreg:$0x1];
	p0 =	sne.s32 s2, $0x0  }
0x90: {  	s3 =	rddreg [dreg:$0x2];
	[bflag:$0x3] =	sbarrier.arrive $0xFFFF;
	s2 =	simm.s32 @!p0 $0x1C07  }
0x91: {  	[timem:s3], [sflag:s2] =	dma.local @!p0 [hbm:s0], s1  }
0x92: {  	s0 =	simm.s32 @!p0 $0x7  }
0x93: {  	_ =	swait.ge @!p0 [sflag:s0], s1  }
0x94: {  	s1 =	ssub.s32 @!p0 $0x0, s1;
	[sflag:s0] =	ssyncset.done @!p0 $0x0  }
0x95: {  	[sflag:s0] =	ssyncadd.s32 @!p0 s1  }
0x96: {  	[bflag:$0x3] =	sbarrier.arrive $0xFFFF  }
0x97: {  	_ =	shalt  }

// kernel: kernel.8.cloned.1.call-start
scs
__scs_entry_jumppad:
0x0: {  	(pc) =	sbr.rel $0x88, $3  }
0x1: {  	(tag) =	ssettag $0x0;
	lr =	simm.s32 $0x1  }
0x2: {  	[smem:$0x3F97] =	sst lr;
	_ =	strace $0xD0000000  }
0x3: {  	_ = 	snop  }
0x4: {  	_ = 	snop  }
0x5: {  	_ = 	snop  }
0x6: {  	_ = 	snop  }
0x7: {  	_ = 	snop  }
__scs_overlays_trampoline_lowered:
0x8: {  	[smem:$0x3FA6] =	sst s0  }
0x9: {  	[smem:$0x3FA7] =	sst s1  }
0xa: {  	[smem:$0x3FA8] =	sst s2  }
0xb: {  	[smem:$0x3FA9] =	sst s3  }
0xc: {  	[smem:$0x3FAA] =	sst s4  }
0xd: {  	[smem:$0x3FAB] =	sst s5  }
0xe: {  	[smem:$0x3FAC] =	sst s6  }
0xf: {  	[smem:$0x3FAD] =	sst s7  }
0x10: {  	[smem:$0x3FAE] =	sst s8  }
0x11: {  	[smem:$0x3FAF] =	sst s9;
	s0 =	simm.s32 @!p0 $0x0  }
0x12: {  	s1 =	sld [smem:$0x3F95];
	s0 =	simm.s32 @p0 $0x1  }
0x13: {  	[smem:$0x3FB0] =	sst s0;
	s0 =	simm.s32 @!p1 $0x0  }
0x14: {  	s2 =	sld [smem:$0x3F94];
	s0 =	simm.s32 @p1 $0x1  }
0x15: {  	[smem:$0x3FB1] =	sst s0;
	s0 =	simm.s32 @!p2 $0x0  }
0x16: {  	s3 =	sld [smem:$0x3FDB];
	s0 =	simm.s32 @p2 $0x1  }
0x17: {  	s4 =	simm.s32 $0x1BF5;
	[smem:$0x3FB3] =	sst s0  }
0x18: {  	s0 =	sld [smem:$0x3F96];
	_ =	swait.ge [sflag:s4], $0x0  }
0x19: {  	s7 =	sld [smem:$0x3F97]  }
0x1a: {  	s8 =	sadd.s32 $0xFFFFE003, lr  }
0x1b: {  	s9 =	sadd.s32 $0xFFFFFEF7, lr;
	s5 =	simm.s32 $0xFFFFFFFF;
	p2 =	slt.u32 s8, $0xFFFFF086  }
0x1c: {  	p1 =	slt.u32 s9, $0xF7A;
	s5 =	simm.s32 @!p2 $0x0  }
0x1d: {  	s5 =	simm.s32 @p1 $0x1;
	p0 =	seq.s32 s7, s2  }
0x1e: {  	s7 =	smul.u32 @!p0 $0xF7A, s2;
	p2 =	seq.s32 @!p0 s5, $0x0  }
0x1f: {  	s9 =	smul.u32 $0xF7A, s1;
	s8 =	simm.s32 @!p0 $0x1BF5;
	p2 =	por !p2, p0  }
0x20: {  	[sflag:s8] =	ssyncset.s32 @!p0 $0xFFFFF086;
	s6 =	sadd.s32 @!p0 s3, s7;
	s7 =	simm.s32 @!p0 $0x108  }
0x21: {  	s3 =	sadd.s32 s3, s9;
	s6 =	sadd.s32 @!p0 $0x88, s6;
	s7 =	simm.s32 @p2 $0x1082  }
0x22: {  	[simem:s7], [sflag:s8] =	dma.local @!p0 [hbm:s6], $0xF7A  }
0x23: {  	s9 =	sor.u32 $0xD0000000, s2;
	s6 =	simm.s32 $0x108;
	_ =	swait.ge @!p0 [sflag:s8], $0x0  }
0x24: {  	s3 =	sadd.s32 $0x88, s3;
	s6 =	simm.s32 @!p1 $0x1082;
	[sflag:s4] =	ssyncset.s32 $0xFFFFF086  }
0x25: {  	[simem:s6], [sflag:s4] =	dma.local [hbm:s3], $0xF7A  }
0x26: {  	[smem:$0x3F97] =	sst s1;
	(tag) =	ssettag s2;
	_ =	strace s9  }
0x27: {  	s1 =	sld [smem:$0x3FA7]  }
0x28: {  	s2 =	sld [smem:$0x3FA8]  }
0x29: {  	s4 =	sld [smem:$0x3FAA]  }
0x2a: {  	p0 =	seq.s32 s5, $0x0;
	s5 =	sld [smem:$0x3FAB]  }
0x2b: {  	s6 =	sld [smem:$0x3FAC]  }
0x2c: {  	s7 =	sld [smem:$0x3FAD]  }
0x2d: {  	s3 =	simm.s32 $0x108;
	s8 =	sld [smem:$0x3FAE]  }
0x2e: {  	s3 =	simm.s32 @!p0 $0x1082;
	s9 =	sld [smem:$0x3FAF]  }
0x2f: {  	lr =	sadd.s32 s0, s3;
	s0 =	sld [smem:$0x3FA6]  }
0x30: {  	s3 =	sld [smem:$0x3FA9]  }
0x31: {  	[smem:$0x3FB2] =	sst s10  }
0x32: {  	s10 =	sld [smem:$0x3FB0];
	_ =	sdelay $0x3  }
0x33: {  	p0 =	seq.s32 s10, $0x1;
	s10 =	sld [smem:$0x3FB2];
	_ =	sdelay $0x3  }
0x34: {  	[smem:$0x3FB2] =	sst s10  }
0x35: {  	s10 =	sld [smem:$0x3FB1];
	_ =	sdelay $0x3  }
0x36: {  	p1 =	seq.s32 s10, $0x1;
	s10 =	sld [smem:$0x3FB2];
	_ =	sdelay $0x3  }
0x37: {  	[smem:$0x3FB2] =	sst s10  }
0x38: {  	s10 =	sld [smem:$0x3FB3]  }
0x39: {  	_ = 	snop;
	(pc) =	sbr.ind lr, $3  }
0x3a: {  	_ = 	snop  }
0x3b: {  	_ = 	snop  }
0x3c: {  	p2 =	seq.s32 s10, $0x1;
	s10 =	sld [smem:$0x3FB2]  }
0x3d: {  	_ =	shalt  }
0x3e: {  	_ =	shalt  }
0x3f: {  	_ =	shalt  }
0x40: {  	_ =	shalt  }
0x41: {  	_ =	shalt  }
0x42: {  	_ =	shalt  }
0x43: {  	_ =	shalt  }
0x44: {  	_ =	shalt  }
0x45: {  	_ =	shalt  }
0x46: {  	_ =	shalt  }
0x47: {  	_ =	shalt  }
0x48: {  	_ =	shalt  }
0x49: {  	_ =	shalt  }
0x4a: {  	_ =	shalt  }
0x4b: {  	_ =	shalt  }
0x4c: {  	_ =	shalt  }
0x4d: {  	_ =	shalt  }
0x4e: {  	_ =	shalt  }
0x4f: {  	_ =	shalt  }
0x50: {  	_ =	shalt  }
0x51: {  	_ =	shalt  }
0x52: {  	_ =	shalt  }
0x53: {  	_ =	shalt  }
0x54: {  	_ =	shalt  }
0x55: {  	_ =	shalt  }
0x56: {  	_ =	shalt  }
0x57: {  	_ =	shalt  }
0x58: {  	_ =	shalt  }
0x59: {  	_ =	shalt  }
0x5a: {  	_ =	shalt  }
0x5b: {  	_ =	shalt  }
0x5c: {  	_ =	shalt  }
0x5d: {  	_ =	shalt  }
0x5e: {  	_ =	shalt  }
0x5f: {  	_ =	shalt  }
0x60: {  	_ =	shalt  }
0x61: {  	_ =	shalt  }
0x62: {  	_ =	shalt  }
0x63: {  	_ =	shalt  }
0x64: {  	_ =	shalt  }
0x65: {  	_ =	shalt  }
0x66: {  	_ =	shalt  }
0x67: {  	_ =	shalt  }
0x68: {  	_ =	shalt  }
0x69: {  	_ =	shalt  }
0x6a: {  	_ =	shalt  }
0x6b: {  	_ =	shalt  }
0x6c: {  	_ =	shalt  }
0x6d: {  	_ =	shalt  }
0x6e: {  	_ =	shalt  }
0x6f: {  	_ =	shalt  }
0x70: {  	_ =	shalt  }
0x71: {  	_ =	shalt  }
0x72: {  	_ =	shalt  }
0x73: {  	_ =	shalt  }
0x74: {  	_ =	shalt  }
0x75: {  	_ =	shalt  }
0x76: {  	_ =	shalt  }
0x77: {  	_ =	shalt  }
0x78: {  	_ =	shalt  }
0x79: {  	_ =	shalt  }
0x7a: {  	_ =	shalt  }
0x7b: {  	_ =	shalt  }
0x7c: {  	_ =	shalt  }
0x7d: {  	_ =	shalt  }
0x7e: {  	_ =	shalt  }
0x7f: {  	_ =	shalt  }
0x80: {  	_ =	shalt  }
0x81: {  	_ =	shalt  }
0x82: {  	_ =	shalt  }
0x83: {  	_ =	shalt  }
0x84: {  	_ =	shalt  }
0x85: {  	_ =	shalt  }
0x86: {  	_ =	shalt  }
0x87: {  	_ =	shalt  }
.Lfunc_end0:
.L_simem_size_0:
called_computation_lowered:
.L_overlay_start_0:
0x88: {  	s2 =	sld [smem:$0x3FD9]  }
0x89: {  	s3 =	sld [smem:$0x3FFE];
	_ =	sdelay $0x1  }
0x8a: {  	s1 =	srdreg.scid  }
0x8b: {  	s0 =	sand.u32 $0x1, s1  }
0x8c: {  	s17 =	sshll.u32 s0, $0xA;
	s2 =	sadd.s32 s3, s2  }
0x8d: {  	s2 =	sadd.s32 s2, s17  }
0x8e: {  	[smem:$0x3FBE] =	sst s2  }
0x8f: {  	_ = 	snop  }
0x90: {  	s2 =	sld [smem:$0x3FD0];
	(tm) =	ssettm $0x1  }
0x91: {  	s18 =	sld [smem:$0x3FFB];
	_ =	sdelay $0x3  }
0x92: {  	_ =	strace s18  }
0x93: {  	s3 =	sld [smem:$0x3FFC];
	_ =	sdelay $0x3  }
0x94: {  	_ =	strace s3  }
0x95: {  	s3 =	sld [smem:$0x3FFD];
	_ =	sdelay $0x3  }
0x96: {  	_ =	strace s3  }
0x97: {  	_ =	strace $0x8FFFFFFF  }
0x98: {  	s19 =	sld [smem:$0x3FDB];
	_ =	sdelay $0x1  }
0x99: {  	s4 =	simm.s32 $_scs_section_size  }
0x9a: {  	s5 =	simm.s32 $_size__tile_overlayer_lowered;
	s6 =	simm.s32 $_tile_overlayer_lowered  }
0x9b: {  	s22 =	simm.s32 $0x1BFF;
	s21 =	sshll.u32 s6, $0x1;
	s3 =	sadd.s32 s4, s19  }
0x9c: {  	s7 =	simm.s32 $0x0;
	s20 =	sshll.u32 s5, $0x1;
	s5 =	sadd.s32 s21, s3  }
0x9d: {  	[timem:s7], [sflag:s22] =	dma.local [hbm:s5], s20  }
0x9e: {  	_ =	swait.ge [sflag:s22], s20  }
0x9f: {  	s4 =	ssub.s32 $0x0, s20;
	[sflag:s22] =	ssyncset.done $0x0  }
0xa0: {  	[sflag:s22] =	ssyncadd.s32 s4;
	_ =	sdelay $0x1  }
0xa1: {  	s23 =	simm.s32 $0x1B8B  }
0xa2: {  	_ =	swait.ge [sflag:s23], $0x1  }
0xa3: {  	[sflag:s23] =	ssyncset.done $0x0  }
0xa4: {  	s25 =	simm.s32 $0x1B8E;
	s24 =	sld [smem:$0x3FFE];
	[sflag:s23] =	ssyncadd.s32 $0xFFFFFFFF  }
0xa5: {  	s26 =	simm.s32 $execute0_lowered;
	[smem:$0x3FD2] =	sst s25  }
0xa6: {  	s5 =	sshll.u32 s26, $0x1;
	_ =	strace $0x80000046;
	[dreg:$0x1] =	wrdreg $0xFFFFFFFF  }
0xa7: {  	s28 =	simm.s32 $_size_execute0_lowered;
	s3 =	sadd.s32 s3, s5;
	[dreg:$0x0] =	wrdreg $0x0  }
0xa8: {  	s5 =	sshll.u32 s28, $0x1;
	[dreg:$0x2] =	wrdreg s3  }
0xa9: {  	[dreg:$0x3] =	wrdreg s5  }
0xaa: {  	[dreg:$0x4] =	wrdreg $0xC0  }
0xab: {  	_ =	task [dreg:s7], $0x5FFFF  }
0xac: {  	[dreg:$0x1] =	wrdreg $0xFFFFFFFF  }
0xad: {  	[dreg:$0x0] =	wrdreg $0x60  }
0xae: {  	[dreg:$0x2] =	wrdreg s2  }
0xaf: {  	[dreg:$0x3] =	wrdreg s24  }
0xb0: {  	[dreg:$0x4] =	wrdreg $0x28800  }
0xb1: {  	[dreg:$0x5] =	wrdreg $0x9  }
0xb2: {  	_ =	task.clear_ibuf [dreg:s7], $0x6FFFF;
	_ =	strace $0x90000046  }
0xb3: {  	s29 =	simm.s32 $0x9;
	_ =	strace $0x80000048  }
0xb4: {  	_ =	swait.ge [sflag:s29], $0x1  }
0xb5: {  	[sflag:s29] =	ssyncadd.s32 $0xFFFFFFFF  }
0xb6: {  	_ =	strace $0x90000048  }
0xb7: {  	_ =	sfence  }
0xb8: {  	s30 =	sld [smem:$0x0];
	_ =	sdelay $0x2  }
0xb9: {  	s31 =	sshll.u32 s1, $0xD;
	s1 =	sshrl.u32 s1, $0x2  }
0xba: {  	s3 =	sand.u32 $0x4000, s31;
	s1 =	sadd.s32 s1, s30  }
0xbb: {  	s0 =	sor.u32 s3, s0;
	s1 =	sshll.u32 s1, $0x11  }
0xbc: {  	s0 =	sor.u32 s1, s0  }
0xbd: {  	s0 =	sadd.s32 $0x8F2B, s0  }
0xbe: {  	[sflag:s0] =	ssyncadd.remote.s32 $0x1  }
0xbf: {  	_ =	sfence.sel $0xFFFF  }
0xc0: {  	[dreg:$0x0] =	wrdreg $0xFFFFFFFF;
	(pc) =	sbr.abs _section_cstart, $3  }
0xc1: {  	[dreg:$0x1] =	wrdreg $0xFFFFFFFF  }
0xc2: {  	_ =	task.clear_ibuf [dreg:s7], $0x2FFFF;
	_ =	strace $0x9FFFFFFF  }
0xc3: {  	(tm) =	ssettm $0x7FFFFFFF  }
tec
execute0_lowered:
.L_overlay_start_1:
0x0: {  	(tag) =	ssettag $0x1  }
0x1: {  	s5 =	rddreg [dreg:$0x0]  }
0x2: {  	s6 =	rddreg [dreg:$0x1]  }
0x3: {  	s2 =	rddreg [dreg:$0x2]  }
0x4: {  	s0 =	rddreg [dreg:$0x3];
	s3 =	simm.s32 $0x0;
	s1 =	stileid.u32  }
0x5: {  	s4 =	srdreg.scid;
	s13 =	simm.s32 $0x80;
	s14 =	simm.s32 $0x0  }
0x6: {  	[smem:$0x7FF] =	sst s3;
	s7 =	smul.u32 $0x280, s1;
	s8 =	sand.u32 $0x1, s4  }
0x7: {  	s4 =	sadd.s32 $0x2C00, s6;
	s31 =	sshll.u32 s1, $0x6;
	_ =	strace $0x80000047  }
0x8: {  	s9 =	smul.u32 $0x2800, s8;
	s11 =	sshll.u32 s8, $0x4;
	s8 =	ssub.s32 $0x2, s8  }
0x9: {  	s10 =	sshrl.u32 s7, $0x3;
	s11 =	sor.u32 s1, s11;
	s12 =	sshrl.u32 s8, $0x1  }
0xa: {  	s30 =	sadd.s32 s7, s2;
	s9 =	sadd.s32 s7, s9;
	s11 =	smul.u32 $0x500, s11  }
0xb: {  	s10 =	sadd.s32 s10, s6;
	s8 =	ssub.s32 s8, s12;
	s9 =	sshrl.u32 s9, $0x3  }
0xc: {  	s12 =	sshrl.u32 s30, $0x3;
	s8 =	smax.u32 s8, $0x1;
	s9 =	sadd.s32 s9, s6  }
0xd: {  	s5 =	sadd.s32 s5, s11;
	s6 =	sadd.s32 $0x2600, s10;
	s10 =	simm.s32 $0x1  }
0xe: {  	s11 =	sor.u32 $0x1C01, s31;
	s7 =	sadd.s32 $0x2E00, s9;
	s9 =	simm.s32 $0x2800  }
.LBB2_1:
0xf: {  	[tilespmem:s9], [sflag:$0x1] =	stream.linear.gather [hbm4b:s4+s3], $0x80, $0x38;
	[tilespmem:$0x2B00] =	vst v63  }
0x10: {  	_ =	swait.ge [sflag:s10], $0x80  }
0x11: {  	[sflag:s10] =	ssyncset.done $0x0  }
0x12: {  	[sflag:s10] =	ssyncadd.s32 $0xFFFFFF80  }
0x13: {  	[tilespmem:s3], [sflag:$0x1] =	stream.linear.gather [hbm4b:s5+s3], $0x2800, $0x38;
	[tilespmem:$0x2B00] =	vst v63  }
0x14: {  	_ =	swait.ge [sflag:s10], $0x2800  }
0x15: {  	[sflag:s10] =	ssyncset.done $0x0  }
0x16: {  	[sflag:s10] =	ssyncadd.s32 $0xFFFFD800  }
0x17: {  	[spmem:s12], [sflag:s11] =	dma.local [hbm:s6], $0x50  }
0x18: {  	_ =	swait.ge [sflag:s10], $0x50  }
0x19: {  	[sflag:s10] =	ssyncset.done $0x0  }
0x1a: {  	[sflag:s10] =	ssyncadd.s32 $0xFFFFFFB0  }
0x1b: {  	s15 =	simm.s32 $0x0;
	[bflag:$0x0] =	sbarrier.arrive $0xFFFF  }
0x1c: {  	[spmem:s2] =	stream.indirect.scatter.add.f32 [tilespmem:s9], [sflag:$0x1], $0x1, s15, s13, $0xb8;
	[tilespmem:$0x2B00] =	vst v63  }
0x1d: {  	_ =	swait.ge [sflag:s10], $0x80  }
0x1e: {  	s15 =	simm.s32 $0x200;
	[sflag:s10] =	ssyncset.done $0x0  }
.LBB2_2:
0x1f: {  	s16 =	sshra.s32 s15, $0x2;
	[sflag:s10] =	ssyncadd.s32 $0xFFFFFF80;
	p0 =	sne.s32 s15, $0x9E00  }
0x20: {  	[spmem:s2] =	stream.indirect.scatter.add.f32 [tilespmem:s9], [sflag:$0x1], $0x1, s16, s13, $0xb8;
	[tilespmem:$0x2B00] =	vst v63  }
.Ltmp0:
0x21: {  	_ = 	snop;
	(pc) =	sbr.rel @p0 .LBB2_2-.Ltmp0, $4  }
0x22: {  	_ = 	snop  }
0x23: {  	s15 =	sadd.s32 $0x200, s15  }
0x24: {  	_ =	swait.ge [sflag:s10], $0x80  }
0x25: {  	[sflag:s10] =	ssyncset.done $0x0  }
0x26: {  	s14 =	sadd.s32 $0x1, s14  }
0x27: {  	[sflag:s10] =	ssyncadd.s32 $0xFFFFFF80;
	p0 =	sne.s32 s14, s8  }
.Ltmp1:
0x28: {  	[bflag:$0x0] =	sbarrier.arrive $0xFFFF;
	(pc) =	sbr.rel @p0 .LBB2_1-.Ltmp1, $4  }
0x29: {  	[hbm:s7], [sflag:s11] =	dma.local [spmem:s12], $0x50  }
0x2a: {  	_ =	swait.ge [sflag:s10], $0x50  }
0x2b: {  	[sflag:s10] =	ssyncset.done $0x0  }
0x2c: {  	[sflag:s10] =	ssyncadd.s32 $0xFFFFFFB0  }
0x2d: {  	_ =	sfence.sel $0x180000  }
0x2e: {  	[bflag:$0x0] =	sbarrier.arrive $0xFFFF  }
0x2f: {  	p0 =	sne.s32 s1, $0x0;
	_ =	strace $0x90000047  }
0x30: {  	s0 =	sadd.s32 @!p0 $0x100000, s0;
	[bflag:$0x2] =	sbarrier.arrive $0xFFFF  }
0x31: {  	[sflag:s0] =	ssyncadd.tile.s32 @!p0 $0x1;
	_ =	shalt  }
.Lfunc_end2:
_tile_overlayer_lowered:
.L_overlay_start_2:
0x32: {  	(tag) =	ssettag $0x2  }
0x33: {  	s0 =	rddreg [dreg:$0x0];
	s2 =	stileid.u32  }
0x34: {  	s1 =	rddreg [dreg:$0x1];
	p0 =	sne.s32 s2, $0x0  }
0x35: {  	s3 =	rddreg [dreg:$0x2];
	[bflag:$0x3] =	sbarrier.arrive $0xFFFF;
	s2 =	simm.s32 @!p0 $0x1C01  }
0x36: {  	[timem:s3], [sflag:s2] =	dma.local @!p0 [hbm:s0], s1  }
0x37: {  	s0 =	simm.s32 @!p0 $0x1  }
0x38: {  	_ =	swait.ge @!p0 [sflag:s0], s1  }
0x39: {  	s1 =	ssub.s32 @!p0 $0x0, s1;
	[sflag:s0] =	ssyncset.done @!p0 $0x0  }
0x3a: {  	[sflag:s0] =	ssyncadd.s32 @!p0 s1  }
0x3b: {  	[bflag:$0x3] =	sbarrier.arrive $0xFFFF  }
0x3c: {  	_ =	shalt  }

</sc_bundles>
